<compile_context>
chip_gen: v7x
topology: tpu7x:2x2x1
jax: 0.10.2.dev20260603
libtpu: 0.0.44.dev20260713+nightly
codegen_flags: <defaults>
</compile_context>

<pallas_src>
import functools

import jax
import jax.numpy as jnp
from jax import lax
from jax.experimental import pallas as pl
from jax.experimental.pallas import tpu as pltpu
from jax.experimental.pallas import tpu_sc as plsc

N_NODES = 10000
N_EDGES = 320000
D = 128

NC = 2
NS = 16
NW = NC * NS
K = 80
CH = 125
NB = 4
MI = 8
EPT = K * CH
NPAD = 10240
RPS = NPAD // NS

_mesh = plsc.VectorSubcoreMesh(core_axis_name="c", subcore_axis_name="s")


def _make_hist_kernel(offset):

    @functools.partial(
        pl.kernel,
        out_type=jax.ShapeDtypeStruct((NW, NPAD), jnp.int32),
        mesh=_mesh,
        scratch_types=[
            pltpu.VMEM((EPT,), jnp.int32),
            pltpu.VMEM((NPAD,), jnp.int32),
        ],
        compiler_params=pltpu.CompilerParams(needs_layout_passes=False),
    )
    def hist_kernel(edges_hbm, zeros_hbm, out_hbm, buf, hist):
        c = lax.axis_index("c")
        s = lax.axis_index("s")
        w = c * NS + s
        pltpu.sync_copy(edges_hbm.at[pl.ds(offset + w * EPT, EPT)], buf)
        pltpu.sync_copy(zeros_hbm, hist)
        ones = jnp.full((16,), 1, jnp.int32)

        def chunk(j, carry):
            for k in range(K // 16):
                v = buf[pl.ds(j * K + k * 16, 16)]
                plsc.addupdate_scatter(hist, [v], ones)
            return carry

        lax.fori_loop(0, CH, chunk, 0)
        pltpu.sync_copy(hist, out_hbm.at[w])
        return

    return hist_kernel


_src_hist_kernel = _make_hist_kernel(0)
_dst_hist_kernel = _make_hist_kernel(N_EDGES)


def _scale_body(feat_ref, degs_ref, out_ref):
    deg = jnp.sum(degs_ref[...], axis=0).astype(jnp.float32)
    norm = lax.rsqrt(jnp.maximum(deg, 1.0))
    out_ref[...] = feat_ref[...] * norm[:, None]


def _scale_kernel(feat_p, degs_src):
    rb = NPAD // 8
    return pl.pallas_call(
        _scale_body,
        grid=(8,),
        in_specs=[
            pl.BlockSpec((rb, D), lambda i: (i, 0)),
            pl.BlockSpec((NW, rb), lambda i: (0, i)),
        ],
        out_specs=pl.BlockSpec((rb, D), lambda i: (i, 0)),
        out_shape=jax.ShapeDtypeStruct((NPAD, D), jnp.float32),
    )(feat_p, degs_src)


def _normdst_body(degs_ref, out_ref):
    deg = jnp.sum(degs_ref[...], axis=0).astype(jnp.float32)
    out_ref[...] = lax.rsqrt(jnp.maximum(deg, 1.0))[:, None]


def _normdst_kernel(degs_dst):
    rb = NPAD // 8
    return pl.pallas_call(
        _normdst_body,
        grid=(8,),
        in_specs=[pl.BlockSpec((NW, rb), lambda i: (0, i))],
        out_specs=pl.BlockSpec((rb, 1), lambda i: (i, 0)),
        out_shape=jax.ShapeDtypeStruct((NPAD, 1), jnp.float32),
    )(degs_dst)


@functools.partial(
    pl.kernel,
    out_type=jax.ShapeDtypeStruct((NC, NPAD, D), jnp.float32),
    mesh=_mesh,
    scratch_types=[
        [pltpu.VMEM((K, D), jnp.float32) for _ in range(NB)],
        [pltpu.VMEM((K,), jnp.int32) for _ in range(MI)],
        [pltpu.VMEM((K,), jnp.int32) for _ in range(MI)],
        pltpu.VMEM_SHARED((NPAD, D), jnp.float32),
        pltpu.VMEM((32, D), jnp.float32),
        [pltpu.SemaphoreType.DMA for _ in range(NB)],
        [pltpu.SemaphoreType.DMA for _ in range(NB)],
        [pltpu.SemaphoreType.DMA for _ in range(MI)],
    ],
    compiler_params=pltpu.CompilerParams(needs_layout_passes=False),
)
def _agg_kernel(feat_hbm, edges_hbm, out_hbm,
                rows, isrc, idst, agg, zbuf, sem_g, sem_s, sem_i):
    c = lax.axis_index("c")
    s = lax.axis_index("s")
    w = c * NS + s

    def start_idx(slot, j):
        base = w * EPT + j * K
        pltpu.async_copy(edges_hbm.at[pl.ds(base, K)], isrc[slot], sem_i[slot])
        pltpu.async_copy(edges_hbm.at[pl.ds(N_EDGES + base, K)], idst[slot],
                         sem_i[slot])

    def wait_idx(slot, j):
        base = w * EPT + j * K
        pltpu.make_async_copy(edges_hbm.at[pl.ds(base, K)], isrc[slot],
                              sem_i[slot]).wait()
        pltpu.make_async_copy(edges_hbm.at[pl.ds(N_EDGES + base, K)],
                              idst[slot], sem_i[slot]).wait()

    def maybe_when(cond, fn):
        if isinstance(cond, bool):
            if cond:
                fn()
        else:
            pl.when(cond)(fn)

    def chunk_step(j4, b, slot):
        pltpu.make_async_copy(feat_hbm.at[isrc[slot]], rows[b], sem_g[b]).wait()
        pltpu.async_copy(rows[b], agg.at[idst[slot]], sem_s[b], add=True)
        bp = (b - 1) % NB
        sp = (slot - 1) % MI

        def after_first():
            pltpu.make_async_copy(rows[bp], agg.at[idst[sp]], sem_s[bp]).wait()
            maybe_when(j4 + MI - 1 < CH, lambda: start_idx(sp, j4 + MI - 1))

            def prefetch_gather():
                sn = (slot + NB - 1) % MI
                wait_idx(sn, j4 + NB - 1)
                pltpu.async_copy(feat_hbm.at[isrc[sn]], rows[bp], sem_g[bp])

            maybe_when(j4 + NB - 1 < CH, prefetch_gather)

        if isinstance(j4, int) or b == 0:
            maybe_when(j4 >= 1, after_first)
        else:
            after_first()

        def first_chunk():
            start_idx(MI - 1, MI - 1)
            wait_idx(NB - 1, NB - 1)
            pltpu.async_copy(feat_hbm.at[isrc[NB - 1]], rows[NB - 1],
                             sem_g[NB - 1])

        if b == 0:
            maybe_when(j4 == 0, first_chunk)

    zf = jnp.zeros((16,), jnp.float32)

    def zrow(r, carry):
        for k in range(D // 16):
            zbuf[r, pl.ds(k * 16, 16)] = zf
        return carry

    lax.fori_loop(0, 32, zrow, 0)

    def zcopy(t, carry):
        pltpu.sync_copy(zbuf, agg.at[pl.ds(s * RPS + t * 32, 32)])
        return carry

    lax.fori_loop(0, RPS // 32, zcopy, 0)
    plsc.subcore_barrier()

    for t in range(MI - 1):
        start_idx(t, t)
    for t in range(NB - 1):
        wait_idx(t, t)
        pltpu.async_copy(feat_hbm.at[isrc[t]], rows[t], sem_g[t])

    def body(j, carry):
        for b in range(MI):
            chunk_step(j * MI + b, b % NB, b)
        return carry

    lax.fori_loop(0, CH // MI, body, 0)
    for j4 in range((CH // MI) * MI, CH):
        chunk_step(j4, j4 % NB, j4 % MI)
    last = CH - 1
    pltpu.make_async_copy(rows[last % NB], agg.at[idst[last % MI]],
                          sem_s[last % NB]).wait()
    plsc.subcore_barrier()
    pltpu.sync_copy(agg.at[pl.ds(s * RPS, RPS)], out_hbm.at[c, pl.ds(s * RPS, RPS)])


def _final_body(aggs_ref, w_ref, b_ref, norm_ref, out_ref):
    agg = aggs_ref[0] + aggs_ref[1]
    h = jnp.dot(agg, w_ref[...], preferred_element_type=jnp.float32)
    out_ref[...] = h * norm_ref[...] + b_ref[...]


def _final_kernel(aggs, W, b2d, norm_dst):
    rb = N_NODES // 5
    return pl.pallas_call(
        _final_body,
        grid=(5,),
        in_specs=[
            pl.BlockSpec((NC, rb, D), lambda i: (0, i, 0)),
            pl.BlockSpec((D, D), lambda i: (0, 0)),
            pl.BlockSpec((1, D), lambda i: (0, 0)),
            pl.BlockSpec((rb, 1), lambda i: (i, 0)),
        ],
        out_specs=pl.BlockSpec((rb, D), lambda i: (i, 0)),
        out_shape=jax.ShapeDtypeStruct((N_NODES, D), jnp.float32),
    )(aggs, W, b2d, norm_dst)


def kernel(feat, edge_index, W, b):
    edges = edge_index.astype(jnp.int32).reshape(2 * N_EDGES)
    feat_p = jnp.pad(feat, ((0, NPAD - N_NODES), (0, 0)))
    zeros_i = jnp.zeros((NPAD,), jnp.int32)

    degs_src = _src_hist_kernel(edges, zeros_i)
    feat_src = _scale_kernel(feat_p, degs_src)
    degs_dst = _dst_hist_kernel(edges, zeros_i)
    norm_dst = _normdst_kernel(degs_dst)
    aggs = _agg_kernel(feat_src, edges)
    return _final_kernel(aggs, W, b.reshape(1, D), norm_dst)

# --- scband reference (transcript-rebuilt; emitter-appended) ---
"""Pipeline reference for scband-gcnconv-37056977830252 (READ-ONLY COPY).

The authoritative reference and input builder live on the scoring server;
editing this copy changes nothing except your own understanding.
"""

import jax, jax.numpy as jnp
import numpy as np

N_NODES = 10000
N_EDGES = 320000
D_IN = 128
D_OUT = 128


def setup_inputs(seed: int = 0) -> dict:
    key = jax.random.key(seed)
    k1, k2, k3 = jax.random.split(key, 3)
    feat = jax.random.normal(k1, (N_NODES, D_IN), dtype=jnp.float32)
    edge_index = jax.random.randint(k2, (2, N_EDGES), 0, N_NODES, dtype=jnp.int64)
    # xavier uniform init for weight, zeros for bias (matches reset_parameters)
    a = float(np.sqrt(6.0 / (D_IN + D_OUT)))
    W = jax.random.uniform(k3, (D_IN, D_OUT), dtype=jnp.float32, minval=-a, maxval=a)
    b = jnp.zeros((D_OUT,), dtype=jnp.float32)
    return {"feat": feat, "edge_index": edge_index, "W": W, "b": b}


def reference(feat, edge_index, W, b):
    # DGL GCNConv with norm='both', in_feats == out_feats (so aggregate-then-matmul branch)
    src = edge_index[0]
    dst = edge_index[1]
    n = feat.shape[0]
    # symmetric normalization: scale sources by out_degree^{-0.5}
    deg_out = jnp.bincount(src, length=n).astype(jnp.float32)
    deg_out = jnp.clip(deg_out, 1.0, None)
    norm_src = jnp.power(deg_out, -0.5)[:, None]
    feat_src = feat * norm_src
    # message passing: copy_u + sum -> scatter-add of gathered source features onto dst
    msgs = jnp.take(feat_src, src, axis=0)
    agg = jax.ops.segment_sum(msgs, dst, num_segments=n)
    # in_feats == out_feats -> aggregate first, then matmul
    rst = jnp.matmul(agg, W)
    # scale destinations by in_degree^{-0.5}
    deg_in = jnp.bincount(dst, length=n).astype(jnp.float32)
    deg_in = jnp.clip(deg_in, 1.0, None)
    norm_dst = jnp.power(deg_in, -0.5)[:, None]
    rst = rst * norm_dst
    rst = rst + b
    return rst

if __name__ == "__main__":
    import jax
    _d = setup_inputs()
    print(jax.jit(kernel)(*tuple(_d.values())))

</pallas_src>

<mosaic_0001>
#map = affine_map<(d0, d1) -> (0)>
#map1 = affine_map<(d0, d1) -> (0, 0)>
module attributes {stable_mosaic.version = 14 : i64} {
  func.func @hist_kernel(%arg0: i32, %arg1: i32, %arg2: memref<640000xi32, #tpu.memory_space<hbm>>, %arg3: memref<10240xi32, #tpu.memory_space<hbm>>, %arg4: memref<32x10240xi32, #tpu.memory_space<hbm>>, %arg5: memref<10000xi32, #tpu.memory_space<vmem>>, %arg6: memref<10240xi32, #tpu.memory_space<vmem>>) attributes {dimension_semantics = [#tpu.dimension_semantics<core_parallel>, #tpu.dimension_semantics<subcore_parallel>], iteration_bounds = array<i64: 2, 16>, scalar_prefetch = 0 : i64, scratch_operands = 2 : i64, tpu.core_type = #tpu.core_type<sc_vector_subcore>, window_params = [{transform_indices = #map}, {transform_indices = #map}, {transform_indices = #map1}]} {
    %mul3A = arith.constant 16 : i32
    %mul3A_0 = arith.muli %arg0, %mul3A : i32
    %add3A = arith.addi %mul3A_0, %arg1 : i32
    %mul3A_1 = arith.constant 10000 : i32
    %mul3A_2 = arith.muli %add3A, %mul3A_1 : i32
    %add3A_3 = arith.constant 320000 : i32
    %add3A_4 = arith.addi %add3A_3, %mul3A_2 : i32
    "tpu.region"() ({
      %run_scoped3A = tpu.sem_alloc : memref<!tpu.dma_semaphore, #tpu.memory_space<semaphore_mem>>
      %dma_start3A = tpu.memref_slice %arg2[%add3A_4] : memref<640000xi32, #tpu.memory_space<hbm>> -> memref<10000xi32, #tpu.memory_space<hbm>>
      %dma_start3A_11 = tpu.memref_slice %arg2[%add3A_4] : memref<640000xi32, #tpu.memory_space<hbm>> -> memref<10000xi32, #tpu.memory_space<hbm>>
      tpu.enqueue_dma source(%dma_start3A_11 : memref<10000xi32, #tpu.memory_space<hbm>>) target(%arg5 : memref<10000xi32, #tpu.memory_space<vmem>>) target_semaphore(%run_scoped3A : memref<!tpu.dma_semaphore, #tpu.memory_space<semaphore_mem>>)
      %dma_wait3A = tpu.memref_slice %arg2[%add3A_4] : memref<640000xi32, #tpu.memory_space<hbm>> -> memref<10000xi32, #tpu.memory_space<hbm>>
      %dma_wait3A_12 = tpu.memref_slice %arg2[%add3A_4] : memref<640000xi32, #tpu.memory_space<hbm>> -> memref<10000xi32, #tpu.memory_space<hbm>>
      tpu.wait_dma2 semaphore(%run_scoped3A : memref<!tpu.dma_semaphore, #tpu.memory_space<semaphore_mem>>) src(%dma_wait3A_12 : memref<10000xi32, #tpu.memory_space<hbm>>) dst(%arg5 : memref<10000xi32, #tpu.memory_space<vmem>>)
      tpu.yield
    }) : () -> ()
    "tpu.region"() ({
      %run_scoped3A = tpu.sem_alloc : memref<!tpu.dma_semaphore, #tpu.memory_space<semaphore_mem>>
      tpu.enqueue_dma source(%arg3 : memref<10240xi32, #tpu.memory_space<hbm>>) target(%arg6 : memref<10240xi32, #tpu.memory_space<vmem>>) target_semaphore(%run_scoped3A : memref<!tpu.dma_semaphore, #tpu.memory_space<semaphore_mem>>)
      tpu.wait_dma2 semaphore(%run_scoped3A : memref<!tpu.dma_semaphore, #tpu.memory_space<semaphore_mem>>) src(%arg3 : memref<10240xi32, #tpu.memory_space<hbm>>) dst(%arg6 : memref<10240xi32, #tpu.memory_space<vmem>>)
      tpu.yield
    }) : () -> ()
    %broadcast_in_dim3A = arith.constant 1 : i32
    %broadcast_in_dim3A_5 = vector.broadcast %broadcast_in_dim3A : i32 to vector<16xi32>
    %scan3A = arith.constant 0 : i32
    %scan3A_6 = arith.constant 0 : i32
    %scan3A_7 = arith.constant 125 : i32
    %scan3A_8 = arith.addi %scan3A_6, %scan3A_7 : i32
    %scan3A_9 = arith.constant 1 : i32
    scf.for %scan3A_11 = %scan3A_6 to %scan3A_8 step %scan3A_9  : i32 {
      %mul3A_12 = arith.constant 80 : i32
      %mul3A_13 = arith.muli %scan3A_11, %mul3A_12 : i32
      %add3A_14 = arith.constant 0 : i32
      %add3A_15 = arith.addi %mul3A_13, %add3A_14 : i32
      %get3A = arith.index_cast %add3A_15 : i32 to index
      %get3A_16 = tpu.vector_load %arg5[%get3A] {strides = array<i32>} : memref<10000xi32, #tpu.memory_space<vmem>>, vector<16xi32>,
      tpu.vector_store_idx %arg6[%get3A_16], %broadcast_in_dim3A_5 {add = true} : memref<10240xi32, #tpu.memory_space<vmem>>[vector<16xi32>], vector<16xi32>,
      %mul3A_17 = arith.constant 80 : i32
      %mul3A_18 = arith.muli %scan3A_11, %mul3A_17 : i32
      %add3A_19 = arith.constant 16 : i32
      %add3A_20 = arith.addi %mul3A_18, %add3A_19 : i32
      %get3A_21 = arith.index_cast %add3A_20 : i32 to index
      %get3A_22 = tpu.vector_load %arg5[%get3A_21] {strides = array<i32>} : memref<10000xi32, #tpu.memory_space<vmem>>, vector<16xi32>,
      tpu.vector_store_idx %arg6[%get3A_22], %broadcast_in_dim3A_5 {add = true} : memref<10240xi32, #tpu.memory_space<vmem>>[vector<16xi32>], vector<16xi32>,
      %mul3A_23 = arith.constant 80 : i32
      %mul3A_24 = arith.muli %scan3A_11, %mul3A_23 : i32
      %add3A_25 = arith.constant 32 : i32
      %add3A_26 = arith.addi %mul3A_24, %add3A_25 : i32
      %get3A_27 = arith.index_cast %add3A_26 : i32 to index
      %get3A_28 = tpu.vector_load %arg5[%get3A_27] {strides = array<i32>} : memref<10000xi32, #tpu.memory_space<vmem>>, vector<16xi32>,
      tpu.vector_store_idx %arg6[%get3A_28], %broadcast_in_dim3A_5 {add = true} : memref<10240xi32, #tpu.memory_space<vmem>>[vector<16xi32>], vector<16xi32>,
      %mul3A_29 = arith.constant 80 : i32
      %mul3A_30 = arith.muli %scan3A_11, %mul3A_29 : i32
      %add3A_31 = arith.constant 48 : i32
      %add3A_32 = arith.addi %mul3A_30, %add3A_31 : i32
      %get3A_33 = arith.index_cast %add3A_32 : i32 to index
      %get3A_34 = tpu.vector_load %arg5[%get3A_33] {strides = array<i32>} : memref<10000xi32, #tpu.memory_space<vmem>>, vector<16xi32>,
      tpu.vector_store_idx %arg6[%get3A_34], %broadcast_in_dim3A_5 {add = true} : memref<10240xi32, #tpu.memory_space<vmem>>[vector<16xi32>], vector<16xi32>,
      %mul3A_35 = arith.constant 80 : i32
      %mul3A_36 = arith.muli %scan3A_11, %mul3A_35 : i32
      %add3A_37 = arith.constant 64 : i32
      %add3A_38 = arith.addi %mul3A_36, %add3A_37 : i32
      %get3A_39 = arith.index_cast %add3A_38 : i32 to index
      %get3A_40 = tpu.vector_load %arg5[%get3A_39] {strides = array<i32>} : memref<10000xi32, #tpu.memory_space<vmem>>, vector<16xi32>,
      tpu.vector_store_idx %arg6[%get3A_40], %broadcast_in_dim3A_5 {add = true} : memref<10240xi32, #tpu.memory_space<vmem>>[vector<16xi32>], vector<16xi32>,
    }
    %scan3A_10 = arith.constant 125 : i32
    "tpu.region"() ({
      %run_scoped3A = tpu.sem_alloc : memref<!tpu.dma_semaphore, #tpu.memory_space<semaphore_mem>>
      %dma_start3A = arith.constant 0 : i32
      %dma_start3A_11 = tpu.memref_slice %arg4[%add3A, %dma_start3A] : memref<32x10240xi32, #tpu.memory_space<hbm>> -> memref<1x10240xi32, #tpu.memory_space<hbm>>
      %dma_start3A_12 = tpu.memref_squeeze %dma_start3A_11 : memref<1x10240xi32, #tpu.memory_space<hbm>> -> memref<10240xi32, #tpu.memory_space<hbm>>
      %dma_start3A_13 = arith.constant 0 : i32
      %dma_start3A_14 = tpu.memref_slice %arg4[%add3A, %dma_start3A_13] : memref<32x10240xi32, #tpu.memory_space<hbm>> -> memref<1x10240xi32, #tpu.memory_space<hbm>>
      %dma_start3A_15 = tpu.memref_squeeze %dma_start3A_14 : memref<1x10240xi32, #tpu.memory_space<hbm>> -> memref<10240xi32, #tpu.memory_space<hbm>>
      tpu.enqueue_dma source(%arg6 : memref<10240xi32, #tpu.memory_space<vmem>>) target(%dma_start3A_15 : memref<10240xi32, #tpu.memory_space<hbm>>) target_semaphore(%run_scoped3A : memref<!tpu.dma_semaphore, #tpu.memory_space<semaphore_mem>>)
      %dma_wait3A = arith.constant 0 : i32
      %dma_wait3A_16 = tpu.memref_slice %arg4[%add3A, %dma_wait3A] : memref<32x10240xi32, #tpu.memory_space<hbm>> -> memref<1x10240xi32, #tpu.memory_space<hbm>>
      %dma_wait3A_17 = tpu.memref_squeeze %dma_wait3A_16 : memref<1x10240xi32, #tpu.memory_space<hbm>> -> memref<10240xi32, #tpu.memory_space<hbm>>
      %dma_wait3A_18 = arith.constant 0 : i32
      %dma_wait3A_19 = tpu.memref_slice %arg4[%add3A, %dma_wait3A_18] : memref<32x10240xi32, #tpu.memory_space<hbm>> -> memref<1x10240xi32, #tpu.memory_space<hbm>>
      %dma_wait3A_20 = tpu.memref_squeeze %dma_wait3A_19 : memref<1x10240xi32, #tpu.memory_space<hbm>> -> memref<10240xi32, #tpu.memory_space<hbm>>
      tpu.wait_dma2 semaphore(%run_scoped3A : memref<!tpu.dma_semaphore, #tpu.memory_space<semaphore_mem>>) src(%arg6 : memref<10240xi32, #tpu.memory_space<vmem>>) dst(%dma_wait3A_20 : memref<10240xi32, #tpu.memory_space<hbm>>)
      tpu.yield
    }) : () -> ()
    return
  }
}

#map = affine_map<(d0, d1) -> (0)>
#map1 = affine_map<(d0, d1) -> (0, 0)>
module attributes {stable_mosaic.version = 14 : i64} {
  func.func @hist_kernel(%arg0: i32, %arg1: i32, %arg2: memref<640000xi32, #tpu.memory_space<hbm>>, %arg3: memref<10240xi32, #tpu.memory_space<hbm>>, %arg4: memref<32x10240xi32, #tpu.memory_space<hbm>>, %arg5: memref<10000xi32, #tpu.memory_space<vmem>>, %arg6: memref<10240xi32, #tpu.memory_space<vmem>>) attributes {dimension_semantics = [#tpu.dimension_semantics<core_parallel>, #tpu.dimension_semantics<subcore_parallel>], iteration_bounds = array<i64: 2, 16>, scalar_prefetch = 0 : i64, scratch_operands = 2 : i64, tpu.core_type = #tpu.core_type<sc_vector_subcore>, window_params = [{transform_indices = #map}, {transform_indices = #map}, {transform_indices = #map1}]} {
    %mul3A = arith.constant 16 : i32
    %mul3A_0 = arith.muli %arg0, %mul3A : i32
    %add3A = arith.addi %mul3A_0, %arg1 : i32
    %mul3A_1 = arith.constant 10000 : i32
    %mul3A_2 = arith.muli %add3A, %mul3A_1 : i32
    %add3A_3 = arith.constant 0 : i32
    %add3A_4 = arith.addi %add3A_3, %mul3A_2 : i32
    "tpu.region"() ({
      %run_scoped3A = tpu.sem_alloc : memref<!tpu.dma_semaphore, #tpu.memory_space<semaphore_mem>>
      %dma_start3A = tpu.memref_slice %arg2[%add3A_4] : memref<640000xi32, #tpu.memory_space<hbm>> -> memref<10000xi32, #tpu.memory_space<hbm>>
      %dma_start3A_11 = tpu.memref_slice %arg2[%add3A_4] : memref<640000xi32, #tpu.memory_space<hbm>> -> memref<10000xi32, #tpu.memory_space<hbm>>
      tpu.enqueue_dma source(%dma_start3A_11 : memref<10000xi32, #tpu.memory_space<hbm>>) target(%arg5 : memref<10000xi32, #tpu.memory_space<vmem>>) target_semaphore(%run_scoped3A : memref<!tpu.dma_semaphore, #tpu.memory_space<semaphore_mem>>)
      %dma_wait3A = tpu.memref_slice %arg2[%add3A_4] : memref<640000xi32, #tpu.memory_space<hbm>> -> memref<10000xi32, #tpu.memory_space<hbm>>
      %dma_wait3A_12 = tpu.memref_slice %arg2[%add3A_4] : memref<640000xi32, #tpu.memory_space<hbm>> -> memref<10000xi32, #tpu.memory_space<hbm>>
      tpu.wait_dma2 semaphore(%run_scoped3A : memref<!tpu.dma_semaphore, #tpu.memory_space<semaphore_mem>>) src(%dma_wait3A_12 : memref<10000xi32, #tpu.memory_space<hbm>>) dst(%arg5 : memref<10000xi32, #tpu.memory_space<vmem>>)
      tpu.yield
    }) : () -> ()
    "tpu.region"() ({
      %run_scoped3A = tpu.sem_alloc : memref<!tpu.dma_semaphore, #tpu.memory_space<semaphore_mem>>
      tpu.enqueue_dma source(%arg3 : memref<10240xi32, #tpu.memory_space<hbm>>) target(%arg6 : memref<10240xi32, #tpu.memory_space<vmem>>) target_semaphore(%run_scoped3A : memref<!tpu.dma_semaphore, #tpu.memory_space<semaphore_mem>>)
      tpu.wait_dma2 semaphore(%run_scoped3A : memref<!tpu.dma_semaphore, #tpu.memory_space<semaphore_mem>>) src(%arg3 : memref<10240xi32, #tpu.memory_space<hbm>>) dst(%arg6 : memref<10240xi32, #tpu.memory_space<vmem>>)
      tpu.yield
    }) : () -> ()
    %broadcast_in_dim3A = arith.constant 1 : i32
    %broadcast_in_dim3A_5 = vector.broadcast %broadcast_in_dim3A : i32 to vector<16xi32>
    %scan3A = arith.constant 0 : i32
    %scan3A_6 = arith.constant 0 : i32
    %scan3A_7 = arith.constant 125 : i32
    %scan3A_8 = arith.addi %scan3A_6, %scan3A_7 : i32
    %scan3A_9 = arith.constant 1 : i32
    scf.for %scan3A_11 = %scan3A_6 to %scan3A_8 step %scan3A_9  : i32 {
      %mul3A_12 = arith.constant 80 : i32
      %mul3A_13 = arith.muli %scan3A_11, %mul3A_12 : i32
      %add3A_14 = arith.constant 0 : i32
      %add3A_15 = arith.addi %mul3A_13, %add3A_14 : i32
      %get3A = arith.index_cast %add3A_15 : i32 to index
      %get3A_16 = tpu.vector_load %arg5[%get3A] {strides = array<i32>} : memref<10000xi32, #tpu.memory_space<vmem>>, vector<16xi32>,
      tpu.vector_store_idx %arg6[%get3A_16], %broadcast_in_dim3A_5 {add = true} : memref<10240xi32, #tpu.memory_space<vmem>>[vector<16xi32>], vector<16xi32>,
      %mul3A_17 = arith.constant 80 : i32
      %mul3A_18 = arith.muli %scan3A_11, %mul3A_17 : i32
      %add3A_19 = arith.constant 16 : i32
      %add3A_20 = arith.addi %mul3A_18, %add3A_19 : i32
      %get3A_21 = arith.index_cast %add3A_20 : i32 to index
      %get3A_22 = tpu.vector_load %arg5[%get3A_21] {strides = array<i32>} : memref<10000xi32, #tpu.memory_space<vmem>>, vector<16xi32>,
      tpu.vector_store_idx %arg6[%get3A_22], %broadcast_in_dim3A_5 {add = true} : memref<10240xi32, #tpu.memory_space<vmem>>[vector<16xi32>], vector<16xi32>,
      %mul3A_23 = arith.constant 80 : i32
      %mul3A_24 = arith.muli %scan3A_11, %mul3A_23 : i32
      %add3A_25 = arith.constant 32 : i32
      %add3A_26 = arith.addi %mul3A_24, %add3A_25 : i32
      %get3A_27 = arith.index_cast %add3A_26 : i32 to index
      %get3A_28 = tpu.vector_load %arg5[%get3A_27] {strides = array<i32>} : memref<10000xi32, #tpu.memory_space<vmem>>, vector<16xi32>,
      tpu.vector_store_idx %arg6[%get3A_28], %broadcast_in_dim3A_5 {add = true} : memref<10240xi32, #tpu.memory_space<vmem>>[vector<16xi32>], vector<16xi32>,
      %mul3A_29 = arith.constant 80 : i32
      %mul3A_30 = arith.muli %scan3A_11, %mul3A_29 : i32
      %add3A_31 = arith.constant 48 : i32
      %add3A_32 = arith.addi %mul3A_30, %add3A_31 : i32
      %get3A_33 = arith.index_cast %add3A_32 : i32 to index
      %get3A_34 = tpu.vector_load %arg5[%get3A_33] {strides = array<i32>} : memref<10000xi32, #tpu.memory_space<vmem>>, vector<16xi32>,
      tpu.vector_store_idx %arg6[%get3A_34], %broadcast_in_dim3A_5 {add = true} : memref<10240xi32, #tpu.memory_space<vmem>>[vector<16xi32>], vector<16xi32>,
      %mul3A_35 = arith.constant 80 : i32
      %mul3A_36 = arith.muli %scan3A_11, %mul3A_35 : i32
      %add3A_37 = arith.constant 64 : i32
      %add3A_38 = arith.addi %mul3A_36, %add3A_37 : i32
      %get3A_39 = arith.index_cast %add3A_38 : i32 to index
      %get3A_40 = tpu.vector_load %arg5[%get3A_39] {strides = array<i32>} : memref<10000xi32, #tpu.memory_space<vmem>>, vector<16xi32>,
      tpu.vector_store_idx %arg6[%get3A_40], %broadcast_in_dim3A_5 {add = true} : memref<10240xi32, #tpu.memory_space<vmem>>[vector<16xi32>], vector<16xi32>,
    }
    %scan3A_10 = arith.constant 125 : i32
    "tpu.region"() ({
      %run_scoped3A = tpu.sem_alloc : memref<!tpu.dma_semaphore, #tpu.memory_space<semaphore_mem>>
      %dma_start3A = arith.constant 0 : i32
      %dma_start3A_11 = tpu.memref_slice %arg4[%add3A, %dma_start3A] : memref<32x10240xi32, #tpu.memory_space<hbm>> -> memref<1x10240xi32, #tpu.memory_space<hbm>>
      %dma_start3A_12 = tpu.memref_squeeze %dma_start3A_11 : memref<1x10240xi32, #tpu.memory_space<hbm>> -> memref<10240xi32, #tpu.memory_space<hbm>>
      %dma_start3A_13 = arith.constant 0 : i32
      %dma_start3A_14 = tpu.memref_slice %arg4[%add3A, %dma_start3A_13] : memref<32x10240xi32, #tpu.memory_space<hbm>> -> memref<1x10240xi32, #tpu.memory_space<hbm>>
      %dma_start3A_15 = tpu.memref_squeeze %dma_start3A_14 : memref<1x10240xi32, #tpu.memory_space<hbm>> -> memref<10240xi32, #tpu.memory_space<hbm>>
      tpu.enqueue_dma source(%arg6 : memref<10240xi32, #tpu.memory_space<vmem>>) target(%dma_start3A_15 : memref<10240xi32, #tpu.memory_space<hbm>>) target_semaphore(%run_scoped3A : memref<!tpu.dma_semaphore, #tpu.memory_space<semaphore_mem>>)
      %dma_wait3A = arith.constant 0 : i32
      %dma_wait3A_16 = tpu.memref_slice %arg4[%add3A, %dma_wait3A] : memref<32x10240xi32, #tpu.memory_space<hbm>> -> memref<1x10240xi32, #tpu.memory_space<hbm>>
      %dma_wait3A_17 = tpu.memref_squeeze %dma_wait3A_16 : memref<1x10240xi32, #tpu.memory_space<hbm>> -> memref<10240xi32, #tpu.memory_space<hbm>>
      %dma_wait3A_18 = arith.constant 0 : i32
      %dma_wait3A_19 = tpu.memref_slice %arg4[%add3A, %dma_wait3A_18] : memref<32x10240xi32, #tpu.memory_space<hbm>> -> memref<1x10240xi32, #tpu.memory_space<hbm>>
      %dma_wait3A_20 = tpu.memref_squeeze %dma_wait3A_19 : memref<1x10240xi32, #tpu.memory_space<hbm>> -> memref<10240xi32, #tpu.memory_space<hbm>>
      tpu.wait_dma2 semaphore(%run_scoped3A : memref<!tpu.dma_semaphore, #tpu.memory_space<semaphore_mem>>) src(%arg6 : memref<10240xi32, #tpu.memory_space<vmem>>) dst(%dma_wait3A_20 : memref<10240xi32, #tpu.memory_space<hbm>>)
      tpu.yield
    }) : () -> ()
    return
  }
}

#map = affine_map<(d0, d1) -> (0, 0)>
#map1 = affine_map<(d0, d1) -> (0)>
#map2 = affine_map<(d0, d1) -> (0, 0, 0)>
module attributes {stable_mosaic.version = 14 : i64} {
  func.func @_agg_kernel(%arg0: i32, %arg1: i32, %arg2: memref<10240x128xf32, #tpu.memory_space<hbm>>, %arg3: memref<640000xi32, #tpu.memory_space<hbm>>, %arg4: memref<2x10240x128xf32, #tpu.memory_space<hbm>>, %arg5: memref<80x128xf32, #tpu.memory_space<vmem>>, %arg6: memref<80x128xf32, #tpu.memory_space<vmem>>, %arg7: memref<80x128xf32, #tpu.memory_space<vmem>>, %arg8: memref<80x128xf32, #tpu.memory_space<vmem>>, %arg9: memref<80xi32, #tpu.memory_space<vmem>>, %arg10: memref<80xi32, #tpu.memory_space<vmem>>, %arg11: memref<80xi32, #tpu.memory_space<vmem>>, %arg12: memref<80xi32, #tpu.memory_space<vmem>>, %arg13: memref<80xi32, #tpu.memory_space<vmem>>, %arg14: memref<80xi32, #tpu.memory_space<vmem>>, %arg15: memref<80xi32, #tpu.memory_space<vmem>>, %arg16: memref<80xi32, #tpu.memory_space<vmem>>, %arg17: memref<80xi32, #tpu.memory_space<vmem>>, %arg18: memref<80xi32, #tpu.memory_space<vmem>>, %arg19: memref<80xi32, #tpu.memory_space<vmem>>, %arg20: memref<80xi32, #tpu.memory_space<vmem>>, %arg21: memref<80xi32, #tpu.memory_space<vmem>>, %arg22: memref<80xi32, #tpu.memory_space<vmem>>, %arg23: memref<80xi32, #tpu.memory_space<vmem>>, %arg24: memref<80xi32, #tpu.memory_space<vmem>>, %arg25: memref<10240x128xf32, #tpu.memory_space<vmem_shared>>, %arg26: memref<32x128xf32, #tpu.memory_space<vmem>>, %arg27: memref<!tpu.dma_semaphore, #tpu.memory_space<semaphore_mem>>, %arg28: memref<!tpu.dma_semaphore, #tpu.memory_space<semaphore_mem>>, %arg29: memref<!tpu.dma_semaphore, #tpu.memory_space<semaphore_mem>>, %arg30: memref<!tpu.dma_semaphore, #tpu.memory_space<semaphore_mem>>, %arg31: memref<!tpu.dma_semaphore, #tpu.memory_space<semaphore_mem>>, %arg32: memref<!tpu.dma_semaphore, #tpu.memory_space<semaphore_mem>>, %arg33: memref<!tpu.dma_semaphore, #tpu.memory_space<semaphore_mem>>, %arg34: memref<!tpu.dma_semaphore, #tpu.memory_space<semaphore_mem>>, %arg35: memref<!tpu.dma_semaphore, #tpu.memory_space<semaphore_mem>>, %arg36: memref<!tpu.dma_semaphore, #tpu.memory_space<semaphore_mem>>, %arg37: memref<!tpu.dma_semaphore, #tpu.memory_space<semaphore_mem>>, %arg38: memref<!tpu.dma_semaphore, #tpu.memory_space<semaphore_mem>>, %arg39: memref<!tpu.dma_semaphore, #tpu.memory_space<semaphore_mem>>, %arg40: memref<!tpu.dma_semaphore, #tpu.memory_space<semaphore_mem>>, %arg41: memref<!tpu.dma_semaphore, #tpu.memory_space<semaphore_mem>>, %arg42: memref<!tpu.dma_semaphore, #tpu.memory_space<semaphore_mem>>) attributes {dimension_semantics = [#tpu.dimension_semantics<core_parallel>, #tpu.dimension_semantics<subcore_parallel>], iteration_bounds = array<i64: 2, 16>, scalar_prefetch = 0 : i64, scratch_operands = 38 : i64, tpu.core_type = #tpu.core_type<sc_vector_subcore>, window_params = [{transform_indices = #map}, {transform_indices = #map1}, {transform_indices = #map2}]} {
    %mul3A = arith.constant 16 : i32
    %mul3A_0 = arith.muli %arg0, %mul3A : i32
    %add3A = arith.addi %mul3A_0, %arg1 : i32
    %broadcast_in_dim3A = arith.constant 0.000000e+00 : f32
    %broadcast_in_dim3A_1 = vector.broadcast %broadcast_in_dim3A : f32 to vector<16xf32>
    %scan3A = arith.constant 0 : i32
    %scan3A_2 = arith.constant 0 : i32
    %scan3A_3 = arith.constant 32 : i32
    %scan3A_4 = arith.addi %scan3A_2, %scan3A_3 : i32
    %scan3A_5 = arith.constant 1 : i32
    scf.for %scan3A_205 = %scan3A_2 to %scan3A_4 step %scan3A_5  : i32 {
      %swap3A = arith.index_cast %scan3A_205 : i32 to index
      %swap3A_206 = arith.constant 0 : index
      %swap3A_207 = tpu.vector_load %arg26[%swap3A, %swap3A_206] {strides = array<i32>} : memref<32x128xf32, #tpu.memory_space<vmem>>, vector<16xf32>,
      tpu.vector_store %arg26[%swap3A, %swap3A_206], %broadcast_in_dim3A_1 {strides = array<i32>} : memref<32x128xf32, #tpu.memory_space<vmem>>, vector<16xf32>,
      %swap3A_208 = arith.index_cast %scan3A_205 : i32 to index
      %swap3A_209 = arith.constant 16 : index
      %swap3A_210 = tpu.vector_load %arg26[%swap3A_208, %swap3A_209] {strides = array<i32>} : memref<32x128xf32, #tpu.memory_space<vmem>>, vector<16xf32>,
      tpu.vector_store %arg26[%swap3A_208, %swap3A_209], %broadcast_in_dim3A_1 {strides = array<i32>} : memref<32x128xf32, #tpu.memory_space<vmem>>, vector<16xf32>,
      %swap3A_211 = arith.index_cast %scan3A_205 : i32 to index
      %swap3A_212 = arith.constant 32 : index
      %swap3A_213 = tpu.vector_load %arg26[%swap3A_211, %swap3A_212] {strides = array<i32>} : memref<32x128xf32, #tpu.memory_space<vmem>>, vector<16xf32>,
      tpu.vector_store %arg26[%swap3A_211, %swap3A_212], %broadcast_in_dim3A_1 {strides = array<i32>} : memref<32x128xf32, #tpu.memory_space<vmem>>, vector<16xf32>,
      %swap3A_214 = arith.index_cast %scan3A_205 : i32 to index
      %swap3A_215 = arith.constant 48 : index
      %swap3A_216 = tpu.vector_load %arg26[%swap3A_214, %swap3A_215] {strides = array<i32>} : memref<32x128xf32, #tpu.memory_space<vmem>>, vector<16xf32>,
      tpu.vector_store %arg26[%swap3A_214, %swap3A_215], %broadcast_in_dim3A_1 {strides = array<i32>} : memref<32x128xf32, #tpu.memory_space<vmem>>, vector<16xf32>,
      %swap3A_217 = arith.index_cast %scan3A_205 : i32 to index
      %swap3A_218 = arith.constant 64 : index
      %swap3A_219 = tpu.vector_load %arg26[%swap3A_217, %swap3A_218] {strides = array<i32>} : memref<32x128xf32, #tpu.memory_space<vmem>>, vector<16xf32>,
      tpu.vector_store %arg26[%swap3A_217, %swap3A_218], %broadcast_in_dim3A_1 {strides = array<i32>} : memref<32x128xf32, #tpu.memory_space<vmem>>, vector<16xf32>,
      %swap3A_220 = arith.index_cast %scan3A_205 : i32 to index
      %swap3A_221 = arith.constant 80 : index
      %swap3A_222 = tpu.vector_load %arg26[%swap3A_220, %swap3A_221] {strides = array<i32>} : memref<32x128xf32, #tpu.memory_space<vmem>>, vector<16xf32>,
      tpu.vector_store %arg26[%swap3A_220, %swap3A_221], %broadcast_in_dim3A_1 {strides = array<i32>} : memref<32x128xf32, #tpu.memory_space<vmem>>, vector<16xf32>,
      %swap3A_223 = arith.index_cast %scan3A_205 : i32 to index
      %swap3A_224 = arith.constant 96 : index
      %swap3A_225 = tpu.vector_load %arg26[%swap3A_223, %swap3A_224] {strides = array<i32>} : memref<32x128xf32, #tpu.memory_space<vmem>>, vector<16xf32>,
      tpu.vector_store %arg26[%swap3A_223, %swap3A_224], %broadcast_in_dim3A_1 {strides = array<i32>} : memref<32x128xf32, #tpu.memory_space<vmem>>, vector<16xf32>,
      %swap3A_226 = arith.index_cast %scan3A_205 : i32 to index
      %swap3A_227 = arith.constant 112 : index
      %swap3A_228 = tpu.vector_load %arg26[%swap3A_226, %swap3A_227] {strides = array<i32>} : memref<32x128xf32, #tpu.memory_space<vmem>>, vector<16xf32>,
      tpu.vector_store %arg26[%swap3A_226, %swap3A_227], %broadcast_in_dim3A_1 {strides = array<i32>} : memref<32x128xf32, #tpu.memory_space<vmem>>, vector<16xf32>,
    }
    %scan3A_6 = arith.constant 32 : i32
    %scan3A_7 = arith.constant 0 : i32
    %scan3A_8 = arith.constant 0 : i32
    %scan3A_9 = arith.constant 20 : i32
    %scan3A_10 = arith.addi %scan3A_8, %scan3A_9 : i32
    %scan3A_11 = arith.constant 1 : i32
    scf.for %scan3A_205 = %scan3A_8 to %scan3A_10 step %scan3A_11  : i32 {
      %mul3A_206 = arith.constant 640 : i32
      %mul3A_207 = arith.muli %arg1, %mul3A_206 : i32
      %mul3A_208 = arith.constant 32 : i32
      %mul3A_209 = arith.muli %scan3A_205, %mul3A_208 : i32
      %add3A_210 = arith.addi %mul3A_207, %mul3A_209 : i32
      "tpu.region"() ({
        %run_scoped3A = tpu.sem_alloc : memref<!tpu.dma_semaphore, #tpu.memory_space<semaphore_mem>>
        %dma_start3A_211 = arith.constant 0 : i32
        %dma_start3A_212 = tpu.memref_slice %arg25[%add3A_210, %dma_start3A_211] : memref<10240x128xf32, #tpu.memory_space<vmem_shared>> -> memref<32x128xf32, #tpu.memory_space<vmem_shared>>
        %dma_start3A_213 = arith.constant 0 : i32
        %dma_start3A_214 = tpu.memref_slice %arg25[%add3A_210, %dma_start3A_213] : memref<10240x128xf32, #tpu.memory_space<vmem_shared>> -> memref<32x128xf32, #tpu.memory_space<vmem_shared>>
        tpu.enqueue_dma source(%arg26 : memref<32x128xf32, #tpu.memory_space<vmem>>) target(%dma_start3A_214 : memref<32x128xf32, #tpu.memory_space<vmem_shared>>) target_semaphore(%run_scoped3A : memref<!tpu.dma_semaphore, #tpu.memory_space<semaphore_mem>>)
        %dma_wait3A_215 = arith.constant 0 : i32
        %dma_wait3A_216 = tpu.memref_slice %arg25[%add3A_210, %dma_wait3A_215] : memref<10240x128xf32, #tpu.memory_space<vmem_shared>> -> memref<32x128xf32, #tpu.memory_space<vmem_shared>>
        %dma_wait3A_217 = arith.constant 0 : i32
        %dma_wait3A_218 = tpu.memref_slice %arg25[%add3A_210, %dma_wait3A_217] : memref<10240x128xf32, #tpu.memory_space<vmem_shared>> -> memref<32x128xf32, #tpu.memory_space<vmem_shared>>
        tpu.wait_dma2 semaphore(%run_scoped3A : memref<!tpu.dma_semaphore, #tpu.memory_space<semaphore_mem>>) src(%arg26 : memref<32x128xf32, #tpu.memory_space<vmem>>) dst(%dma_wait3A_218 : memref<32x128xf32, #tpu.memory_space<vmem_shared>>)
        tpu.yield
      }) : () -> ()
    }
    %scan3A_12 = arith.constant 20 : i32
    %barrier3A = arith.constant 0 : index
    tpu.barrier barrier_id(%barrier3A)
    %mul3A_13 = arith.constant 10000 : i32
    %mul3A_14 = arith.muli %add3A, %mul3A_13 : i32
    %add3A_15 = arith.constant 0 : i32
    %add3A_16 = arith.addi %mul3A_14, %add3A_15 : i32
    %dma_start3A = tpu.memref_slice %arg3[%add3A_16] : memref<640000xi32, #tpu.memory_space<hbm>> -> memref<80xi32, #tpu.memory_space<hbm>>
    %dma_start3A_17 = tpu.memref_slice %arg3[%add3A_16] : memref<640000xi32, #tpu.memory_space<hbm>> -> memref<80xi32, #tpu.memory_space<hbm>>
    tpu.enqueue_dma source(%dma_start3A_17 : memref<80xi32, #tpu.memory_space<hbm>>) target(%arg9 : memref<80xi32, #tpu.memory_space<vmem>>) target_semaphore(%arg35 : memref<!tpu.dma_semaphore, #tpu.memory_space<semaphore_mem>>)
    %add3A_18 = arith.constant 320000 : i32
    %add3A_19 = arith.addi %add3A_18, %add3A_16 : i32
    %dma_start3A_20 = tpu.memref_slice %arg3[%add3A_19] : memref<640000xi32, #tpu.memory_space<hbm>> -> memref<80xi32, #tpu.memory_space<hbm>>
    %dma_start3A_21 = tpu.memref_slice %arg3[%add3A_19] : memref<640000xi32, #tpu.memory_space<hbm>> -> memref<80xi32, #tpu.memory_space<hbm>>
    tpu.enqueue_dma source(%dma_start3A_21 : memref<80xi32, #tpu.memory_space<hbm>>) target(%arg17 : memref<80xi32, #tpu.memory_space<vmem>>) target_semaphore(%arg35 : memref<!tpu.dma_semaphore, #tpu.memory_space<semaphore_mem>>)
    %mul3A_22 = arith.constant 10000 : i32
    %mul3A_23 = arith.muli %add3A, %mul3A_22 : i32
    %add3A_24 = arith.constant 80 : i32
    %add3A_25 = arith.addi %mul3A_23, %add3A_24 : i32
    %dma_start3A_26 = tpu.memref_slice %arg3[%add3A_25] : memref<640000xi32, #tpu.memory_space<hbm>> -> memref<80xi32, #tpu.memory_space<hbm>>
    %dma_start3A_27 = tpu.memref_slice %arg3[%add3A_25] : memref<640000xi32, #tpu.memory_space<hbm>> -> memref<80xi32, #tpu.memory_space<hbm>>
    tpu.enqueue_dma source(%dma_start3A_27 : memref<80xi32, #tpu.memory_space<hbm>>) target(%arg10 : memref<80xi32, #tpu.memory_space<vmem>>) target_semaphore(%arg36 : memref<!tpu.dma_semaphore, #tpu.memory_space<semaphore_mem>>)
    %add3A_28 = arith.constant 320000 : i32
    %add3A_29 = arith.addi %add3A_28, %add3A_25 : i32
    %dma_start3A_30 = tpu.memref_slice %arg3[%add3A_29] : memref<640000xi32, #tpu.memory_space<hbm>> -> memref<80xi32, #tpu.memory_space<hbm>>
    %dma_start3A_31 = tpu.memref_slice %arg3[%add3A_29] : memref<640000xi32, #tpu.memory_space<hbm>> -> memref<80xi32, #tpu.memory_space<hbm>>
    tpu.enqueue_dma source(%dma_start3A_31 : memref<80xi32, #tpu.memory_space<hbm>>) target(%arg18 : memref<80xi32, #tpu.memory_space<vmem>>) target_semaphore(%arg36 : memref<!tpu.dma_semaphore, #tpu.memory_space<semaphore_mem>>)
    %mul3A_32 = arith.constant 10000 : i32
    %mul3A_33 = arith.muli %add3A, %mul3A_32 : i32
    %add3A_34 = arith.constant 160 : i32
    %add3A_35 = arith.addi %mul3A_33, %add3A_34 : i32
    %dma_start3A_36 = tpu.memref_slice %arg3[%add3A_35] : memref<640000xi32, #tpu.memory_space<hbm>> -> memref<80xi32, #tpu.memory_space<hbm>>
    %dma_start3A_37 = tpu.memref_slice %arg3[%add3A_35] : memref<640000xi32, #tpu.memory_space<hbm>> -> memref<80xi32, #tpu.memory_space<hbm>>
    tpu.enqueue_dma source(%dma_start3A_37 : memref<80xi32, #tpu.memory_space<hbm>>) target(%arg11 : memref<80xi32, #tpu.memory_space<vmem>>) target_semaphore(%arg37 : memref<!tpu.dma_semaphore, #tpu.memory_space<semaphore_mem>>)
    %add3A_38 = arith.constant 320000 : i32
    %add3A_39 = arith.addi %add3A_38, %add3A_35 : i32
    %dma_start3A_40 = tpu.memref_slice %arg3[%add3A_39] : memref<640000xi32, #tpu.memory_space<hbm>> -> memref<80xi32, #tpu.memory_space<hbm>>
    %dma_start3A_41 = tpu.memref_slice %arg3[%add3A_39] : memref<640000xi32, #tpu.memory_space<hbm>> -> memref<80xi32, #tpu.memory_space<hbm>>
    tpu.enqueue_dma source(%dma_start3A_41 : memref<80xi32, #tpu.memory_space<hbm>>) target(%arg19 : memref<80xi32, #tpu.memory_space<vmem>>) target_semaphore(%arg37 : memref<!tpu.dma_semaphore, #tpu.memory_space<semaphore_mem>>)
    %mul3A_42 = arith.constant 10000 : i32
    %mul3A_43 = arith.muli %add3A, %mul3A_42 : i32
    %add3A_44 = arith.constant 240 : i32
    %add3A_45 = arith.addi %mul3A_43, %add3A_44 : i32
    %dma_start3A_46 = tpu.memref_slice %arg3[%add3A_45] : memref<640000xi32, #tpu.memory_space<hbm>> -> memref<80xi32, #tpu.memory_space<hbm>>
    %dma_start3A_47 = tpu.memref_slice %arg3[%add3A_45] : memref<640000xi32, #tpu.memory_space<hbm>> -> memref<80xi32, #tpu.memory_space<hbm>>
    tpu.enqueue_dma source(%dma_start3A_47 : memref<80xi32, #tpu.memory_space<hbm>>) target(%arg12 : memref<80xi32, #tpu.memory_space<vmem>>) target_semaphore(%arg38 : memref<!tpu.dma_semaphore, #tpu.memory_space<semaphore_mem>>)
    %add3A_48 = arith.constant 320000 : i32
    %add3A_49 = arith.addi %add3A_48, %add3A_45 : i32
    %dma_start3A_50 = tpu.memref_slice %arg3[%add3A_49] : memref<640000xi32, #tpu.memory_space<hbm>> -> memref<80xi32, #tpu.memory_space<hbm>>
    %dma_start3A_51 = tpu.memref_slice %arg3[%add3A_49] : memref<640000xi32, #tpu.memory_space<hbm>> -> memref<80xi32, #tpu.memory_space<hbm>>
    tpu.enqueue_dma source(%dma_start3A_51 : memref<80xi32, #tpu.memory_space<hbm>>) target(%arg20 : memref<80xi32, #tpu.memory_space<vmem>>) target_semaphore(%arg38 : memref<!tpu.dma_semaphore, #tpu.memory_space<semaphore_mem>>)
    %mul3A_52 = arith.constant 10000 : i32
    %mul3A_53 = arith.muli %add3A, %mul3A_52 : i32
    %add3A_54 = arith.constant 320 : i32
    %add3A_55 = arith.addi %mul3A_53, %add3A_54 : i32
    %dma_start3A_56 = tpu.memref_slice %arg3[%add3A_55] : memref<640000xi32, #tpu.memory_space<hbm>> -> memref<80xi32, #tpu.memory_space<hbm>>
    %dma_start3A_57 = tpu.memref_slice %arg3[%add3A_55] : memref<640000xi32, #tpu.memory_space<hbm>> -> memref<80xi32, #tpu.memory_space<hbm>>
    tpu.enqueue_dma source(%dma_start3A_57 : memref<80xi32, #tpu.memory_space<hbm>>) target(%arg13 : memref<80xi32, #tpu.memory_space<vmem>>) target_semaphore(%arg39 : memref<!tpu.dma_semaphore, #tpu.memory_space<semaphore_mem>>)
    %add3A_58 = arith.constant 320000 : i32
    %add3A_59 = arith.addi %add3A_58, %add3A_55 : i32
    %dma_start3A_60 = tpu.memref_slice %arg3[%add3A_59] : memref<640000xi32, #tpu.memory_space<hbm>> -> memref<80xi32, #tpu.memory_space<hbm>>
    %dma_start3A_61 = tpu.memref_slice %arg3[%add3A_59] : memref<640000xi32, #tpu.memory_space<hbm>> -> memref<80xi32, #tpu.memory_space<hbm>>
    tpu.enqueue_dma source(%dma_start3A_61 : memref<80xi32, #tpu.memory_space<hbm>>) target(%arg21 : memref<80xi32, #tpu.memory_space<vmem>>) target_semaphore(%arg39 : memref<!tpu.dma_semaphore, #tpu.memory_space<semaphore_mem>>)
    %mul3A_62 = arith.constant 10000 : i32
    %mul3A_63 = arith.muli %add3A, %mul3A_62 : i32
    %add3A_64 = arith.constant 400 : i32
    %add3A_65 = arith.addi %mul3A_63, %add3A_64 : i32
    %dma_start3A_66 = tpu.memref_slice %arg3[%add3A_65] : memref<640000xi32, #tpu.memory_space<hbm>> -> memref<80xi32, #tpu.memory_space<hbm>>
    %dma_start3A_67 = tpu.memref_slice %arg3[%add3A_65] : memref<640000xi32, #tpu.memory_space<hbm>> -> memref<80xi32, #tpu.memory_space<hbm>>
    tpu.enqueue_dma source(%dma_start3A_67 : memref<80xi32, #tpu.memory_space<hbm>>) target(%arg14 : memref<80xi32, #tpu.memory_space<vmem>>) target_semaphore(%arg40 : memref<!tpu.dma_semaphore, #tpu.memory_space<semaphore_mem>>)
    %add3A_68 = arith.constant 320000 : i32
    %add3A_69 = arith.addi %add3A_68, %add3A_65 : i32
    %dma_start3A_70 = tpu.memref_slice %arg3[%add3A_69] : memref<640000xi32, #tpu.memory_space<hbm>> -> memref<80xi32, #tpu.memory_space<hbm>>
    %dma_start3A_71 = tpu.memref_slice %arg3[%add3A_69] : memref<640000xi32, #tpu.memory_space<hbm>> -> memref<80xi32, #tpu.memory_space<hbm>>
    tpu.enqueue_dma source(%dma_start3A_71 : memref<80xi32, #tpu.memory_space<hbm>>) target(%arg22 : memref<80xi32, #tpu.memory_space<vmem>>) target_semaphore(%arg40 : memref<!tpu.dma_semaphore, #tpu.memory_space<semaphore_mem>>)
    %mul3A_72 = arith.constant 10000 : i32
    %mul3A_73 = arith.muli %add3A, %mul3A_72 : i32
    %add3A_74 = arith.constant 480 : i32
    %add3A_75 = arith.addi %mul3A_73, %add3A_74 : i32
    %dma_start3A_76 = tpu.memref_slice %arg3[%add3A_75] : memref<640000xi32, #tpu.memory_space<hbm>> -> memref<80xi32, #tpu.memory_space<hbm>>
    %dma_start3A_77 = tpu.memref_slice %arg3[%add3A_75] : memref<640000xi32, #tpu.memory_space<hbm>> -> memref<80xi32, #tpu.memory_space<hbm>>
    tpu.enqueue_dma source(%dma_start3A_77 : memref<80xi32, #tpu.memory_space<hbm>>) target(%arg15 : memref<80xi32, #tpu.memory_space<vmem>>) target_semaphore(%arg41 : memref<!tpu.dma_semaphore, #tpu.memory_space<semaphore_mem>>)
    %add3A_78 = arith.constant 320000 : i32
    %add3A_79 = arith.addi %add3A_78, %add3A_75 : i32
    %dma_start3A_80 = tpu.memref_slice %arg3[%add3A_79] : memref<640000xi32, #tpu.memory_space<hbm>> -> memref<80xi32, #tpu.memory_space<hbm>>
    %dma_start3A_81 = tpu.memref_slice %arg3[%add3A_79] : memref<640000xi32, #tpu.memory_space<hbm>> -> memref<80xi32, #tpu.memory_space<hbm>>
    tpu.enqueue_dma source(%dma_start3A_81 : memref<80xi32, #tpu.memory_space<hbm>>) target(%arg23 : memref<80xi32, #tpu.memory_space<vmem>>) target_semaphore(%arg41 : memref<!tpu.dma_semaphore, #tpu.memory_space<semaphore_mem>>)
    %mul3A_82 = arith.constant 10000 : i32
    %mul3A_83 = arith.muli %add3A, %mul3A_82 : i32
    %add3A_84 = arith.constant 0 : i32
    %add3A_85 = arith.addi %mul3A_83, %add3A_84 : i32
    %dma_wait3A = tpu.memref_slice %arg3[%add3A_85] : memref<640000xi32, #tpu.memory_space<hbm>> -> memref<80xi32, #tpu.memory_space<hbm>>
    %dma_wait3A_86 = tpu.memref_slice %arg3[%add3A_85] : memref<640000xi32, #tpu.memory_space<hbm>> -> memref<80xi32, #tpu.memory_space<hbm>>
    tpu.wait_dma2 semaphore(%arg35 : memref<!tpu.dma_semaphore, #tpu.memory_space<semaphore_mem>>) src(%dma_wait3A_86 : memref<80xi32, #tpu.memory_space<hbm>>) dst(%arg9 : memref<80xi32, #tpu.memory_space<vmem>>)
    %add3A_87 = arith.constant 320000 : i32
    %add3A_88 = arith.addi %add3A_87, %add3A_85 : i32
    %dma_wait3A_89 = tpu.memref_slice %arg3[%add3A_88] : memref<640000xi32, #tpu.memory_space<hbm>> -> memref<80xi32, #tpu.memory_space<hbm>>
    %dma_wait3A_90 = tpu.memref_slice %arg3[%add3A_88] : memref<640000xi32, #tpu.memory_space<hbm>> -> memref<80xi32, #tpu.memory_space<hbm>>
    tpu.wait_dma2 semaphore(%arg35 : memref<!tpu.dma_semaphore, #tpu.memory_space<semaphore_mem>>) src(%dma_wait3A_90 : memref<80xi32, #tpu.memory_space<hbm>>) dst(%arg17 : memref<80xi32, #tpu.memory_space<vmem>>)
    %dma_start3A_91 = arith.constant 0 : i32
    %dma_start3A_92 = arith.constant 0 : i32
    %dma_start3A_93 = tpu.memref_slice %arg2[%dma_start3A_91, %dma_start3A_92] : memref<10240x128xf32, #tpu.memory_space<hbm>> -> memref<10240x128xf32, #tpu.memory_space<hbm>>
    tpu.enqueue_indirect_dma source(%dma_start3A_93 : memref<10240x128xf32, #tpu.memory_space<hbm>>) target(%arg5 : memref<80x128xf32, #tpu.memory_space<vmem>>) offsets(%arg9 : memref<80xi32, #tpu.memory_space<vmem>>) semaphore(%arg27 : memref<!tpu.dma_semaphore, #tpu.memory_space<semaphore_mem>>)
    %mul3A_94 = arith.constant 10000 : i32
    %mul3A_95 = arith.muli %add3A, %mul3A_94 : i32
    %add3A_96 = arith.constant 80 : i32
    %add3A_97 = arith.addi %mul3A_95, %add3A_96 : i32
    %dma_wait3A_98 = tpu.memref_slice %arg3[%add3A_97] : memref<640000xi32, #tpu.memory_space<hbm>> -> memref<80xi32, #tpu.memory_space<hbm>>
    %dma_wait3A_99 = tpu.memref_slice %arg3[%add3A_97] : memref<640000xi32, #tpu.memory_space<hbm>> -> memref<80xi32, #tpu.memory_space<hbm>>
    tpu.wait_dma2 semaphore(%arg36 : memref<!tpu.dma_semaphore, #tpu.memory_space<semaphore_mem>>) src(%dma_wait3A_99 : memref<80xi32, #tpu.memory_space<hbm>>) dst(%arg10 : memref<80xi32, #tpu.memory_space<vmem>>)
    %add3A_100 = arith.constant 320000 : i32
    %add3A_101 = arith.addi %add3A_100, %add3A_97 : i32
    %dma_wait3A_102 = tpu.memref_slice %arg3[%add3A_101] : memref<640000xi32, #tpu.memory_space<hbm>> -> memref<80xi32, #tpu.memory_space<hbm>>
    %dma_wait3A_103 = tpu.memref_slice %arg3[%add3A_101] : memref<640000xi32, #tpu.memory_space<hbm>> -> memref<80xi32, #tpu.memory_space<hbm>>
    tpu.wait_dma2 semaphore(%arg36 : memref<!tpu.dma_semaphore, #tpu.memory_space<semaphore_mem>>) src(%dma_wait3A_103 : memref<80xi32, #tpu.memory_space<hbm>>) dst(%arg18 : memref<80xi32, #tpu.memory_space<vmem>>)
    %dma_start3A_104 = arith.constant 0 : i32
    %dma_start3A_105 = arith.constant 0 : i32
    %dma_start3A_106 = tpu.memref_slice %arg2[%dma_start3A_104, %dma_start3A_105] : memref<10240x128xf32, #tpu.memory_space<hbm>> -> memref<10240x128xf32, #tpu.memory_space<hbm>>
    tpu.enqueue_indirect_dma source(%dma_start3A_106 : memref<10240x128xf32, #tpu.memory_space<hbm>>) target(%arg6 : memref<80x128xf32, #tpu.memory_space<vmem>>) offsets(%arg10 : memref<80xi32, #tpu.memory_space<vmem>>) semaphore(%arg28 : memref<!tpu.dma_semaphore, #tpu.memory_space<semaphore_mem>>)
    %mul3A_107 = arith.constant 10000 : i32
    %mul3A_108 = arith.muli %add3A, %mul3A_107 : i32
    %add3A_109 = arith.constant 160 : i32
    %add3A_110 = arith.addi %mul3A_108, %add3A_109 : i32
    %dma_wait3A_111 = tpu.memref_slice %arg3[%add3A_110] : memref<640000xi32, #tpu.memory_space<hbm>> -> memref<80xi32, #tpu.memory_space<hbm>>
    %dma_wait3A_112 = tpu.memref_slice %arg3[%add3A_110] : memref<640000xi32, #tpu.memory_space<hbm>> -> memref<80xi32, #tpu.memory_space<hbm>>
    tpu.wait_dma2 semaphore(%arg37 : memref<!tpu.dma_semaphore, #tpu.memory_space<semaphore_mem>>) src(%dma_wait3A_112 : memref<80xi32, #tpu.memory_space<hbm>>) dst(%arg11 : memref<80xi32, #tpu.memory_space<vmem>>)
    %add3A_113 = arith.constant 320000 : i32
    %add3A_114 = arith.addi %add3A_113, %add3A_110 : i32
    %dma_wait3A_115 = tpu.memref_slice %arg3[%add3A_114] : memref<640000xi32, #tpu.memory_space<hbm>> -> memref<80xi32, #tpu.memory_space<hbm>>
    %dma_wait3A_116 = tpu.memref_slice %arg3[%add3A_114] : memref<640000xi32, #tpu.memory_space<hbm>> -> memref<80xi32, #tpu.memory_space<hbm>>
    tpu.wait_dma2 semaphore(%arg37 : memref<!tpu.dma_semaphore, #tpu.memory_space<semaphore_mem>>) src(%dma_wait3A_116 : memref<80xi32, #tpu.memory_space<hbm>>) dst(%arg19 : memref<80xi32, #tpu.memory_space<vmem>>)
    %dma_start3A_117 = arith.constant 0 : i32
    %dma_start3A_118 = arith.constant 0 : i32
    %dma_start3A_119 = tpu.memref_slice %arg2[%dma_start3A_117, %dma_start3A_118] : memref<10240x128xf32, #tpu.memory_space<hbm>> -> memref<10240x128xf32, #tpu.memory_space<hbm>>
    tpu.enqueue_indirect_dma source(%dma_start3A_119 : memref<10240x128xf32, #tpu.memory_space<hbm>>) target(%arg7 : memref<80x128xf32, #tpu.memory_space<vmem>>) offsets(%arg11 : memref<80xi32, #tpu.memory_space<vmem>>) semaphore(%arg29 : memref<!tpu.dma_semaphore, #tpu.memory_space<semaphore_mem>>)
    %scan3A_120 = arith.constant 0 : i32
    %scan3A_121 = arith.constant 0 : i32
    %scan3A_122 = arith.constant 15 : i32
    %scan3A_123 = arith.addi %scan3A_121, %scan3A_122 : i32
    %scan3A_124 = arith.constant 1 : i32
    scf.for %scan3A_205 = %scan3A_121 to %scan3A_123 step %scan3A_124  : i32 {
      %mul3A_206 = arith.constant 8 : i32
      %mul3A_207 = arith.muli %scan3A_205, %mul3A_206 : i32
      %add3A_208 = arith.constant 0 : i32
      %add3A_209 = arith.addi %mul3A_207, %add3A_208 : i32
      %dma_wait3A_210 = arith.constant 0 : i32
      %dma_wait3A_211 = arith.constant 0 : i32
      %dma_wait3A_212 = tpu.memref_slice %arg2[%dma_wait3A_210, %dma_wait3A_211] : memref<10240x128xf32, #tpu.memory_space<hbm>> -> memref<10240x128xf32, #tpu.memory_space<hbm>>
      tpu.wait_indirect_dma semaphore(%arg27 : memref<!tpu.dma_semaphore, #tpu.memory_space<semaphore_mem>>) src(%dma_wait3A_212 : memref<10240x128xf32, #tpu.memory_space<hbm>>) dst(%arg5 : memref<80x128xf32, #tpu.memory_space<vmem>>)
      %dma_start3A_213 = arith.constant 0 : i32
      %dma_start3A_214 = arith.constant 0 : i32
      %dma_start3A_215 = tpu.memref_slice %arg25[%dma_start3A_213, %dma_start3A_214] : memref<10240x128xf32, #tpu.memory_space<vmem_shared>> -> memref<10240x128xf32, #tpu.memory_space<vmem_shared>>
      tpu.enqueue_indirect_dma source(%arg5 : memref<80x128xf32, #tpu.memory_space<vmem>>) target(%dma_start3A_215 : memref<10240x128xf32, #tpu.memory_space<vmem_shared>>) offsets(%arg17 : memref<80xi32, #tpu.memory_space<vmem>>) semaphore(%arg31 : memref<!tpu.dma_semaphore, #tpu.memory_space<semaphore_mem>>) {add = true}
      %ge3A = arith.constant 1 : i32
      %ge3A_216 = arith.cmpi sge, %add3A_209, %ge3A : i32
      %convert_element_type3A = arith.extui %ge3A_216 : i1 to i32
      %cond3A = arith.constant 0 : i32
      %cond3A_217 = arith.cmpi ne, %convert_element_type3A, %cond3A : i32
      scf.if %cond3A_217 {
        %dma_wait3A_426 = arith.constant 0 : i32
        %dma_wait3A_427 = arith.constant 0 : i32
        %dma_wait3A_428 = tpu.memref_slice %arg25[%dma_wait3A_426, %dma_wait3A_427] : memref<10240x128xf32, #tpu.memory_space<vmem_shared>> -> memref<10240x128xf32, #tpu.memory_space<vmem_shared>>
        tpu.wait_indirect_dma semaphore(%arg34 : memref<!tpu.dma_semaphore, #tpu.memory_space<semaphore_mem>>) src(%arg8 : memref<80x128xf32, #tpu.memory_space<vmem>>) dst(%dma_wait3A_428 : memref<10240x128xf32, #tpu.memory_space<vmem_shared>>)
        %add3A_429 = arith.constant 8 : i32
        %add3A_430 = arith.addi %add3A_209, %add3A_429 : i32
        %sub3A_431 = arith.constant 1 : i32
        %sub3A_432 = arith.subi %add3A_430, %sub3A_431 : i32
        %lt3A_433 = arith.constant 125 : i32
        %lt3A_434 = arith.cmpi slt, %sub3A_432, %lt3A_433 : i32
        %convert_element_type3A_435 = arith.extui %lt3A_434 : i1 to i32
        %cond3A_436 = arith.constant 0 : i32
        %cond3A_437 = arith.cmpi ne, %convert_element_type3A_435, %cond3A_436 : i32
        scf.if %cond3A_437 {
          %add3A_447 = arith.constant 8 : i32
          %add3A_448 = arith.addi %add3A_209, %add3A_447 : i32
          %sub3A_449 = arith.constant 1 : i32
          %sub3A_450 = arith.subi %add3A_448, %sub3A_449 : i32
          %mul3A_451 = arith.constant 10000 : i32
          %mul3A_452 = arith.muli %add3A, %mul3A_451 : i32
          %mul3A_453 = arith.constant 80 : i32
          %mul3A_454 = arith.muli %sub3A_450, %mul3A_453 : i32
          %add3A_455 = arith.addi %mul3A_452, %mul3A_454 : i32
          %dma_start3A_456 = tpu.memref_slice %arg3[%add3A_455] : memref<640000xi32, #tpu.memory_space<hbm>> -> memref<80xi32, #tpu.memory_space<hbm>>
          %dma_start3A_457 = tpu.memref_slice %arg3[%add3A_455] : memref<640000xi32, #tpu.memory_space<hbm>> -> memref<80xi32, #tpu.memory_space<hbm>>
          tpu.enqueue_dma source(%dma_start3A_457 : memref<80xi32, #tpu.memory_space<hbm>>) target(%arg16 : memref<80xi32, #tpu.memory_space<vmem>>) target_semaphore(%arg42 : memref<!tpu.dma_semaphore, #tpu.memory_space<semaphore_mem>>)
          %add3A_458 = arith.constant 320000 : i32
          %add3A_459 = arith.addi %add3A_458, %add3A_455 : i32
          %dma_start3A_460 = tpu.memref_slice %arg3[%add3A_459] : memref<640000xi32, #tpu.memory_space<hbm>> -> memref<80xi32, #tpu.memory_space<hbm>>
          %dma_start3A_461 = tpu.memref_slice %arg3[%add3A_459] : memref<640000xi32, #tpu.memory_space<hbm>> -> memref<80xi32, #tpu.memory_space<hbm>>
          tpu.enqueue_dma source(%dma_start3A_461 : memref<80xi32, #tpu.memory_space<hbm>>) target(%arg24 : memref<80xi32, #tpu.memory_space<vmem>>) target_semaphore(%arg42 : memref<!tpu.dma_semaphore, #tpu.memory_space<semaphore_mem>>)
        } else {
        }
        %add3A_438 = arith.constant 4 : i32
        %add3A_439 = arith.addi %add3A_209, %add3A_438 : i32
        %sub3A_440 = arith.constant 1 : i32
        %sub3A_441 = arith.subi %add3A_439, %sub3A_440 : i32
        %lt3A_442 = arith.constant 125 : i32
        %lt3A_443 = arith.cmpi slt, %sub3A_441, %lt3A_442 : i32
        %convert_element_type3A_444 = arith.extui %lt3A_443 : i1 to i32
        %cond3A_445 = arith.constant 0 : i32
        %cond3A_446 = arith.cmpi ne, %convert_element_type3A_444, %cond3A_445 : i32
        scf.if %cond3A_446 {
          %add3A_447 = arith.constant 4 : i32
          %add3A_448 = arith.addi %add3A_209, %add3A_447 : i32
          %sub3A_449 = arith.constant 1 : i32
          %sub3A_450 = arith.subi %add3A_448, %sub3A_449 : i32
          %mul3A_451 = arith.constant 10000 : i32
          %mul3A_452 = arith.muli %add3A, %mul3A_451 : i32
          %mul3A_453 = arith.constant 80 : i32
          %mul3A_454 = arith.muli %sub3A_450, %mul3A_453 : i32
          %add3A_455 = arith.addi %mul3A_452, %mul3A_454 : i32
          %dma_wait3A_456 = tpu.memref_slice %arg3[%add3A_455] : memref<640000xi32, #tpu.memory_space<hbm>> -> memref<80xi32, #tpu.memory_space<hbm>>
          %dma_wait3A_457 = tpu.memref_slice %arg3[%add3A_455] : memref<640000xi32, #tpu.memory_space<hbm>> -> memref<80xi32, #tpu.memory_space<hbm>>
          tpu.wait_dma2 semaphore(%arg38 : memref<!tpu.dma_semaphore, #tpu.memory_space<semaphore_mem>>) src(%dma_wait3A_457 : memref<80xi32, #tpu.memory_space<hbm>>) dst(%arg12 : memref<80xi32, #tpu.memory_space<vmem>>)
          %add3A_458 = arith.constant 320000 : i32
          %add3A_459 = arith.addi %add3A_458, %add3A_455 : i32
          %dma_wait3A_460 = tpu.memref_slice %arg3[%add3A_459] : memref<640000xi32, #tpu.memory_space<hbm>> -> memref<80xi32, #tpu.memory_space<hbm>>
          %dma_wait3A_461 = tpu.memref_slice %arg3[%add3A_459] : memref<640000xi32, #tpu.memory_space<hbm>> -> memref<80xi32, #tpu.memory_space<hbm>>
          tpu.wait_dma2 semaphore(%arg38 : memref<!tpu.dma_semaphore, #tpu.memory_space<semaphore_mem>>) src(%dma_wait3A_461 : memref<80xi32, #tpu.memory_space<hbm>>) dst(%arg20 : memref<80xi32, #tpu.memory_space<vmem>>)
          %dma_start3A_462 = arith.constant 0 : i32
          %dma_start3A_463 = arith.constant 0 : i32
          %dma_start3A_464 = tpu.memref_slice %arg2[%dma_start3A_462, %dma_start3A_463] : memref<10240x128xf32, #tpu.memory_space<hbm>> -> memref<10240x128xf32, #tpu.memory_space<hbm>>
          tpu.enqueue_indirect_dma source(%dma_start3A_464 : memref<10240x128xf32, #tpu.memory_space<hbm>>) target(%arg8 : memref<80x128xf32, #tpu.memory_space<vmem>>) offsets(%arg12 : memref<80xi32, #tpu.memory_space<vmem>>) semaphore(%arg30 : memref<!tpu.dma_semaphore, #tpu.memory_space<semaphore_mem>>)
        } else {
        }
      } else {
      }
      %eq3A = arith.constant 0 : i32
      %eq3A_218 = arith.cmpi eq, %add3A_209, %eq3A : i32
      %convert_element_type3A_219 = arith.extui %eq3A_218 : i1 to i32
      %cond3A_220 = arith.constant 0 : i32
      %cond3A_221 = arith.cmpi ne, %convert_element_type3A_219, %cond3A_220 : i32
      scf.if %cond3A_221 {
        %mul3A_426 = arith.constant 10000 : i32
        %mul3A_427 = arith.muli %add3A, %mul3A_426 : i32
        %add3A_428 = arith.constant 560 : i32
        %add3A_429 = arith.addi %mul3A_427, %add3A_428 : i32
        %dma_start3A_430 = tpu.memref_slice %arg3[%add3A_429] : memref<640000xi32, #tpu.memory_space<hbm>> -> memref<80xi32, #tpu.memory_space<hbm>>
        %dma_start3A_431 = tpu.memref_slice %arg3[%add3A_429] : memref<640000xi32, #tpu.memory_space<hbm>> -> memref<80xi32, #tpu.memory_space<hbm>>
        tpu.enqueue_dma source(%dma_start3A_431 : memref<80xi32, #tpu.memory_space<hbm>>) target(%arg16 : memref<80xi32, #tpu.memory_space<vmem>>) target_semaphore(%arg42 : memref<!tpu.dma_semaphore, #tpu.memory_space<semaphore_mem>>)
        %add3A_432 = arith.constant 320000 : i32
        %add3A_433 = arith.addi %add3A_432, %add3A_429 : i32
        %dma_start3A_434 = tpu.memref_slice %arg3[%add3A_433] : memref<640000xi32, #tpu.memory_space<hbm>> -> memref<80xi32, #tpu.memory_space<hbm>>
        %dma_start3A_435 = tpu.memref_slice %arg3[%add3A_433] : memref<640000xi32, #tpu.memory_space<hbm>> -> memref<80xi32, #tpu.memory_space<hbm>>
        tpu.enqueue_dma source(%dma_start3A_435 : memref<80xi32, #tpu.memory_space<hbm>>) target(%arg24 : memref<80xi32, #tpu.memory_space<vmem>>) target_semaphore(%arg42 : memref<!tpu.dma_semaphore, #tpu.memory_space<semaphore_mem>>)
        %mul3A_436 = arith.constant 10000 : i32
        %mul3A_437 = arith.muli %add3A, %mul3A_436 : i32
        %add3A_438 = arith.constant 240 : i32
        %add3A_439 = arith.addi %mul3A_437, %add3A_438 : i32
        %dma_wait3A_440 = tpu.memref_slice %arg3[%add3A_439] : memref<640000xi32, #tpu.memory_space<hbm>> -> memref<80xi32, #tpu.memory_space<hbm>>
        %dma_wait3A_441 = tpu.memref_slice %arg3[%add3A_439] : memref<640000xi32, #tpu.memory_space<hbm>> -> memref<80xi32, #tpu.memory_space<hbm>>
        tpu.wait_dma2 semaphore(%arg38 : memref<!tpu.dma_semaphore, #tpu.memory_space<semaphore_mem>>) src(%dma_wait3A_441 : memref<80xi32, #tpu.memory_space<hbm>>) dst(%arg12 : memref<80xi32, #tpu.memory_space<vmem>>)
        %add3A_442 = arith.constant 320000 : i32
        %add3A_443 = arith.addi %add3A_442, %add3A_439 : i32
        %dma_wait3A_444 = tpu.memref_slice %arg3[%add3A_443] : memref<640000xi32, #tpu.memory_space<hbm>> -> memref<80xi32, #tpu.memory_space<hbm>>
        %dma_wait3A_445 = tpu.memref_slice %arg3[%add3A_443] : memref<640000xi32, #tpu.memory_space<hbm>> -> memref<80xi32, #tpu.memory_space<hbm>>
        tpu.wait_dma2 semaphore(%arg38 : memref<!tpu.dma_semaphore, #tpu.memory_space<semaphore_mem>>) src(%dma_wait3A_445 : memref<80xi32, #tpu.memory_space<hbm>>) dst(%arg20 : memref<80xi32, #tpu.memory_space<vmem>>)
        %dma_start3A_446 = arith.constant 0 : i32
        %dma_start3A_447 = arith.constant 0 : i32
        %dma_start3A_448 = tpu.memref_slice %arg2[%dma_start3A_446, %dma_start3A_447] : memref<10240x128xf32, #tpu.memory_space<hbm>> -> memref<10240x128xf32, #tpu.memory_space<hbm>>
        tpu.enqueue_indirect_dma source(%dma_start3A_448 : memref<10240x128xf32, #tpu.memory_space<hbm>>) target(%arg8 : memref<80x128xf32, #tpu.memory_space<vmem>>) offsets(%arg12 : memref<80xi32, #tpu.memory_space<vmem>>) semaphore(%arg30 : memref<!tpu.dma_semaphore, #tpu.memory_space<semaphore_mem>>)
      } else {
      }
      %mul3A_222 = arith.constant 8 : i32
      %mul3A_223 = arith.muli %scan3A_205, %mul3A_222 : i32
      %add3A_224 = arith.constant 1 : i32
      %add3A_225 = arith.addi %mul3A_223, %add3A_224 : i32
      %dma_wait3A_226 = arith.constant 0 : i32
      %dma_wait3A_227 = arith.constant 0 : i32
      %dma_wait3A_228 = tpu.memref_slice %arg2[%dma_wait3A_226, %dma_wait3A_227] : memref<10240x128xf32, #tpu.memory_space<hbm>> -> memref<10240x128xf32, #tpu.memory_space<hbm>>
      tpu.wait_indirect_dma semaphore(%arg28 : memref<!tpu.dma_semaphore, #tpu.memory_space<semaphore_mem>>) src(%dma_wait3A_228 : memref<10240x128xf32, #tpu.memory_space<hbm>>) dst(%arg6 : memref<80x128xf32, #tpu.memory_space<vmem>>)
      %dma_start3A_229 = arith.constant 0 : i32
      %dma_start3A_230 = arith.constant 0 : i32
      %dma_start3A_231 = tpu.memref_slice %arg25[%dma_start3A_229, %dma_start3A_230] : memref<10240x128xf32, #tpu.memory_space<vmem_shared>> -> memref<10240x128xf32, #tpu.memory_space<vmem_shared>>
      tpu.enqueue_indirect_dma source(%arg6 : memref<80x128xf32, #tpu.memory_space<vmem>>) target(%dma_start3A_231 : memref<10240x128xf32, #tpu.memory_space<vmem_shared>>) offsets(%arg18 : memref<80xi32, #tpu.memory_space<vmem>>) semaphore(%arg32 : memref<!tpu.dma_semaphore, #tpu.memory_space<semaphore_mem>>) {add = true}
      %dma_wait3A_232 = arith.constant 0 : i32
      %dma_wait3A_233 = arith.constant 0 : i32
      %dma_wait3A_234 = tpu.memref_slice %arg25[%dma_wait3A_232, %dma_wait3A_233] : memref<10240x128xf32, #tpu.memory_space<vmem_shared>> -> memref<10240x128xf32, #tpu.memory_space<vmem_shared>>
      tpu.wait_indirect_dma semaphore(%arg31 : memref<!tpu.dma_semaphore, #tpu.memory_space<semaphore_mem>>) src(%arg5 : memref<80x128xf32, #tpu.memory_space<vmem>>) dst(%dma_wait3A_234 : memref<10240x128xf32, #tpu.memory_space<vmem_shared>>)
      %add3A_235 = arith.constant 8 : i32
      %add3A_236 = arith.addi %add3A_225, %add3A_235 : i32
      %sub3A = arith.constant 1 : i32
      %sub3A_237 = arith.subi %add3A_236, %sub3A : i32
      %lt3A = arith.constant 125 : i32
      %lt3A_238 = arith.cmpi slt, %sub3A_237, %lt3A : i32
      %convert_element_type3A_239 = arith.extui %lt3A_238 : i1 to i32
      %cond3A_240 = arith.constant 0 : i32
      %cond3A_241 = arith.cmpi ne, %convert_element_type3A_239, %cond3A_240 : i32
      scf.if %cond3A_241 {
        %add3A_426 = arith.constant 8 : i32
        %add3A_427 = arith.addi %add3A_225, %add3A_426 : i32
        %sub3A_428 = arith.constant 1 : i32
        %sub3A_429 = arith.subi %add3A_427, %sub3A_428 : i32
        %mul3A_430 = arith.constant 10000 : i32
        %mul3A_431 = arith.muli %add3A, %mul3A_430 : i32
        %mul3A_432 = arith.constant 80 : i32
        %mul3A_433 = arith.muli %sub3A_429, %mul3A_432 : i32
        %add3A_434 = arith.addi %mul3A_431, %mul3A_433 : i32
        %dma_start3A_435 = tpu.memref_slice %arg3[%add3A_434] : memref<640000xi32, #tpu.memory_space<hbm>> -> memref<80xi32, #tpu.memory_space<hbm>>
        %dma_start3A_436 = tpu.memref_slice %arg3[%add3A_434] : memref<640000xi32, #tpu.memory_space<hbm>> -> memref<80xi32, #tpu.memory_space<hbm>>
        tpu.enqueue_dma source(%dma_start3A_436 : memref<80xi32, #tpu.memory_space<hbm>>) target(%arg9 : memref<80xi32, #tpu.memory_space<vmem>>) target_semaphore(%arg35 : memref<!tpu.dma_semaphore, #tpu.memory_space<semaphore_mem>>)
        %add3A_437 = arith.constant 320000 : i32
        %add3A_438 = arith.addi %add3A_437, %add3A_434 : i32
        %dma_start3A_439 = tpu.memref_slice %arg3[%add3A_438] : memref<640000xi32, #tpu.memory_space<hbm>> -> memref<80xi32, #tpu.memory_space<hbm>>
        %dma_start3A_440 = tpu.memref_slice %arg3[%add3A_438] : memref<640000xi32, #tpu.memory_space<hbm>> -> memref<80xi32, #tpu.memory_space<hbm>>
        tpu.enqueue_dma source(%dma_start3A_440 : memref<80xi32, #tpu.memory_space<hbm>>) target(%arg17 : memref<80xi32, #tpu.memory_space<vmem>>) target_semaphore(%arg35 : memref<!tpu.dma_semaphore, #tpu.memory_space<semaphore_mem>>)
      } else {
      }
      %add3A_242 = arith.constant 4 : i32
      %add3A_243 = arith.addi %add3A_225, %add3A_242 : i32
      %sub3A_244 = arith.constant 1 : i32
      %sub3A_245 = arith.subi %add3A_243, %sub3A_244 : i32
      %lt3A_246 = arith.constant 125 : i32
      %lt3A_247 = arith.cmpi slt, %sub3A_245, %lt3A_246 : i32
      %convert_element_type3A_248 = arith.extui %lt3A_247 : i1 to i32
      %cond3A_249 = arith.constant 0 : i32
      %cond3A_250 = arith.cmpi ne, %convert_element_type3A_248, %cond3A_249 : i32
      scf.if %cond3A_250 {
        %add3A_426 = arith.constant 4 : i32
        %add3A_427 = arith.addi %add3A_225, %add3A_426 : i32
        %sub3A_428 = arith.constant 1 : i32
        %sub3A_429 = arith.subi %add3A_427, %sub3A_428 : i32
        %mul3A_430 = arith.constant 10000 : i32
        %mul3A_431 = arith.muli %add3A, %mul3A_430 : i32
        %mul3A_432 = arith.constant 80 : i32
        %mul3A_433 = arith.muli %sub3A_429, %mul3A_432 : i32
        %add3A_434 = arith.addi %mul3A_431, %mul3A_433 : i32
        %dma_wait3A_435 = tpu.memref_slice %arg3[%add3A_434] : memref<640000xi32, #tpu.memory_space<hbm>> -> memref<80xi32, #tpu.memory_space<hbm>>
        %dma_wait3A_436 = tpu.memref_slice %arg3[%add3A_434] : memref<640000xi32, #tpu.memory_space<hbm>> -> memref<80xi32, #tpu.memory_space<hbm>>
        tpu.wait_dma2 semaphore(%arg39 : memref<!tpu.dma_semaphore, #tpu.memory_space<semaphore_mem>>) src(%dma_wait3A_436 : memref<80xi32, #tpu.memory_space<hbm>>) dst(%arg13 : memref<80xi32, #tpu.memory_space<vmem>>)
        %add3A_437 = arith.constant 320000 : i32
        %add3A_438 = arith.addi %add3A_437, %add3A_434 : i32
        %dma_wait3A_439 = tpu.memref_slice %arg3[%add3A_438] : memref<640000xi32, #tpu.memory_space<hbm>> -> memref<80xi32, #tpu.memory_space<hbm>>
        %dma_wait3A_440 = tpu.memref_slice %arg3[%add3A_438] : memref<640000xi32, #tpu.memory_space<hbm>> -> memref<80xi32, #tpu.memory_space<hbm>>
        tpu.wait_dma2 semaphore(%arg39 : memref<!tpu.dma_semaphore, #tpu.memory_space<semaphore_mem>>) src(%dma_wait3A_440 : memref<80xi32, #tpu.memory_space<hbm>>) dst(%arg21 : memref<80xi32, #tpu.memory_space<vmem>>)
        %dma_start3A_441 = arith.constant 0 : i32
        %dma_start3A_442 = arith.constant 0 : i32
        %dma_start3A_443 = tpu.memref_slice %arg2[%dma_start3A_441, %dma_start3A_442] : memref<10240x128xf32, #tpu.memory_space<hbm>> -> memref<10240x128xf32, #tpu.memory_space<hbm>>
        tpu.enqueue_indirect_dma source(%dma_start3A_443 : memref<10240x128xf32, #tpu.memory_space<hbm>>) target(%arg5 : memref<80x128xf32, #tpu.memory_space<vmem>>) offsets(%arg13 : memref<80xi32, #tpu.memory_space<vmem>>) semaphore(%arg27 : memref<!tpu.dma_semaphore, #tpu.memory_space<semaphore_mem>>)
      } else {
      }
      %mul3A_251 = arith.constant 8 : i32
      %mul3A_252 = arith.muli %scan3A_205, %mul3A_251 : i32
      %add3A_253 = arith.constant 2 : i32
      %add3A_254 = arith.addi %mul3A_252, %add3A_253 : i32
      %dma_wait3A_255 = arith.constant 0 : i32
      %dma_wait3A_256 = arith.constant 0 : i32
      %dma_wait3A_257 = tpu.memref_slice %arg2[%dma_wait3A_255, %dma_wait3A_256] : memref<10240x128xf32, #tpu.memory_space<hbm>> -> memref<10240x128xf32, #tpu.memory_space<hbm>>
      tpu.wait_indirect_dma semaphore(%arg29 : memref<!tpu.dma_semaphore, #tpu.memory_space<semaphore_mem>>) src(%dma_wait3A_257 : memref<10240x128xf32, #tpu.memory_space<hbm>>) dst(%arg7 : memref<80x128xf32, #tpu.memory_space<vmem>>)
      %dma_start3A_258 = arith.constant 0 : i32
      %dma_start3A_259 = arith.constant 0 : i32
      %dma_start3A_260 = tpu.memref_slice %arg25[%dma_start3A_258, %dma_start3A_259] : memref<10240x128xf32, #tpu.memory_space<vmem_shared>> -> memref<10240x128xf32, #tpu.memory_space<vmem_shared>>
      tpu.enqueue_indirect_dma source(%arg7 : memref<80x128xf32, #tpu.memory_space<vmem>>) target(%dma_start3A_260 : memref<10240x128xf32, #tpu.memory_space<vmem_shared>>) offsets(%arg19 : memref<80xi32, #tpu.memory_space<vmem>>) semaphore(%arg33 : memref<!tpu.dma_semaphore, #tpu.memory_space<semaphore_mem>>) {add = true}
      %dma_wait3A_261 = arith.constant 0 : i32
      %dma_wait3A_262 = arith.constant 0 : i32
      %dma_wait3A_263 = tpu.memref_slice %arg25[%dma_wait3A_261, %dma_wait3A_262] : memref<10240x128xf32, #tpu.memory_space<vmem_shared>> -> memref<10240x128xf32, #tpu.memory_space<vmem_shared>>
      tpu.wait_indirect_dma semaphore(%arg32 : memref<!tpu.dma_semaphore, #tpu.memory_space<semaphore_mem>>) src(%arg6 : memref<80x128xf32, #tpu.memory_space<vmem>>) dst(%dma_wait3A_263 : memref<10240x128xf32, #tpu.memory_space<vmem_shared>>)
      %add3A_264 = arith.constant 8 : i32
      %add3A_265 = arith.addi %add3A_254, %add3A_264 : i32
      %sub3A_266 = arith.constant 1 : i32
      %sub3A_267 = arith.subi %add3A_265, %sub3A_266 : i32
      %lt3A_268 = arith.constant 125 : i32
      %lt3A_269 = arith.cmpi slt, %sub3A_267, %lt3A_268 : i32
      %convert_element_type3A_270 = arith.extui %lt3A_269 : i1 to i32
      %cond3A_271 = arith.constant 0 : i32
      %cond3A_272 = arith.cmpi ne, %convert_element_type3A_270, %cond3A_271 : i32
      scf.if %cond3A_272 {
        %add3A_426 = arith.constant 8 : i32
        %add3A_427 = arith.addi %add3A_254, %add3A_426 : i32
        %sub3A_428 = arith.constant 1 : i32
        %sub3A_429 = arith.subi %add3A_427, %sub3A_428 : i32
        %mul3A_430 = arith.constant 10000 : i32
        %mul3A_431 = arith.muli %add3A, %mul3A_430 : i32
        %mul3A_432 = arith.constant 80 : i32
        %mul3A_433 = arith.muli %sub3A_429, %mul3A_432 : i32
        %add3A_434 = arith.addi %mul3A_431, %mul3A_433 : i32
        %dma_start3A_435 = tpu.memref_slice %arg3[%add3A_434] : memref<640000xi32, #tpu.memory_space<hbm>> -> memref<80xi32, #tpu.memory_space<hbm>>
        %dma_start3A_436 = tpu.memref_slice %arg3[%add3A_434] : memref<640000xi32, #tpu.memory_space<hbm>> -> memref<80xi32, #tpu.memory_space<hbm>>
        tpu.enqueue_dma source(%dma_start3A_436 : memref<80xi32, #tpu.memory_space<hbm>>) target(%arg10 : memref<80xi32, #tpu.memory_space<vmem>>) target_semaphore(%arg36 : memref<!tpu.dma_semaphore, #tpu.memory_space<semaphore_mem>>)
        %add3A_437 = arith.constant 320000 : i32
        %add3A_438 = arith.addi %add3A_437, %add3A_434 : i32
        %dma_start3A_439 = tpu.memref_slice %arg3[%add3A_438] : memref<640000xi32, #tpu.memory_space<hbm>> -> memref<80xi32, #tpu.memory_space<hbm>>
        %dma_start3A_440 = tpu.memref_slice %arg3[%add3A_438] : memref<640000xi32, #tpu.memory_space<hbm>> -> memref<80xi32, #tpu.memory_space<hbm>>
        tpu.enqueue_dma source(%dma_start3A_440 : memref<80xi32, #tpu.memory_space<hbm>>) target(%arg18 : memref<80xi32, #tpu.memory_space<vmem>>) target_semaphore(%arg36 : memref<!tpu.dma_semaphore, #tpu.memory_space<semaphore_mem>>)
      } else {
      }
      %add3A_273 = arith.constant 4 : i32
      %add3A_274 = arith.addi %add3A_254, %add3A_273 : i32
      %sub3A_275 = arith.constant 1 : i32
      %sub3A_276 = arith.subi %add3A_274, %sub3A_275 : i32
      %lt3A_277 = arith.constant 125 : i32
      %lt3A_278 = arith.cmpi slt, %sub3A_276, %lt3A_277 : i32
      %convert_element_type3A_279 = arith.extui %lt3A_278 : i1 to i32
      %cond3A_280 = arith.constant 0 : i32
      %cond3A_281 = arith.cmpi ne, %convert_element_type3A_279, %cond3A_280 : i32
      scf.if %cond3A_281 {
        %add3A_426 = arith.constant 4 : i32
        %add3A_427 = arith.addi %add3A_254, %add3A_426 : i32
        %sub3A_428 = arith.constant 1 : i32
        %sub3A_429 = arith.subi %add3A_427, %sub3A_428 : i32
        %mul3A_430 = arith.constant 10000 : i32
        %mul3A_431 = arith.muli %add3A, %mul3A_430 : i32
        %mul3A_432 = arith.constant 80 : i32
        %mul3A_433 = arith.muli %sub3A_429, %mul3A_432 : i32
        %add3A_434 = arith.addi %mul3A_431, %mul3A_433 : i32
        %dma_wait3A_435 = tpu.memref_slice %arg3[%add3A_434] : memref<640000xi32, #tpu.memory_space<hbm>> -> memref<80xi32, #tpu.memory_space<hbm>>
        %dma_wait3A_436 = tpu.memref_slice %arg3[%add3A_434] : memref<640000xi32, #tpu.memory_space<hbm>> -> memref<80xi32, #tpu.memory_space<hbm>>
        tpu.wait_dma2 semaphore(%arg40 : memref<!tpu.dma_semaphore, #tpu.memory_space<semaphore_mem>>) src(%dma_wait3A_436 : memref<80xi32, #tpu.memory_space<hbm>>) dst(%arg14 : memref<80xi32, #tpu.memory_space<vmem>>)
        %add3A_437 = arith.constant 320000 : i32
        %add3A_438 = arith.addi %add3A_437, %add3A_434 : i32
        %dma_wait3A_439 = tpu.memref_slice %arg3[%add3A_438] : memref<640000xi32, #tpu.memory_space<hbm>> -> memref<80xi32, #tpu.memory_space<hbm>>
        %dma_wait3A_440 = tpu.memref_slice %arg3[%add3A_438] : memref<640000xi32, #tpu.memory_space<hbm>> -> memref<80xi32, #tpu.memory_space<hbm>>
        tpu.wait_dma2 semaphore(%arg40 : memref<!tpu.dma_semaphore, #tpu.memory_space<semaphore_mem>>) src(%dma_wait3A_440 : memref<80xi32, #tpu.memory_space<hbm>>) dst(%arg22 : memref<80xi32, #tpu.memory_space<vmem>>)
        %dma_start3A_441 = arith.constant 0 : i32
        %dma_start3A_442 = arith.constant 0 : i32
        %dma_start3A_443 = tpu.memref_slice %arg2[%dma_start3A_441, %dma_start3A_442] : memref<10240x128xf32, #tpu.memory_space<hbm>> -> memref<10240x128xf32, #tpu.memory_space<hbm>>
        tpu.enqueue_indirect_dma source(%dma_start3A_443 : memref<10240x128xf32, #tpu.memory_space<hbm>>) target(%arg6 : memref<80x128xf32, #tpu.memory_space<vmem>>) offsets(%arg14 : memref<80xi32, #tpu.memory_space<vmem>>) semaphore(%arg28 : memref<!tpu.dma_semaphore, #tpu.memory_space<semaphore_mem>>)
      } else {
      }
      %mul3A_282 = arith.constant 8 : i32
      %mul3A_283 = arith.muli %scan3A_205, %mul3A_282 : i32
      %add3A_284 = arith.constant 3 : i32
      %add3A_285 = arith.addi %mul3A_283, %add3A_284 : i32
      %dma_wait3A_286 = arith.constant 0 : i32
      %dma_wait3A_287 = arith.constant 0 : i32
      %dma_wait3A_288 = tpu.memref_slice %arg2[%dma_wait3A_286, %dma_wait3A_287] : memref<10240x128xf32, #tpu.memory_space<hbm>> -> memref<10240x128xf32, #tpu.memory_space<hbm>>
      tpu.wait_indirect_dma semaphore(%arg30 : memref<!tpu.dma_semaphore, #tpu.memory_space<semaphore_mem>>) src(%dma_wait3A_288 : memref<10240x128xf32, #tpu.memory_space<hbm>>) dst(%arg8 : memref<80x128xf32, #tpu.memory_space<vmem>>)
      %dma_start3A_289 = arith.constant 0 : i32
      %dma_start3A_290 = arith.constant 0 : i32
      %dma_start3A_291 = tpu.memref_slice %arg25[%dma_start3A_289, %dma_start3A_290] : memref<10240x128xf32, #tpu.memory_space<vmem_shared>> -> memref<10240x128xf32, #tpu.memory_space<vmem_shared>>
      tpu.enqueue_indirect_dma source(%arg8 : memref<80x128xf32, #tpu.memory_space<vmem>>) target(%dma_start3A_291 : memref<10240x128xf32, #tpu.memory_space<vmem_shared>>) offsets(%arg20 : memref<80xi32, #tpu.memory_space<vmem>>) semaphore(%arg34 : memref<!tpu.dma_semaphore, #tpu.memory_space<semaphore_mem>>) {add = true}
      %dma_wait3A_292 = arith.constant 0 : i32
      %dma_wait3A_293 = arith.constant 0 : i32
      %dma_wait3A_294 = tpu.memref_slice %arg25[%dma_wait3A_292, %dma_wait3A_293] : memref<10240x128xf32, #tpu.memory_space<vmem_shared>> -> memref<10240x128xf32, #tpu.memory_space<vmem_shared>>
      tpu.wait_indirect_dma semaphore(%arg33 : memref<!tpu.dma_semaphore, #tpu.memory_space<semaphore_mem>>) src(%arg7 : memref<80x128xf32, #tpu.memory_space<vmem>>) dst(%dma_wait3A_294 : memref<10240x128xf32, #tpu.memory_space<vmem_shared>>)
      %add3A_295 = arith.constant 8 : i32
      %add3A_296 = arith.addi %add3A_285, %add3A_295 : i32
      %sub3A_297 = arith.constant 1 : i32
      %sub3A_298 = arith.subi %add3A_296, %sub3A_297 : i32
      %lt3A_299 = arith.constant 125 : i32
      %lt3A_300 = arith.cmpi slt, %sub3A_298, %lt3A_299 : i32
      %convert_element_type3A_301 = arith.extui %lt3A_300 : i1 to i32
      %cond3A_302 = arith.constant 0 : i32
      %cond3A_303 = arith.cmpi ne, %convert_element_type3A_301, %cond3A_302 : i32
      scf.if %cond3A_303 {
        %add3A_426 = arith.constant 8 : i32
        %add3A_427 = arith.addi %add3A_285, %add3A_426 : i32
        %sub3A_428 = arith.constant 1 : i32
        %sub3A_429 = arith.subi %add3A_427, %sub3A_428 : i32
        %mul3A_430 = arith.constant 10000 : i32
        %mul3A_431 = arith.muli %add3A, %mul3A_430 : i32
        %mul3A_432 = arith.constant 80 : i32
        %mul3A_433 = arith.muli %sub3A_429, %mul3A_432 : i32
        %add3A_434 = arith.addi %mul3A_431, %mul3A_433 : i32
        %dma_start3A_435 = tpu.memref_slice %arg3[%add3A_434] : memref<640000xi32, #tpu.memory_space<hbm>> -> memref<80xi32, #tpu.memory_space<hbm>>
        %dma_start3A_436 = tpu.memref_slice %arg3[%add3A_434] : memref<640000xi32, #tpu.memory_space<hbm>> -> memref<80xi32, #tpu.memory_space<hbm>>
        tpu.enqueue_dma source(%dma_start3A_436 : memref<80xi32, #tpu.memory_space<hbm>>) target(%arg11 : memref<80xi32, #tpu.memory_space<vmem>>) target_semaphore(%arg37 : memref<!tpu.dma_semaphore, #tpu.memory_space<semaphore_mem>>)
        %add3A_437 = arith.constant 320000 : i32
        %add3A_438 = arith.addi %add3A_437, %add3A_434 : i32
        %dma_start3A_439 = tpu.memref_slice %arg3[%add3A_438] : memref<640000xi32, #tpu.memory_space<hbm>> -> memref<80xi32, #tpu.memory_space<hbm>>
        %dma_start3A_440 = tpu.memref_slice %arg3[%add3A_438] : memref<640000xi32, #tpu.memory_space<hbm>> -> memref<80xi32, #tpu.memory_space<hbm>>
        tpu.enqueue_dma source(%dma_start3A_440 : memref<80xi32, #tpu.memory_space<hbm>>) target(%arg19 : memref<80xi32, #tpu.memory_space<vmem>>) target_semaphore(%arg37 : memref<!tpu.dma_semaphore, #tpu.memory_space<semaphore_mem>>)
      } else {
      }
      %add3A_304 = arith.constant 4 : i32
      %add3A_305 = arith.addi %add3A_285, %add3A_304 : i32
      %sub3A_306 = arith.constant 1 : i32
      %sub3A_307 = arith.subi %add3A_305, %sub3A_306 : i32
      %lt3A_308 = arith.constant 125 : i32
      %lt3A_309 = arith.cmpi slt, %sub3A_307, %lt3A_308 : i32
      %convert_element_type3A_310 = arith.extui %lt3A_309 : i1 to i32
      %cond3A_311 = arith.constant 0 : i32
      %cond3A_312 = arith.cmpi ne, %convert_element_type3A_310, %cond3A_311 : i32
      scf.if %cond3A_312 {
        %add3A_426 = arith.constant 4 : i32
        %add3A_427 = arith.addi %add3A_285, %add3A_426 : i32
        %sub3A_428 = arith.constant 1 : i32
        %sub3A_429 = arith.subi %add3A_427, %sub3A_428 : i32
        %mul3A_430 = arith.constant 10000 : i32
        %mul3A_431 = arith.muli %add3A, %mul3A_430 : i32
        %mul3A_432 = arith.constant 80 : i32
        %mul3A_433 = arith.muli %sub3A_429, %mul3A_432 : i32
        %add3A_434 = arith.addi %mul3A_431, %mul3A_433 : i32
        %dma_wait3A_435 = tpu.memref_slice %arg3[%add3A_434] : memref<640000xi32, #tpu.memory_space<hbm>> -> memref<80xi32, #tpu.memory_space<hbm>>
        %dma_wait3A_436 = tpu.memref_slice %arg3[%add3A_434] : memref<640000xi32, #tpu.memory_space<hbm>> -> memref<80xi32, #tpu.memory_space<hbm>>
        tpu.wait_dma2 semaphore(%arg41 : memref<!tpu.dma_semaphore, #tpu.memory_space<semaphore_mem>>) src(%dma_wait3A_436 : memref<80xi32, #tpu.memory_space<hbm>>) dst(%arg15 : memref<80xi32, #tpu.memory_space<vmem>>)
        %add3A_437 = arith.constant 320000 : i32
        %add3A_438 = arith.addi %add3A_437, %add3A_434 : i32
        %dma_wait3A_439 = tpu.memref_slice %arg3[%add3A_438] : memref<640000xi32, #tpu.memory_space<hbm>> -> memref<80xi32, #tpu.memory_space<hbm>>
        %dma_wait3A_440 = tpu.memref_slice %arg3[%add3A_438] : memref<640000xi32, #tpu.memory_space<hbm>> -> memref<80xi32, #tpu.memory_space<hbm>>
        tpu.wait_dma2 semaphore(%arg41 : memref<!tpu.dma_semaphore, #tpu.memory_space<semaphore_mem>>) src(%dma_wait3A_440 : memref<80xi32, #tpu.memory_space<hbm>>) dst(%arg23 : memref<80xi32, #tpu.memory_space<vmem>>)
        %dma_start3A_441 = arith.constant 0 : i32
        %dma_start3A_442 = arith.constant 0 : i32
        %dma_start3A_443 = tpu.memref_slice %arg2[%dma_start3A_441, %dma_start3A_442] : memref<10240x128xf32, #tpu.memory_space<hbm>> -> memref<10240x128xf32, #tpu.memory_space<hbm>>
        tpu.enqueue_indirect_dma source(%dma_start3A_443 : memref<10240x128xf32, #tpu.memory_space<hbm>>) target(%arg7 : memref<80x128xf32, #tpu.memory_space<vmem>>) offsets(%arg15 : memref<80xi32, #tpu.memory_space<vmem>>) semaphore(%arg29 : memref<!tpu.dma_semaphore, #tpu.memory_space<semaphore_mem>>)
      } else {
      }
      %mul3A_313 = arith.constant 8 : i32
      %mul3A_314 = arith.muli %scan3A_205, %mul3A_313 : i32
      %add3A_315 = arith.constant 4 : i32
      %add3A_316 = arith.addi %mul3A_314, %add3A_315 : i32
      %dma_wait3A_317 = arith.constant 0 : i32
      %dma_wait3A_318 = arith.constant 0 : i32
      %dma_wait3A_319 = tpu.memref_slice %arg2[%dma_wait3A_317, %dma_wait3A_318] : memref<10240x128xf32, #tpu.memory_space<hbm>> -> memref<10240x128xf32, #tpu.memory_space<hbm>>
      tpu.wait_indirect_dma semaphore(%arg27 : memref<!tpu.dma_semaphore, #tpu.memory_space<semaphore_mem>>) src(%dma_wait3A_319 : memref<10240x128xf32, #tpu.memory_space<hbm>>) dst(%arg5 : memref<80x128xf32, #tpu.memory_space<vmem>>)
      %dma_start3A_320 = arith.constant 0 : i32
      %dma_start3A_321 = arith.constant 0 : i32
      %dma_start3A_322 = tpu.memref_slice %arg25[%dma_start3A_320, %dma_start3A_321] : memref<10240x128xf32, #tpu.memory_space<vmem_shared>> -> memref<10240x128xf32, #tpu.memory_space<vmem_shared>>
      tpu.enqueue_indirect_dma source(%arg5 : memref<80x128xf32, #tpu.memory_space<vmem>>) target(%dma_start3A_322 : memref<10240x128xf32, #tpu.memory_space<vmem_shared>>) offsets(%arg21 : memref<80xi32, #tpu.memory_space<vmem>>) semaphore(%arg31 : memref<!tpu.dma_semaphore, #tpu.memory_space<semaphore_mem>>) {add = true}
      %ge3A_323 = arith.constant 1 : i32
      %ge3A_324 = arith.cmpi sge, %add3A_316, %ge3A_323 : i32
      %convert_element_type3A_325 = arith.extui %ge3A_324 : i1 to i32
      %cond3A_326 = arith.constant 0 : i32
      %cond3A_327 = arith.cmpi ne, %convert_element_type3A_325, %cond3A_326 : i32
      scf.if %cond3A_327 {
        %dma_wait3A_426 = arith.constant 0 : i32
        %dma_wait3A_427 = arith.constant 0 : i32
        %dma_wait3A_428 = tpu.memref_slice %arg25[%dma_wait3A_426, %dma_wait3A_427] : memref<10240x128xf32, #tpu.memory_space<vmem_shared>> -> memref<10240x128xf32, #tpu.memory_space<vmem_shared>>
        tpu.wait_indirect_dma semaphore(%arg34 : memref<!tpu.dma_semaphore, #tpu.memory_space<semaphore_mem>>) src(%arg8 : memref<80x128xf32, #tpu.memory_space<vmem>>) dst(%dma_wait3A_428 : memref<10240x128xf32, #tpu.memory_space<vmem_shared>>)
        %add3A_429 = arith.constant 8 : i32
        %add3A_430 = arith.addi %add3A_316, %add3A_429 : i32
        %sub3A_431 = arith.constant 1 : i32
        %sub3A_432 = arith.subi %add3A_430, %sub3A_431 : i32
        %lt3A_433 = arith.constant 125 : i32
        %lt3A_434 = arith.cmpi slt, %sub3A_432, %lt3A_433 : i32
        %convert_element_type3A_435 = arith.extui %lt3A_434 : i1 to i32
        %cond3A_436 = arith.constant 0 : i32
        %cond3A_437 = arith.cmpi ne, %convert_element_type3A_435, %cond3A_436 : i32
        scf.if %cond3A_437 {
          %add3A_447 = arith.constant 8 : i32
          %add3A_448 = arith.addi %add3A_316, %add3A_447 : i32
          %sub3A_449 = arith.constant 1 : i32
          %sub3A_450 = arith.subi %add3A_448, %sub3A_449 : i32
          %mul3A_451 = arith.constant 10000 : i32
          %mul3A_452 = arith.muli %add3A, %mul3A_451 : i32
          %mul3A_453 = arith.constant 80 : i32
          %mul3A_454 = arith.muli %sub3A_450, %mul3A_453 : i32
          %add3A_455 = arith.addi %mul3A_452, %mul3A_454 : i32
          %dma_start3A_456 = tpu.memref_slice %arg3[%add3A_455] : memref<640000xi32, #tpu.memory_space<hbm>> -> memref<80xi32, #tpu.memory_space<hbm>>
          %dma_start3A_457 = tpu.memref_slice %arg3[%add3A_455] : memref<640000xi32, #tpu.memory_space<hbm>> -> memref<80xi32, #tpu.memory_space<hbm>>
          tpu.enqueue_dma source(%dma_start3A_457 : memref<80xi32, #tpu.memory_space<hbm>>) target(%arg12 : memref<80xi32, #tpu.memory_space<vmem>>) target_semaphore(%arg38 : memref<!tpu.dma_semaphore, #tpu.memory_space<semaphore_mem>>)
          %add3A_458 = arith.constant 320000 : i32
          %add3A_459 = arith.addi %add3A_458, %add3A_455 : i32
          %dma_start3A_460 = tpu.memref_slice %arg3[%add3A_459] : memref<640000xi32, #tpu.memory_space<hbm>> -> memref<80xi32, #tpu.memory_space<hbm>>
          %dma_start3A_461 = tpu.memref_slice %arg3[%add3A_459] : memref<640000xi32, #tpu.memory_space<hbm>> -> memref<80xi32, #tpu.memory_space<hbm>>
          tpu.enqueue_dma source(%dma_start3A_461 : memref<80xi32, #tpu.memory_space<hbm>>) target(%arg20 : memref<80xi32, #tpu.memory_space<vmem>>) target_semaphore(%arg38 : memref<!tpu.dma_semaphore, #tpu.memory_space<semaphore_mem>>)
        } else {
        }
        %add3A_438 = arith.constant 4 : i32
        %add3A_439 = arith.addi %add3A_316, %add3A_438 : i32
        %sub3A_440 = arith.constant 1 : i32
        %sub3A_441 = arith.subi %add3A_439, %sub3A_440 : i32
        %lt3A_442 = arith.constant 125 : i32
        %lt3A_443 = arith.cmpi slt, %sub3A_441, %lt3A_442 : i32
        %convert_element_type3A_444 = arith.extui %lt3A_443 : i1 to i32
        %cond3A_445 = arith.constant 0 : i32
        %cond3A_446 = arith.cmpi ne, %convert_element_type3A_444, %cond3A_445 : i32
        scf.if %cond3A_446 {
          %add3A_447 = arith.constant 4 : i32
          %add3A_448 = arith.addi %add3A_316, %add3A_447 : i32
          %sub3A_449 = arith.constant 1 : i32
          %sub3A_450 = arith.subi %add3A_448, %sub3A_449 : i32
          %mul3A_451 = arith.constant 10000 : i32
          %mul3A_452 = arith.muli %add3A, %mul3A_451 : i32
          %mul3A_453 = arith.constant 80 : i32
          %mul3A_454 = arith.muli %sub3A_450, %mul3A_453 : i32
          %add3A_455 = arith.addi %mul3A_452, %mul3A_454 : i32
          %dma_wait3A_456 = tpu.memref_slice %arg3[%add3A_455] : memref<640000xi32, #tpu.memory_space<hbm>> -> memref<80xi32, #tpu.memory_space<hbm>>
          %dma_wait3A_457 = tpu.memref_slice %arg3[%add3A_455] : memref<640000xi32, #tpu.memory_space<hbm>> -> memref<80xi32, #tpu.memory_space<hbm>>
          tpu.wait_dma2 semaphore(%arg42 : memref<!tpu.dma_semaphore, #tpu.memory_space<semaphore_mem>>) src(%dma_wait3A_457 : memref<80xi32, #tpu.memory_space<hbm>>) dst(%arg16 : memref<80xi32, #tpu.memory_space<vmem>>)
          %add3A_458 = arith.constant 320000 : i32
          %add3A_459 = arith.addi %add3A_458, %add3A_455 : i32
          %dma_wait3A_460 = tpu.memref_slice %arg3[%add3A_459] : memref<640000xi32, #tpu.memory_space<hbm>> -> memref<80xi32, #tpu.memory_space<hbm>>
          %dma_wait3A_461 = tpu.memref_slice %arg3[%add3A_459] : memref<640000xi32, #tpu.memory_space<hbm>> -> memref<80xi32, #tpu.memory_space<hbm>>
          tpu.wait_dma2 semaphore(%arg42 : memref<!tpu.dma_semaphore, #tpu.memory_space<semaphore_mem>>) src(%dma_wait3A_461 : memref<80xi32, #tpu.memory_space<hbm>>) dst(%arg24 : memref<80xi32, #tpu.memory_space<vmem>>)
          %dma_start3A_462 = arith.constant 0 : i32
          %dma_start3A_463 = arith.constant 0 : i32
          %dma_start3A_464 = tpu.memref_slice %arg2[%dma_start3A_462, %dma_start3A_463] : memref<10240x128xf32, #tpu.memory_space<hbm>> -> memref<10240x128xf32, #tpu.memory_space<hbm>>
          tpu.enqueue_indirect_dma source(%dma_start3A_464 : memref<10240x128xf32, #tpu.memory_space<hbm>>) target(%arg8 : memref<80x128xf32, #tpu.memory_space<vmem>>) offsets(%arg16 : memref<80xi32, #tpu.memory_space<vmem>>) semaphore(%arg30 : memref<!tpu.dma_semaphore, #tpu.memory_space<semaphore_mem>>)
        } else {
        }
      } else {
      }
      %eq3A_328 = arith.constant 0 : i32
      %eq3A_329 = arith.cmpi eq, %add3A_316, %eq3A_328 : i32
      %convert_element_type3A_330 = arith.extui %eq3A_329 : i1 to i32
      %cond3A_331 = arith.constant 0 : i32
      %cond3A_332 = arith.cmpi ne, %convert_element_type3A_330, %cond3A_331 : i32
      scf.if %cond3A_332 {
        %mul3A_426 = arith.constant 10000 : i32
        %mul3A_427 = arith.muli %add3A, %mul3A_426 : i32
        %add3A_428 = arith.constant 560 : i32
        %add3A_429 = arith.addi %mul3A_427, %add3A_428 : i32
        %dma_start3A_430 = tpu.memref_slice %arg3[%add3A_429] : memref<640000xi32, #tpu.memory_space<hbm>> -> memref<80xi32, #tpu.memory_space<hbm>>
        %dma_start3A_431 = tpu.memref_slice %arg3[%add3A_429] : memref<640000xi32, #tpu.memory_space<hbm>> -> memref<80xi32, #tpu.memory_space<hbm>>
        tpu.enqueue_dma source(%dma_start3A_431 : memref<80xi32, #tpu.memory_space<hbm>>) target(%arg16 : memref<80xi32, #tpu.memory_space<vmem>>) target_semaphore(%arg42 : memref<!tpu.dma_semaphore, #tpu.memory_space<semaphore_mem>>)
        %add3A_432 = arith.constant 320000 : i32
        %add3A_433 = arith.addi %add3A_432, %add3A_429 : i32
        %dma_start3A_434 = tpu.memref_slice %arg3[%add3A_433] : memref<640000xi32, #tpu.memory_space<hbm>> -> memref<80xi32, #tpu.memory_space<hbm>>
        %dma_start3A_435 = tpu.memref_slice %arg3[%add3A_433] : memref<640000xi32, #tpu.memory_space<hbm>> -> memref<80xi32, #tpu.memory_space<hbm>>
        tpu.enqueue_dma source(%dma_start3A_435 : memref<80xi32, #tpu.memory_space<hbm>>) target(%arg24 : memref<80xi32, #tpu.memory_space<vmem>>) target_semaphore(%arg42 : memref<!tpu.dma_semaphore, #tpu.memory_space<semaphore_mem>>)
        %mul3A_436 = arith.constant 10000 : i32
        %mul3A_437 = arith.muli %add3A, %mul3A_436 : i32
        %add3A_438 = arith.constant 240 : i32
        %add3A_439 = arith.addi %mul3A_437, %add3A_438 : i32
        %dma_wait3A_440 = tpu.memref_slice %arg3[%add3A_439] : memref<640000xi32, #tpu.memory_space<hbm>> -> memref<80xi32, #tpu.memory_space<hbm>>
        %dma_wait3A_441 = tpu.memref_slice %arg3[%add3A_439] : memref<640000xi32, #tpu.memory_space<hbm>> -> memref<80xi32, #tpu.memory_space<hbm>>
        tpu.wait_dma2 semaphore(%arg38 : memref<!tpu.dma_semaphore, #tpu.memory_space<semaphore_mem>>) src(%dma_wait3A_441 : memref<80xi32, #tpu.memory_space<hbm>>) dst(%arg12 : memref<80xi32, #tpu.memory_space<vmem>>)
        %add3A_442 = arith.constant 320000 : i32
        %add3A_443 = arith.addi %add3A_442, %add3A_439 : i32
        %dma_wait3A_444 = tpu.memref_slice %arg3[%add3A_443] : memref<640000xi32, #tpu.memory_space<hbm>> -> memref<80xi32, #tpu.memory_space<hbm>>
        %dma_wait3A_445 = tpu.memref_slice %arg3[%add3A_443] : memref<640000xi32, #tpu.memory_space<hbm>> -> memref<80xi32, #tpu.memory_space<hbm>>
        tpu.wait_dma2 semaphore(%arg38 : memref<!tpu.dma_semaphore, #tpu.memory_space<semaphore_mem>>) src(%dma_wait3A_445 : memref<80xi32, #tpu.memory_space<hbm>>) dst(%arg20 : memref<80xi32, #tpu.memory_space<vmem>>)
        %dma_start3A_446 = arith.constant 0 : i32
        %dma_start3A_447 = arith.constant 0 : i32
        %dma_start3A_448 = tpu.memref_slice %arg2[%dma_start3A_446, %dma_start3A_447] : memref<10240x128xf32, #tpu.memory_space<hbm>> -> memref<10240x128xf32, #tpu.memory_space<hbm>>
        tpu.enqueue_indirect_dma source(%dma_start3A_448 : memref<10240x128xf32, #tpu.memory_space<hbm>>) target(%arg8 : memref<80x128xf32, #tpu.memory_space<vmem>>) offsets(%arg12 : memref<80xi32, #tpu.memory_space<vmem>>) semaphore(%arg30 : memref<!tpu.dma_semaphore, #tpu.memory_space<semaphore_mem>>)
      } else {
      }
      %mul3A_333 = arith.constant 8 : i32
      %mul3A_334 = arith.muli %scan3A_205, %mul3A_333 : i32
      %add3A_335 = arith.constant 5 : i32
      %add3A_336 = arith.addi %mul3A_334, %add3A_335 : i32
      %dma_wait3A_337 = arith.constant 0 : i32
      %dma_wait3A_338 = arith.constant 0 : i32
      %dma_wait3A_339 = tpu.memref_slice %arg2[%dma_wait3A_337, %dma_wait3A_338] : memref<10240x128xf32, #tpu.memory_space<hbm>> -> memref<10240x128xf32, #tpu.memory_space<hbm>>
      tpu.wait_indirect_dma semaphore(%arg28 : memref<!tpu.dma_semaphore, #tpu.memory_space<semaphore_mem>>) src(%dma_wait3A_339 : memref<10240x128xf32, #tpu.memory_space<hbm>>) dst(%arg6 : memref<80x128xf32, #tpu.memory_space<vmem>>)
      %dma_start3A_340 = arith.constant 0 : i32
      %dma_start3A_341 = arith.constant 0 : i32
      %dma_start3A_342 = tpu.memref_slice %arg25[%dma_start3A_340, %dma_start3A_341] : memref<10240x128xf32, #tpu.memory_space<vmem_shared>> -> memref<10240x128xf32, #tpu.memory_space<vmem_shared>>
      tpu.enqueue_indirect_dma source(%arg6 : memref<80x128xf32, #tpu.memory_space<vmem>>) target(%dma_start3A_342 : memref<10240x128xf32, #tpu.memory_space<vmem_shared>>) offsets(%arg22 : memref<80xi32, #tpu.memory_space<vmem>>) semaphore(%arg32 : memref<!tpu.dma_semaphore, #tpu.memory_space<semaphore_mem>>) {add = true}
      %dma_wait3A_343 = arith.constant 0 : i32
      %dma_wait3A_344 = arith.constant 0 : i32
      %dma_wait3A_345 = tpu.memref_slice %arg25[%dma_wait3A_343, %dma_wait3A_344] : memref<10240x128xf32, #tpu.memory_space<vmem_shared>> -> memref<10240x128xf32, #tpu.memory_space<vmem_shared>>
      tpu.wait_indirect_dma semaphore(%arg31 : memref<!tpu.dma_semaphore, #tpu.memory_space<semaphore_mem>>) src(%arg5 : memref<80x128xf32, #tpu.memory_space<vmem>>) dst(%dma_wait3A_345 : memref<10240x128xf32, #tpu.memory_space<vmem_shared>>)
      %add3A_346 = arith.constant 8 : i32
      %add3A_347 = arith.addi %add3A_336, %add3A_346 : i32
      %sub3A_348 = arith.constant 1 : i32
      %sub3A_349 = arith.subi %add3A_347, %sub3A_348 : i32
      %lt3A_350 = arith.constant 125 : i32
      %lt3A_351 = arith.cmpi slt, %sub3A_349, %lt3A_350 : i32
      %convert_element_type3A_352 = arith.extui %lt3A_351 : i1 to i32
      %cond3A_353 = arith.constant 0 : i32
      %cond3A_354 = arith.cmpi ne, %convert_element_type3A_352, %cond3A_353 : i32
      scf.if %cond3A_354 {
        %add3A_426 = arith.constant 8 : i32
        %add3A_427 = arith.addi %add3A_336, %add3A_426 : i32
        %sub3A_428 = arith.constant 1 : i32
        %sub3A_429 = arith.subi %add3A_427, %sub3A_428 : i32
        %mul3A_430 = arith.constant 10000 : i32
        %mul3A_431 = arith.muli %add3A, %mul3A_430 : i32
        %mul3A_432 = arith.constant 80 : i32
        %mul3A_433 = arith.muli %sub3A_429, %mul3A_432 : i32
        %add3A_434 = arith.addi %mul3A_431, %mul3A_433 : i32
        %dma_start3A_435 = tpu.memref_slice %arg3[%add3A_434] : memref<640000xi32, #tpu.memory_space<hbm>> -> memref<80xi32, #tpu.memory_space<hbm>>
        %dma_start3A_436 = tpu.memref_slice %arg3[%add3A_434] : memref<640000xi32, #tpu.memory_space<hbm>> -> memref<80xi32, #tpu.memory_space<hbm>>
        tpu.enqueue_dma source(%dma_start3A_436 : memref<80xi32, #tpu.memory_space<hbm>>) target(%arg13 : memref<80xi32, #tpu.memory_space<vmem>>) target_semaphore(%arg39 : memref<!tpu.dma_semaphore, #tpu.memory_space<semaphore_mem>>)
        %add3A_437 = arith.constant 320000 : i32
        %add3A_438 = arith.addi %add3A_437, %add3A_434 : i32
        %dma_start3A_439 = tpu.memref_slice %arg3[%add3A_438] : memref<640000xi32, #tpu.memory_space<hbm>> -> memref<80xi32, #tpu.memory_space<hbm>>
        %dma_start3A_440 = tpu.memref_slice %arg3[%add3A_438] : memref<640000xi32, #tpu.memory_space<hbm>> -> memref<80xi32, #tpu.memory_space<hbm>>
        tpu.enqueue_dma source(%dma_start3A_440 : memref<80xi32, #tpu.memory_space<hbm>>) target(%arg21 : memref<80xi32, #tpu.memory_space<vmem>>) target_semaphore(%arg39 : memref<!tpu.dma_semaphore, #tpu.memory_space<semaphore_mem>>)
      } else {
      }
      %add3A_355 = arith.constant 4 : i32
      %add3A_356 = arith.addi %add3A_336, %add3A_355 : i32
      %sub3A_357 = arith.constant 1 : i32
      %sub3A_358 = arith.subi %add3A_356, %sub3A_357 : i32
      %lt3A_359 = arith.constant 125 : i32
      %lt3A_360 = arith.cmpi slt, %sub3A_358, %lt3A_359 : i32
      %convert_element_type3A_361 = arith.extui %lt3A_360 : i1 to i32
      %cond3A_362 = arith.constant 0 : i32
      %cond3A_363 = arith.cmpi ne, %convert_element_type3A_361, %cond3A_362 : i32
      scf.if %cond3A_363 {
        %add3A_426 = arith.constant 4 : i32
        %add3A_427 = arith.addi %add3A_336, %add3A_426 : i32
        %sub3A_428 = arith.constant 1 : i32
        %sub3A_429 = arith.subi %add3A_427, %sub3A_428 : i32
        %mul3A_430 = arith.constant 10000 : i32
        %mul3A_431 = arith.muli %add3A, %mul3A_430 : i32
        %mul3A_432 = arith.constant 80 : i32
        %mul3A_433 = arith.muli %sub3A_429, %mul3A_432 : i32
        %add3A_434 = arith.addi %mul3A_431, %mul3A_433 : i32
        %dma_wait3A_435 = tpu.memref_slice %arg3[%add3A_434] : memref<640000xi32, #tpu.memory_space<hbm>> -> memref<80xi32, #tpu.memory_space<hbm>>
        %dma_wait3A_436 = tpu.memref_slice %arg3[%add3A_434] : memref<640000xi32, #tpu.memory_space<hbm>> -> memref<80xi32, #tpu.memory_space<hbm>>
        tpu.wait_dma2 semaphore(%arg35 : memref<!tpu.dma_semaphore, #tpu.memory_space<semaphore_mem>>) src(%dma_wait3A_436 : memref<80xi32, #tpu.memory_space<hbm>>) dst(%arg9 : memref<80xi32, #tpu.memory_space<vmem>>)
        %add3A_437 = arith.constant 320000 : i32
        %add3A_438 = arith.addi %add3A_437, %add3A_434 : i32
        %dma_wait3A_439 = tpu.memref_slice %arg3[%add3A_438] : memref<640000xi32, #tpu.memory_space<hbm>> -> memref<80xi32, #tpu.memory_space<hbm>>
        %dma_wait3A_440 = tpu.memref_slice %arg3[%add3A_438] : memref<640000xi32, #tpu.memory_space<hbm>> -> memref<80xi32, #tpu.memory_space<hbm>>
        tpu.wait_dma2 semaphore(%arg35 : memref<!tpu.dma_semaphore, #tpu.memory_space<semaphore_mem>>) src(%dma_wait3A_440 : memref<80xi32, #tpu.memory_space<hbm>>) dst(%arg17 : memref<80xi32, #tpu.memory_space<vmem>>)
        %dma_start3A_441 = arith.constant 0 : i32
        %dma_start3A_442 = arith.constant 0 : i32
        %dma_start3A_443 = tpu.memref_slice %arg2[%dma_start3A_441, %dma_start3A_442] : memref<10240x128xf32, #tpu.memory_space<hbm>> -> memref<10240x128xf32, #tpu.memory_space<hbm>>
        tpu.enqueue_indirect_dma source(%dma_start3A_443 : memref<10240x128xf32, #tpu.memory_space<hbm>>) target(%arg5 : memref<80x128xf32, #tpu.memory_space<vmem>>) offsets(%arg9 : memref<80xi32, #tpu.memory_space<vmem>>) semaphore(%arg27 : memref<!tpu.dma_semaphore, #tpu.memory_space<semaphore_mem>>)
      } else {
      }
      %mul3A_364 = arith.constant 8 : i32
      %mul3A_365 = arith.muli %scan3A_205, %mul3A_364 : i32
      %add3A_366 = arith.constant 6 : i32
      %add3A_367 = arith.addi %mul3A_365, %add3A_366 : i32
      %dma_wait3A_368 = arith.constant 0 : i32
      %dma_wait3A_369 = arith.constant 0 : i32
      %dma_wait3A_370 = tpu.memref_slice %arg2[%dma_wait3A_368, %dma_wait3A_369] : memref<10240x128xf32, #tpu.memory_space<hbm>> -> memref<10240x128xf32, #tpu.memory_space<hbm>>
      tpu.wait_indirect_dma semaphore(%arg29 : memref<!tpu.dma_semaphore, #tpu.memory_space<semaphore_mem>>) src(%dma_wait3A_370 : memref<10240x128xf32, #tpu.memory_space<hbm>>) dst(%arg7 : memref<80x128xf32, #tpu.memory_space<vmem>>)
      %dma_start3A_371 = arith.constant 0 : i32
      %dma_start3A_372 = arith.constant 0 : i32
      %dma_start3A_373 = tpu.memref_slice %arg25[%dma_start3A_371, %dma_start3A_372] : memref<10240x128xf32, #tpu.memory_space<vmem_shared>> -> memref<10240x128xf32, #tpu.memory_space<vmem_shared>>
      tpu.enqueue_indirect_dma source(%arg7 : memref<80x128xf32, #tpu.memory_space<vmem>>) target(%dma_start3A_373 : memref<10240x128xf32, #tpu.memory_space<vmem_shared>>) offsets(%arg23 : memref<80xi32, #tpu.memory_space<vmem>>) semaphore(%arg33 : memref<!tpu.dma_semaphore, #tpu.memory_space<semaphore_mem>>) {add = true}
      %dma_wait3A_374 = arith.constant 0 : i32
      %dma_wait3A_375 = arith.constant 0 : i32
      %dma_wait3A_376 = tpu.memref_slice %arg25[%dma_wait3A_374, %dma_wait3A_375] : memref<10240x128xf32, #tpu.memory_space<vmem_shared>> -> memref<10240x128xf32, #tpu.memory_space<vmem_shared>>
      tpu.wait_indirect_dma semaphore(%arg32 : memref<!tpu.dma_semaphore, #tpu.memory_space<semaphore_mem>>) src(%arg6 : memref<80x128xf32, #tpu.memory_space<vmem>>) dst(%dma_wait3A_376 : memref<10240x128xf32, #tpu.memory_space<vmem_shared>>)
      %add3A_377 = arith.constant 8 : i32
      %add3A_378 = arith.addi %add3A_367, %add3A_377 : i32
      %sub3A_379 = arith.constant 1 : i32
      %sub3A_380 = arith.subi %add3A_378, %sub3A_379 : i32
      %lt3A_381 = arith.constant 125 : i32
      %lt3A_382 = arith.cmpi slt, %sub3A_380, %lt3A_381 : i32
      %convert_element_type3A_383 = arith.extui %lt3A_382 : i1 to i32
      %cond3A_384 = arith.constant 0 : i32
      %cond3A_385 = arith.cmpi ne, %convert_element_type3A_383, %cond3A_384 : i32
      scf.if %cond3A_385 {
        %add3A_426 = arith.constant 8 : i32
        %add3A_427 = arith.addi %add3A_367, %add3A_426 : i32
        %sub3A_428 = arith.constant 1 : i32
        %sub3A_429 = arith.subi %add3A_427, %sub3A_428 : i32
        %mul3A_430 = arith.constant 10000 : i32
        %mul3A_431 = arith.muli %add3A, %mul3A_430 : i32
        %mul3A_432 = arith.constant 80 : i32
        %mul3A_433 = arith.muli %sub3A_429, %mul3A_432 : i32
        %add3A_434 = arith.addi %mul3A_431, %mul3A_433 : i32
        %dma_start3A_435 = tpu.memref_slice %arg3[%add3A_434] : memref<640000xi32, #tpu.memory_space<hbm>> -> memref<80xi32, #tpu.memory_space<hbm>>
        %dma_start3A_436 = tpu.memref_slice %arg3[%add3A_434] : memref<640000xi32, #tpu.memory_space<hbm>> -> memref<80xi32, #tpu.memory_space<hbm>>
        tpu.enqueue_dma source(%dma_start3A_436 : memref<80xi32, #tpu.memory_space<hbm>>) target(%arg14 : memref<80xi32, #tpu.memory_space<vmem>>) target_semaphore(%arg40 : memref<!tpu.dma_semaphore, #tpu.memory_space<semaphore_mem>>)
        %add3A_437 = arith.constant 320000 : i32
        %add3A_438 = arith.addi %add3A_437, %add3A_434 : i32
        %dma_start3A_439 = tpu.memref_slice %arg3[%add3A_438] : memref<640000xi32, #tpu.memory_space<hbm>> -> memref<80xi32, #tpu.memory_space<hbm>>
        %dma_start3A_440 = tpu.memref_slice %arg3[%add3A_438] : memref<640000xi32, #tpu.memory_space<hbm>> -> memref<80xi32, #tpu.memory_space<hbm>>
        tpu.enqueue_dma source(%dma_start3A_440 : memref<80xi32, #tpu.memory_space<hbm>>) target(%arg22 : memref<80xi32, #tpu.memory_space<vmem>>) target_semaphore(%arg40 : memref<!tpu.dma_semaphore, #tpu.memory_space<semaphore_mem>>)
      } else {
      }
      %add3A_386 = arith.constant 4 : i32
      %add3A_387 = arith.addi %add3A_367, %add3A_386 : i32
      %sub3A_388 = arith.constant 1 : i32
      %sub3A_389 = arith.subi %add3A_387, %sub3A_388 : i32
      %lt3A_390 = arith.constant 125 : i32
      %lt3A_391 = arith.cmpi slt, %sub3A_389, %lt3A_390 : i32
      %convert_element_type3A_392 = arith.extui %lt3A_391 : i1 to i32
      %cond3A_393 = arith.constant 0 : i32
      %cond3A_394 = arith.cmpi ne, %convert_element_type3A_392, %cond3A_393 : i32
      scf.if %cond3A_394 {
        %add3A_426 = arith.constant 4 : i32
        %add3A_427 = arith.addi %add3A_367, %add3A_426 : i32
        %sub3A_428 = arith.constant 1 : i32
        %sub3A_429 = arith.subi %add3A_427, %sub3A_428 : i32
        %mul3A_430 = arith.constant 10000 : i32
        %mul3A_431 = arith.muli %add3A, %mul3A_430 : i32
        %mul3A_432 = arith.constant 80 : i32
        %mul3A_433 = arith.muli %sub3A_429, %mul3A_432 : i32
        %add3A_434 = arith.addi %mul3A_431, %mul3A_433 : i32
        %dma_wait3A_435 = tpu.memref_slice %arg3[%add3A_434] : memref<640000xi32, #tpu.memory_space<hbm>> -> memref<80xi32, #tpu.memory_space<hbm>>
        %dma_wait3A_436 = tpu.memref_slice %arg3[%add3A_434] : memref<640000xi32, #tpu.memory_space<hbm>> -> memref<80xi32, #tpu.memory_space<hbm>>
        tpu.wait_dma2 semaphore(%arg36 : memref<!tpu.dma_semaphore, #tpu.memory_space<semaphore_mem>>) src(%dma_wait3A_436 : memref<80xi32, #tpu.memory_space<hbm>>) dst(%arg10 : memref<80xi32, #tpu.memory_space<vmem>>)
        %add3A_437 = arith.constant 320000 : i32
        %add3A_438 = arith.addi %add3A_437, %add3A_434 : i32
        %dma_wait3A_439 = tpu.memref_slice %arg3[%add3A_438] : memref<640000xi32, #tpu.memory_space<hbm>> -> memref<80xi32, #tpu.memory_space<hbm>>
        %dma_wait3A_440 = tpu.memref_slice %arg3[%add3A_438] : memref<640000xi32, #tpu.memory_space<hbm>> -> memref<80xi32, #tpu.memory_space<hbm>>
        tpu.wait_dma2 semaphore(%arg36 : memref<!tpu.dma_semaphore, #tpu.memory_space<semaphore_mem>>) src(%dma_wait3A_440 : memref<80xi32, #tpu.memory_space<hbm>>) dst(%arg18 : memref<80xi32, #tpu.memory_space<vmem>>)
        %dma_start3A_441 = arith.constant 0 : i32
        %dma_start3A_442 = arith.constant 0 : i32
        %dma_start3A_443 = tpu.memref_slice %arg2[%dma_start3A_441, %dma_start3A_442] : memref<10240x128xf32, #tpu.memory_space<hbm>> -> memref<10240x128xf32, #tpu.memory_space<hbm>>
        tpu.enqueue_indirect_dma source(%dma_start3A_443 : memref<10240x128xf32, #tpu.memory_space<hbm>>) target(%arg6 : memref<80x128xf32, #tpu.memory_space<vmem>>) offsets(%arg10 : memref<80xi32, #tpu.memory_space<vmem>>) semaphore(%arg28 : memref<!tpu.dma_semaphore, #tpu.memory_space<semaphore_mem>>)
      } else {
      }
      %mul3A_395 = arith.constant 8 : i32
      %mul3A_396 = arith.muli %scan3A_205, %mul3A_395 : i32
      %add3A_397 = arith.constant 7 : i32
      %add3A_398 = arith.addi %mul3A_396, %add3A_397 : i32
      %dma_wait3A_399 = arith.constant 0 : i32
      %dma_wait3A_400 = arith.constant 0 : i32
      %dma_wait3A_401 = tpu.memref_slice %arg2[%dma_wait3A_399, %dma_wait3A_400] : memref<10240x128xf32, #tpu.memory_space<hbm>> -> memref<10240x128xf32, #tpu.memory_space<hbm>>
      tpu.wait_indirect_dma semaphore(%arg30 : memref<!tpu.dma_semaphore, #tpu.memory_space<semaphore_mem>>) src(%dma_wait3A_401 : memref<10240x128xf32, #tpu.memory_space<hbm>>) dst(%arg8 : memref<80x128xf32, #tpu.memory_space<vmem>>)
      %dma_start3A_402 = arith.constant 0 : i32
      %dma_start3A_403 = arith.constant 0 : i32
      %dma_start3A_404 = tpu.memref_slice %arg25[%dma_start3A_402, %dma_start3A_403] : memref<10240x128xf32, #tpu.memory_space<vmem_shared>> -> memref<10240x128xf32, #tpu.memory_space<vmem_shared>>
      tpu.enqueue_indirect_dma source(%arg8 : memref<80x128xf32, #tpu.memory_space<vmem>>) target(%dma_start3A_404 : memref<10240x128xf32, #tpu.memory_space<vmem_shared>>) offsets(%arg24 : memref<80xi32, #tpu.memory_space<vmem>>) semaphore(%arg34 : memref<!tpu.dma_semaphore, #tpu.memory_space<semaphore_mem>>) {add = true}
      %dma_wait3A_405 = arith.constant 0 : i32
      %dma_wait3A_406 = arith.constant 0 : i32
      %dma_wait3A_407 = tpu.memref_slice %arg25[%dma_wait3A_405, %dma_wait3A_406] : memref<10240x128xf32, #tpu.memory_space<vmem_shared>> -> memref<10240x128xf32, #tpu.memory_space<vmem_shared>>
      tpu.wait_indirect_dma semaphore(%arg33 : memref<!tpu.dma_semaphore, #tpu.memory_space<semaphore_mem>>) src(%arg7 : memref<80x128xf32, #tpu.memory_space<vmem>>) dst(%dma_wait3A_407 : memref<10240x128xf32, #tpu.memory_space<vmem_shared>>)
      %add3A_408 = arith.constant 8 : i32
      %add3A_409 = arith.addi %add3A_398, %add3A_408 : i32
      %sub3A_410 = arith.constant 1 : i32
      %sub3A_411 = arith.subi %add3A_409, %sub3A_410 : i32
      %lt3A_412 = arith.constant 125 : i32
      %lt3A_413 = arith.cmpi slt, %sub3A_411, %lt3A_412 : i32
      %convert_element_type3A_414 = arith.extui %lt3A_413 : i1 to i32
      %cond3A_415 = arith.constant 0 : i32
      %cond3A_416 = arith.cmpi ne, %convert_element_type3A_414, %cond3A_415 : i32
      scf.if %cond3A_416 {
        %add3A_426 = arith.constant 8 : i32
        %add3A_427 = arith.addi %add3A_398, %add3A_426 : i32
        %sub3A_428 = arith.constant 1 : i32
        %sub3A_429 = arith.subi %add3A_427, %sub3A_428 : i32
        %mul3A_430 = arith.constant 10000 : i32
        %mul3A_431 = arith.muli %add3A, %mul3A_430 : i32
        %mul3A_432 = arith.constant 80 : i32
        %mul3A_433 = arith.muli %sub3A_429, %mul3A_432 : i32
        %add3A_434 = arith.addi %mul3A_431, %mul3A_433 : i32
        %dma_start3A_435 = tpu.memref_slice %arg3[%add3A_434] : memref<640000xi32, #tpu.memory_space<hbm>> -> memref<80xi32, #tpu.memory_space<hbm>>
        %dma_start3A_436 = tpu.memref_slice %arg3[%add3A_434] : memref<640000xi32, #tpu.memory_space<hbm>> -> memref<80xi32, #tpu.memory_space<hbm>>
        tpu.enqueue_dma source(%dma_start3A_436 : memref<80xi32, #tpu.memory_space<hbm>>) target(%arg15 : memref<80xi32, #tpu.memory_space<vmem>>) target_semaphore(%arg41 : memref<!tpu.dma_semaphore, #tpu.memory_space<semaphore_mem>>)
        %add3A_437 = arith.constant 320000 : i32
        %add3A_438 = arith.addi %add3A_437, %add3A_434 : i32
        %dma_start3A_439 = tpu.memref_slice %arg3[%add3A_438] : memref<640000xi32, #tpu.memory_space<hbm>> -> memref<80xi32, #tpu.memory_space<hbm>>
        %dma_start3A_440 = tpu.memref_slice %arg3[%add3A_438] : memref<640000xi32, #tpu.memory_space<hbm>> -> memref<80xi32, #tpu.memory_space<hbm>>
        tpu.enqueue_dma source(%dma_start3A_440 : memref<80xi32, #tpu.memory_space<hbm>>) target(%arg23 : memref<80xi32, #tpu.memory_space<vmem>>) target_semaphore(%arg41 : memref<!tpu.dma_semaphore, #tpu.memory_space<semaphore_mem>>)
      } else {
      }
      %add3A_417 = arith.constant 4 : i32
      %add3A_418 = arith.addi %add3A_398, %add3A_417 : i32
      %sub3A_419 = arith.constant 1 : i32
      %sub3A_420 = arith.subi %add3A_418, %sub3A_419 : i32
      %lt3A_421 = arith.constant 125 : i32
      %lt3A_422 = arith.cmpi slt, %sub3A_420, %lt3A_421 : i32
      %convert_element_type3A_423 = arith.extui %lt3A_422 : i1 to i32
      %cond3A_424 = arith.constant 0 : i32
      %cond3A_425 = arith.cmpi ne, %convert_element_type3A_423, %cond3A_424 : i32
      scf.if %cond3A_425 {
        %add3A_426 = arith.constant 4 : i32
        %add3A_427 = arith.addi %add3A_398, %add3A_426 : i32
        %sub3A_428 = arith.constant 1 : i32
        %sub3A_429 = arith.subi %add3A_427, %sub3A_428 : i32
        %mul3A_430 = arith.constant 10000 : i32
        %mul3A_431 = arith.muli %add3A, %mul3A_430 : i32
        %mul3A_432 = arith.constant 80 : i32
        %mul3A_433 = arith.muli %sub3A_429, %mul3A_432 : i32
        %add3A_434 = arith.addi %mul3A_431, %mul3A_433 : i32
        %dma_wait3A_435 = tpu.memref_slice %arg3[%add3A_434] : memref<640000xi32, #tpu.memory_space<hbm>> -> memref<80xi32, #tpu.memory_space<hbm>>
        %dma_wait3A_436 = tpu.memref_slice %arg3[%add3A_434] : memref<640000xi32, #tpu.memory_space<hbm>> -> memref<80xi32, #tpu.memory_space<hbm>>
        tpu.wait_dma2 semaphore(%arg37 : memref<!tpu.dma_semaphore, #tpu.memory_space<semaphore_mem>>) src(%dma_wait3A_436 : memref<80xi32, #tpu.memory_space<hbm>>) dst(%arg11 : memref<80xi32, #tpu.memory_space<vmem>>)
        %add3A_437 = arith.constant 320000 : i32
        %add3A_438 = arith.addi %add3A_437, %add3A_434 : i32
        %dma_wait3A_439 = tpu.memref_slice %arg3[%add3A_438] : memref<640000xi32, #tpu.memory_space<hbm>> -> memref<80xi32, #tpu.memory_space<hbm>>
        %dma_wait3A_440 = tpu.memref_slice %arg3[%add3A_438] : memref<640000xi32, #tpu.memory_space<hbm>> -> memref<80xi32, #tpu.memory_space<hbm>>
        tpu.wait_dma2 semaphore(%arg37 : memref<!tpu.dma_semaphore, #tpu.memory_space<semaphore_mem>>) src(%dma_wait3A_440 : memref<80xi32, #tpu.memory_space<hbm>>) dst(%arg19 : memref<80xi32, #tpu.memory_space<vmem>>)
        %dma_start3A_441 = arith.constant 0 : i32
        %dma_start3A_442 = arith.constant 0 : i32
        %dma_start3A_443 = tpu.memref_slice %arg2[%dma_start3A_441, %dma_start3A_442] : memref<10240x128xf32, #tpu.memory_space<hbm>> -> memref<10240x128xf32, #tpu.memory_space<hbm>>
        tpu.enqueue_indirect_dma source(%dma_start3A_443 : memref<10240x128xf32, #tpu.memory_space<hbm>>) target(%arg7 : memref<80x128xf32, #tpu.memory_space<vmem>>) offsets(%arg11 : memref<80xi32, #tpu.memory_space<vmem>>) semaphore(%arg29 : memref<!tpu.dma_semaphore, #tpu.memory_space<semaphore_mem>>)
      } else {
      }
    }
    %scan3A_125 = arith.constant 15 : i32
    %dma_wait3A_126 = arith.constant 0 : i32
    %dma_wait3A_127 = arith.constant 0 : i32
    %dma_wait3A_128 = tpu.memref_slice %arg2[%dma_wait3A_126, %dma_wait3A_127] : memref<10240x128xf32, #tpu.memory_space<hbm>> -> memref<10240x128xf32, #tpu.memory_space<hbm>>
    tpu.wait_indirect_dma semaphore(%arg27 : memref<!tpu.dma_semaphore, #tpu.memory_space<semaphore_mem>>) src(%dma_wait3A_128 : memref<10240x128xf32, #tpu.memory_space<hbm>>) dst(%arg5 : memref<80x128xf32, #tpu.memory_space<vmem>>)
    %dma_start3A_129 = arith.constant 0 : i32
    %dma_start3A_130 = arith.constant 0 : i32
    %dma_start3A_131 = tpu.memref_slice %arg25[%dma_start3A_129, %dma_start3A_130] : memref<10240x128xf32, #tpu.memory_space<vmem_shared>> -> memref<10240x128xf32, #tpu.memory_space<vmem_shared>>
    tpu.enqueue_indirect_dma source(%arg5 : memref<80x128xf32, #tpu.memory_space<vmem>>) target(%dma_start3A_131 : memref<10240x128xf32, #tpu.memory_space<vmem_shared>>) offsets(%arg17 : memref<80xi32, #tpu.memory_space<vmem>>) semaphore(%arg31 : memref<!tpu.dma_semaphore, #tpu.memory_space<semaphore_mem>>) {add = true}
    %dma_wait3A_132 = arith.constant 0 : i32
    %dma_wait3A_133 = arith.constant 0 : i32
    %dma_wait3A_134 = tpu.memref_slice %arg25[%dma_wait3A_132, %dma_wait3A_133] : memref<10240x128xf32, #tpu.memory_space<vmem_shared>> -> memref<10240x128xf32, #tpu.memory_space<vmem_shared>>
    tpu.wait_indirect_dma semaphore(%arg34 : memref<!tpu.dma_semaphore, #tpu.memory_space<semaphore_mem>>) src(%arg8 : memref<80x128xf32, #tpu.memory_space<vmem>>) dst(%dma_wait3A_134 : memref<10240x128xf32, #tpu.memory_space<vmem_shared>>)
    %mul3A_135 = arith.constant 10000 : i32
    %mul3A_136 = arith.muli %add3A, %mul3A_135 : i32
    %add3A_137 = arith.constant 9840 : i32
    %add3A_138 = arith.addi %mul3A_136, %add3A_137 : i32
    %dma_wait3A_139 = tpu.memref_slice %arg3[%add3A_138] : memref<640000xi32, #tpu.memory_space<hbm>> -> memref<80xi32, #tpu.memory_space<hbm>>
    %dma_wait3A_140 = tpu.memref_slice %arg3[%add3A_138] : memref<640000xi32, #tpu.memory_space<hbm>> -> memref<80xi32, #tpu.memory_space<hbm>>
    tpu.wait_dma2 semaphore(%arg38 : memref<!tpu.dma_semaphore, #tpu.memory_space<semaphore_mem>>) src(%dma_wait3A_140 : memref<80xi32, #tpu.memory_space<hbm>>) dst(%arg12 : memref<80xi32, #tpu.memory_space<vmem>>)
    %add3A_141 = arith.constant 320000 : i32
    %add3A_142 = arith.addi %add3A_141, %add3A_138 : i32
    %dma_wait3A_143 = tpu.memref_slice %arg3[%add3A_142] : memref<640000xi32, #tpu.memory_space<hbm>> -> memref<80xi32, #tpu.memory_space<hbm>>
    %dma_wait3A_144 = tpu.memref_slice %arg3[%add3A_142] : memref<640000xi32, #tpu.memory_space<hbm>> -> memref<80xi32, #tpu.memory_space<hbm>>
    tpu.wait_dma2 semaphore(%arg38 : memref<!tpu.dma_semaphore, #tpu.memory_space<semaphore_mem>>) src(%dma_wait3A_144 : memref<80xi32, #tpu.memory_space<hbm>>) dst(%arg20 : memref<80xi32, #tpu.memory_space<vmem>>)
    %dma_start3A_145 = arith.constant 0 : i32
    %dma_start3A_146 = arith.constant 0 : i32
    %dma_start3A_147 = tpu.memref_slice %arg2[%dma_start3A_145, %dma_start3A_146] : memref<10240x128xf32, #tpu.memory_space<hbm>> -> memref<10240x128xf32, #tpu.memory_space<hbm>>
    tpu.enqueue_indirect_dma source(%dma_start3A_147 : memref<10240x128xf32, #tpu.memory_space<hbm>>) target(%arg8 : memref<80x128xf32, #tpu.memory_space<vmem>>) offsets(%arg12 : memref<80xi32, #tpu.memory_space<vmem>>) semaphore(%arg30 : memref<!tpu.dma_semaphore, #tpu.memory_space<semaphore_mem>>)
    %dma_wait3A_148 = arith.constant 0 : i32
    %dma_wait3A_149 = arith.constant 0 : i32
    %dma_wait3A_150 = tpu.memref_slice %arg2[%dma_wait3A_148, %dma_wait3A_149] : memref<10240x128xf32, #tpu.memory_space<hbm>> -> memref<10240x128xf32, #tpu.memory_space<hbm>>
    tpu.wait_indirect_dma semaphore(%arg28 : memref<!tpu.dma_semaphore, #tpu.memory_space<semaphore_mem>>) src(%dma_wait3A_150 : memref<10240x128xf32, #tpu.memory_space<hbm>>) dst(%arg6 : memref<80x128xf32, #tpu.memory_space<vmem>>)
    %dma_start3A_151 = arith.constant 0 : i32
    %dma_start3A_152 = arith.constant 0 : i32
    %dma_start3A_153 = tpu.memref_slice %arg25[%dma_start3A_151, %dma_start3A_152] : memref<10240x128xf32, #tpu.memory_space<vmem_shared>> -> memref<10240x128xf32, #tpu.memory_space<vmem_shared>>
    tpu.enqueue_indirect_dma source(%arg6 : memref<80x128xf32, #tpu.memory_space<vmem>>) target(%dma_start3A_153 : memref<10240x128xf32, #tpu.memory_space<vmem_shared>>) offsets(%arg18 : memref<80xi32, #tpu.memory_space<vmem>>) semaphore(%arg32 : memref<!tpu.dma_semaphore, #tpu.memory_space<semaphore_mem>>) {add = true}
    %dma_wait3A_154 = arith.constant 0 : i32
    %dma_wait3A_155 = arith.constant 0 : i32
    %dma_wait3A_156 = tpu.memref_slice %arg25[%dma_wait3A_154, %dma_wait3A_155] : memref<10240x128xf32, #tpu.memory_space<vmem_shared>> -> memref<10240x128xf32, #tpu.memory_space<vmem_shared>>
    tpu.wait_indirect_dma semaphore(%arg31 : memref<!tpu.dma_semaphore, #tpu.memory_space<semaphore_mem>>) src(%arg5 : memref<80x128xf32, #tpu.memory_space<vmem>>) dst(%dma_wait3A_156 : memref<10240x128xf32, #tpu.memory_space<vmem_shared>>)
    %mul3A_157 = arith.constant 10000 : i32
    %mul3A_158 = arith.muli %add3A, %mul3A_157 : i32
    %add3A_159 = arith.constant 9920 : i32
    %add3A_160 = arith.addi %mul3A_158, %add3A_159 : i32
    %dma_wait3A_161 = tpu.memref_slice %arg3[%add3A_160] : memref<640000xi32, #tpu.memory_space<hbm>> -> memref<80xi32, #tpu.memory_space<hbm>>
    %dma_wait3A_162 = tpu.memref_slice %arg3[%add3A_160] : memref<640000xi32, #tpu.memory_space<hbm>> -> memref<80xi32, #tpu.memory_space<hbm>>
    tpu.wait_dma2 semaphore(%arg39 : memref<!tpu.dma_semaphore, #tpu.memory_space<semaphore_mem>>) src(%dma_wait3A_162 : memref<80xi32, #tpu.memory_space<hbm>>) dst(%arg13 : memref<80xi32, #tpu.memory_space<vmem>>)
    %add3A_163 = arith.constant 320000 : i32
    %add3A_164 = arith.addi %add3A_163, %add3A_160 : i32
    %dma_wait3A_165 = tpu.memref_slice %arg3[%add3A_164] : memref<640000xi32, #tpu.memory_space<hbm>> -> memref<80xi32, #tpu.memory_space<hbm>>
    %dma_wait3A_166 = tpu.memref_slice %arg3[%add3A_164] : memref<640000xi32, #tpu.memory_space<hbm>> -> memref<80xi32, #tpu.memory_space<hbm>>
    tpu.wait_dma2 semaphore(%arg39 : memref<!tpu.dma_semaphore, #tpu.memory_space<semaphore_mem>>) src(%dma_wait3A_166 : memref<80xi32, #tpu.memory_space<hbm>>) dst(%arg21 : memref<80xi32, #tpu.memory_space<vmem>>)
    %dma_start3A_167 = arith.constant 0 : i32
    %dma_start3A_168 = arith.constant 0 : i32
    %dma_start3A_169 = tpu.memref_slice %arg2[%dma_start3A_167, %dma_start3A_168] : memref<10240x128xf32, #tpu.memory_space<hbm>> -> memref<10240x128xf32, #tpu.memory_space<hbm>>
    tpu.enqueue_indirect_dma source(%dma_start3A_169 : memref<10240x128xf32, #tpu.memory_space<hbm>>) target(%arg5 : memref<80x128xf32, #tpu.memory_space<vmem>>) offsets(%arg13 : memref<80xi32, #tpu.memory_space<vmem>>) semaphore(%arg27 : memref<!tpu.dma_semaphore, #tpu.memory_space<semaphore_mem>>)
    %dma_wait3A_170 = arith.constant 0 : i32
    %dma_wait3A_171 = arith.constant 0 : i32
    %dma_wait3A_172 = tpu.memref_slice %arg2[%dma_wait3A_170, %dma_wait3A_171] : memref<10240x128xf32, #tpu.memory_space<hbm>> -> memref<10240x128xf32, #tpu.memory_space<hbm>>
    tpu.wait_indirect_dma semaphore(%arg29 : memref<!tpu.dma_semaphore, #tpu.memory_space<semaphore_mem>>) src(%dma_wait3A_172 : memref<10240x128xf32, #tpu.memory_space<hbm>>) dst(%arg7 : memref<80x128xf32, #tpu.memory_space<vmem>>)
    %dma_start3A_173 = arith.constant 0 : i32
    %dma_start3A_174 = arith.constant 0 : i32
    %dma_start3A_175 = tpu.memref_slice %arg25[%dma_start3A_173, %dma_start3A_174] : memref<10240x128xf32, #tpu.memory_space<vmem_shared>> -> memref<10240x128xf32, #tpu.memory_space<vmem_shared>>
    tpu.enqueue_indirect_dma source(%arg7 : memref<80x128xf32, #tpu.memory_space<vmem>>) target(%dma_start3A_175 : memref<10240x128xf32, #tpu.memory_space<vmem_shared>>) offsets(%arg19 : memref<80xi32, #tpu.memory_space<vmem>>) semaphore(%arg33 : memref<!tpu.dma_semaphore, #tpu.memory_space<semaphore_mem>>) {add = true}
    %dma_wait3A_176 = arith.constant 0 : i32
    %dma_wait3A_177 = arith.constant 0 : i32
    %dma_wait3A_178 = tpu.memref_slice %arg25[%dma_wait3A_176, %dma_wait3A_177] : memref<10240x128xf32, #tpu.memory_space<vmem_shared>> -> memref<10240x128xf32, #tpu.memory_space<vmem_shared>>
    tpu.wait_indirect_dma semaphore(%arg32 : memref<!tpu.dma_semaphore, #tpu.memory_space<semaphore_mem>>) src(%arg6 : memref<80x128xf32, #tpu.memory_space<vmem>>) dst(%dma_wait3A_178 : memref<10240x128xf32, #tpu.memory_space<vmem_shared>>)
    %dma_wait3A_179 = arith.constant 0 : i32
    %dma_wait3A_180 = arith.constant 0 : i32
    %dma_wait3A_181 = tpu.memref_slice %arg2[%dma_wait3A_179, %dma_wait3A_180] : memref<10240x128xf32, #tpu.memory_space<hbm>> -> memref<10240x128xf32, #tpu.memory_space<hbm>>
    tpu.wait_indirect_dma semaphore(%arg30 : memref<!tpu.dma_semaphore, #tpu.memory_space<semaphore_mem>>) src(%dma_wait3A_181 : memref<10240x128xf32, #tpu.memory_space<hbm>>) dst(%arg8 : memref<80x128xf32, #tpu.memory_space<vmem>>)
    %dma_start3A_182 = arith.constant 0 : i32
    %dma_start3A_183 = arith.constant 0 : i32
    %dma_start3A_184 = tpu.memref_slice %arg25[%dma_start3A_182, %dma_start3A_183] : memref<10240x128xf32, #tpu.memory_space<vmem_shared>> -> memref<10240x128xf32, #tpu.memory_space<vmem_shared>>
    tpu.enqueue_indirect_dma source(%arg8 : memref<80x128xf32, #tpu.memory_space<vmem>>) target(%dma_start3A_184 : memref<10240x128xf32, #tpu.memory_space<vmem_shared>>) offsets(%arg20 : memref<80xi32, #tpu.memory_space<vmem>>) semaphore(%arg34 : memref<!tpu.dma_semaphore, #tpu.memory_space<semaphore_mem>>) {add = true}
    %dma_wait3A_185 = arith.constant 0 : i32
    %dma_wait3A_186 = arith.constant 0 : i32
    %dma_wait3A_187 = tpu.memref_slice %arg25[%dma_wait3A_185, %dma_wait3A_186] : memref<10240x128xf32, #tpu.memory_space<vmem_shared>> -> memref<10240x128xf32, #tpu.memory_space<vmem_shared>>
    tpu.wait_indirect_dma semaphore(%arg33 : memref<!tpu.dma_semaphore, #tpu.memory_space<semaphore_mem>>) src(%arg7 : memref<80x128xf32, #tpu.memory_space<vmem>>) dst(%dma_wait3A_187 : memref<10240x128xf32, #tpu.memory_space<vmem_shared>>)
    %dma_wait3A_188 = arith.constant 0 : i32
    %dma_wait3A_189 = arith.constant 0 : i32
    %dma_wait3A_190 = tpu.memref_slice %arg2[%dma_wait3A_188, %dma_wait3A_189] : memref<10240x128xf32, #tpu.memory_space<hbm>> -> memref<10240x128xf32, #tpu.memory_space<hbm>>
    tpu.wait_indirect_dma semaphore(%arg27 : memref<!tpu.dma_semaphore, #tpu.memory_space<semaphore_mem>>) src(%dma_wait3A_190 : memref<10240x128xf32, #tpu.memory_space<hbm>>) dst(%arg5 : memref<80x128xf32, #tpu.memory_space<vmem>>)
    %dma_start3A_191 = arith.constant 0 : i32
    %dma_start3A_192 = arith.constant 0 : i32
    %dma_start3A_193 = tpu.memref_slice %arg25[%dma_start3A_191, %dma_start3A_192] : memref<10240x128xf32, #tpu.memory_space<vmem_shared>> -> memref<10240x128xf32, #tpu.memory_space<vmem_shared>>
    tpu.enqueue_indirect_dma source(%arg5 : memref<80x128xf32, #tpu.memory_space<vmem>>) target(%dma_start3A_193 : memref<10240x128xf32, #tpu.memory_space<vmem_shared>>) offsets(%arg21 : memref<80xi32, #tpu.memory_space<vmem>>) semaphore(%arg31 : memref<!tpu.dma_semaphore, #tpu.memory_space<semaphore_mem>>) {add = true}
    %dma_wait3A_194 = arith.constant 0 : i32
    %dma_wait3A_195 = arith.constant 0 : i32
    %dma_wait3A_196 = tpu.memref_slice %arg25[%dma_wait3A_194, %dma_wait3A_195] : memref<10240x128xf32, #tpu.memory_space<vmem_shared>> -> memref<10240x128xf32, #tpu.memory_space<vmem_shared>>
    tpu.wait_indirect_dma semaphore(%arg34 : memref<!tpu.dma_semaphore, #tpu.memory_space<semaphore_mem>>) src(%arg8 : memref<80x128xf32, #tpu.memory_space<vmem>>) dst(%dma_wait3A_196 : memref<10240x128xf32, #tpu.memory_space<vmem_shared>>)
    %dma_wait3A_197 = arith.constant 0 : i32
    %dma_wait3A_198 = arith.constant 0 : i32
    %dma_wait3A_199 = tpu.memref_slice %arg25[%dma_wait3A_197, %dma_wait3A_198] : memref<10240x128xf32, #tpu.memory_space<vmem_shared>> -> memref<10240x128xf32, #tpu.memory_space<vmem_shared>>
    tpu.wait_indirect_dma semaphore(%arg31 : memref<!tpu.dma_semaphore, #tpu.memory_space<semaphore_mem>>) src(%arg5 : memref<80x128xf32, #tpu.memory_space<vmem>>) dst(%dma_wait3A_199 : memref<10240x128xf32, #tpu.memory_space<vmem_shared>>)
    %barrier3A_200 = arith.constant 0 : index
    tpu.barrier barrier_id(%barrier3A_200)
    %mul3A_201 = arith.constant 640 : i32
    %mul3A_202 = arith.muli %arg1, %mul3A_201 : i32
    %mul3A_203 = arith.constant 640 : i32
    %mul3A_204 = arith.muli %arg1, %mul3A_203 : i32
    "tpu.region"() ({
      %run_scoped3A = tpu.sem_alloc : memref<!tpu.dma_semaphore, #tpu.memory_space<semaphore_mem>>
      %dma_start3A_205 = arith.constant 0 : i32
      %dma_start3A_206 = tpu.memref_slice %arg4[%arg0, %mul3A_204, %dma_start3A_205] : memref<2x10240x128xf32, #tpu.memory_space<hbm>> -> memref<1x640x128xf32, #tpu.memory_space<hbm>>
      %dma_start3A_207 = tpu.memref_squeeze %dma_start3A_206 : memref<1x640x128xf32, #tpu.memory_space<hbm>> -> memref<640x128xf32, #tpu.memory_space<hbm>>
      %dma_start3A_208 = arith.constant 0 : i32
      %dma_start3A_209 = tpu.memref_slice %arg25[%mul3A_202, %dma_start3A_208] : memref<10240x128xf32, #tpu.memory_space<vmem_shared>> -> memref<640x128xf32, #tpu.memory_space<vmem_shared>>
      tpu.enqueue_dma source(%dma_start3A_209 : memref<640x128xf32, #tpu.memory_space<vmem_shared>>) target(%dma_start3A_207 : memref<640x128xf32, #tpu.memory_space<hbm>>) target_semaphore(%run_scoped3A : memref<!tpu.dma_semaphore, #tpu.memory_space<semaphore_mem>>)
      %dma_wait3A_210 = arith.constant 0 : i32
      %dma_wait3A_211 = tpu.memref_slice %arg4[%arg0, %mul3A_204, %dma_wait3A_210] : memref<2x10240x128xf32, #tpu.memory_space<hbm>> -> memref<1x640x128xf32, #tpu.memory_space<hbm>>
      %dma_wait3A_212 = tpu.memref_squeeze %dma_wait3A_211 : memref<1x640x128xf32, #tpu.memory_space<hbm>> -> memref<640x128xf32, #tpu.memory_space<hbm>>
      %dma_wait3A_213 = arith.constant 0 : i32
      %dma_wait3A_214 = tpu.memref_slice %arg25[%mul3A_202, %dma_wait3A_213] : memref<10240x128xf32, #tpu.memory_space<vmem_shared>> -> memref<640x128xf32, #tpu.memory_space<vmem_shared>>
      tpu.wait_dma2 semaphore(%run_scoped3A : memref<!tpu.dma_semaphore, #tpu.memory_space<semaphore_mem>>) src(%dma_wait3A_214 : memref<640x128xf32, #tpu.memory_space<vmem_shared>>) dst(%dma_wait3A_212 : memref<640x128xf32, #tpu.memory_space<hbm>>)
      tpu.yield
    }) : () -> ()
    return
  }
}

module attributes {stable_mosaic.version = 14 : i64} {
  func.func @_scale_body(%arg0: i32, %arg1: memref<1280x128xf32, #tpu.memory_space<vmem>>, %arg2: memref<32x1280xi32, #tpu.memory_space<vmem>>, %arg3: memref<1280x128xf32, #tpu.memory_space<vmem>>) attributes {dimension_semantics = [#tpu.dimension_semantics<arbitrary>], iteration_bounds = array<i64: 8>, scalar_prefetch = 0 : i64, scratch_operands = 0 : i64, tpu.core_type = #tpu.core_type<tc>, window_params = [{transform_indices = @transform_0, window_bounds = array<i64: 1280, 128>}, {transform_indices = @transform_1, window_bounds = array<i64: 32, 1280>}, {transform_indices = @transform_2, window_bounds = array<i64: 1280, 128>}]} {
    %get3A = arith.constant 0 : index
    %get3A_0 = arith.constant 0 : index
    %get3A_1 = vector.load %arg2[%get3A, %get3A_0] : memref<32x1280xi32, #tpu.memory_space<vmem>>, vector<32x1280xi32>
    %reduce_sum3A = arith.constant dense<0> : vector<1280xi32>
    %reduce_sum3A_2 = vector.multi_reduction <add>, %get3A_1, %reduce_sum3A [0] : vector<32x1280xi32> to vector<1280xi32>
    %convert_element_type3A = arith.sitofp %reduce_sum3A_2 : vector<1280xi32> to vector<1280xf32>
    %max3A = arith.constant 1.000000e+00 : f32
    %max3A_3 = vector.broadcast %max3A : f32 to vector<1280xf32>
    %max3A_4 = arith.maximumf %convert_element_type3A, %max3A_3 : vector<1280xf32>
    %rsqrt3A = math.rsqrt %max3A_4 : vector<1280xf32>
    %get3A_5 = arith.constant 0 : index
    %get3A_6 = arith.constant 0 : index
    %get3A_7 = vector.load %arg1[%get3A_5, %get3A_6] : memref<1280x128xf32, #tpu.memory_space<vmem>>, vector<1280x128xf32>
    %broadcast_in_dim3A = vector.shape_cast %rsqrt3A : vector<1280xf32> to vector<1280x1xf32>
    %mul3A = vector.broadcast %broadcast_in_dim3A : vector<1280x1xf32> to vector<1280x128xf32>
    %mul3A_8 = arith.mulf %get3A_7, %mul3A : vector<1280x128xf32>
    %swap3A = arith.constant 0 : index
    %swap3A_9 = arith.constant 0 : index
    %swap3A_10 = vector.load %arg3[%swap3A, %swap3A_9] : memref<1280x128xf32, #tpu.memory_space<vmem>>, vector<1280x128xf32>
    tpu.vector_store %arg3[%swap3A, %swap3A_9], %mul3A_8 {strides = array<i32>} : memref<1280x128xf32, #tpu.memory_space<vmem>>, vector<1280x128xf32>,
    return
  }
  func.func @transform_0(%arg0: i32) -> (i32, i32) {
    %c0_i32 = arith.constant 0 : i32
    %c0_i32_0 = arith.constant 0 : i32
    return %arg0, %c0_i32 : i32, i32
  }
  func.func @transform_1(%arg0: i32) -> (i32, i32) {
    %c0_i32 = arith.constant 0 : i32
    %c0_i32_0 = arith.constant 0 : i32
    return %c0_i32, %arg0 : i32, i32
  }
  func.func @transform_2(%arg0: i32) -> (i32, i32) {
    %c0_i32 = arith.constant 0 : i32
    %c0_i32_0 = arith.constant 0 : i32
    return %arg0, %c0_i32 : i32, i32
  }
}

module attributes {stable_mosaic.version = 14 : i64} {
  func.func @_normdst_body(%arg0: i32, %arg1: memref<32x1280xi32, #tpu.memory_space<vmem>>, %arg2: memref<1280x1xf32, #tpu.memory_space<vmem>>) attributes {dimension_semantics = [#tpu.dimension_semantics<arbitrary>], iteration_bounds = array<i64: 8>, scalar_prefetch = 0 : i64, scratch_operands = 0 : i64, tpu.core_type = #tpu.core_type<tc>, window_params = [{transform_indices = @transform_0, window_bounds = array<i64: 32, 1280>}, {transform_indices = @transform_1, window_bounds = array<i64: 1280, 1>}]} {
    %get3A = arith.constant 0 : index
    %get3A_0 = arith.constant 0 : index
    %get3A_1 = vector.load %arg1[%get3A, %get3A_0] : memref<32x1280xi32, #tpu.memory_space<vmem>>, vector<32x1280xi32>
    %reduce_sum3A = arith.constant dense<0> : vector<1280xi32>
    %reduce_sum3A_2 = vector.multi_reduction <add>, %get3A_1, %reduce_sum3A [0] : vector<32x1280xi32> to vector<1280xi32>
    %convert_element_type3A = arith.sitofp %reduce_sum3A_2 : vector<1280xi32> to vector<1280xf32>
    %max3A = arith.constant 1.000000e+00 : f32
    %max3A_3 = vector.broadcast %max3A : f32 to vector<1280xf32>
    %max3A_4 = arith.maximumf %convert_element_type3A, %max3A_3 : vector<1280xf32>
    %rsqrt3A = math.rsqrt %max3A_4 : vector<1280xf32>
    %broadcast_in_dim3A = vector.shape_cast %rsqrt3A : vector<1280xf32> to vector<1280x1xf32>
    %swap3A = arith.constant 0 : index
    %swap3A_5 = arith.constant 0 : index
    %swap3A_6 = vector.load %arg2[%swap3A, %swap3A_5] : memref<1280x1xf32, #tpu.memory_space<vmem>>, vector<1280x1xf32>
    tpu.vector_store %arg2[%swap3A, %swap3A_5], %broadcast_in_dim3A {strides = array<i32>} : memref<1280x1xf32, #tpu.memory_space<vmem>>, vector<1280x1xf32>,
    return
  }
  func.func @transform_0(%arg0: i32) -> (i32, i32) {
    %c0_i32 = arith.constant 0 : i32
    %c0_i32_0 = arith.constant 0 : i32
    return %c0_i32, %arg0 : i32, i32
  }
  func.func @transform_1(%arg0: i32) -> (i32, i32) {
    %c0_i32 = arith.constant 0 : i32
    %c0_i32_0 = arith.constant 0 : i32
    return %arg0, %c0_i32 : i32, i32
  }
}

module attributes {stable_mosaic.version = 14 : i64} {
  func.func @_final_body(%arg0: i32, %arg1: memref<2x2000x128xf32, #tpu.memory_space<vmem>>, %arg2: memref<128x128xf32, #tpu.memory_space<vmem>>, %arg3: memref<1x128xf32, #tpu.memory_space<vmem>>, %arg4: memref<2000x1xf32, #tpu.memory_space<vmem>>, %arg5: memref<2000x128xf32, #tpu.memory_space<vmem>>) attributes {dimension_semantics = [#tpu.dimension_semantics<arbitrary>], iteration_bounds = array<i64: 5>, scalar_prefetch = 0 : i64, scratch_operands = 0 : i64, tpu.core_type = #tpu.core_type<tc>, window_params = [{transform_indices = @transform_0, window_bounds = array<i64: 2, 2000, 128>}, {pipeline_mode = #tpu.pipeline_mode<synchronous>, transform_indices = @transform_1, window_bounds = array<i64: 128, 128>}, {pipeline_mode = #tpu.pipeline_mode<synchronous>, transform_indices = @transform_2, window_bounds = array<i64: 1, 128>}, {transform_indices = @transform_3, window_bounds = array<i64: 2000, 1>}, {transform_indices = @transform_4, window_bounds = array<i64: 2000, 128>}]} {
    %get3A = arith.constant 0 : index
    %get3A_0 = arith.constant 0 : index
    %get3A_1 = arith.constant 0 : index
    %get3A_2 = vector.load %arg1[%get3A, %get3A_0, %get3A_1] : memref<2x2000x128xf32, #tpu.memory_space<vmem>>, vector<1x2000x128xf32>
    %get3A_3 = vector.shape_cast %get3A_2 : vector<1x2000x128xf32> to vector<2000x128xf32>
    %get3A_4 = arith.constant 1 : index
    %get3A_5 = arith.constant 0 : index
    %get3A_6 = arith.constant 0 : index
    %get3A_7 = vector.load %arg1[%get3A_4, %get3A_5, %get3A_6] : memref<2x2000x128xf32, #tpu.memory_space<vmem>>, vector<1x2000x128xf32>
    %get3A_8 = vector.shape_cast %get3A_7 : vector<1x2000x128xf32> to vector<2000x128xf32>
    %add3A = arith.addf %get3A_3, %get3A_8 : vector<2000x128xf32>
    %get3A_9 = arith.constant 0 : index
    %get3A_10 = arith.constant 0 : index
    %get3A_11 = vector.load %arg2[%get3A_9, %get3A_10] : memref<128x128xf32, #tpu.memory_space<vmem>>, vector<128x128xf32>
    %dot_general3A = arith.constant dense<0.000000e+00> : vector<2000x128xf32>
    %dot_general3A_12 = tpu.matmul %add3A, %get3A_11, %dot_general3A {dimension_numbers = #tpu.dot_dimension_numbers<[1], [0], [0], [1], [0, 0, 1, 1], [], []>, transpose_lhs_hint = false} : vector<2000x128xf32>, vector<128x128xf32>, vector<2000x128xf32> -> vector<2000x128xf32>
    %get3A_13 = arith.constant 0 : index
    %get3A_14 = arith.constant 0 : index
    %get3A_15 = vector.load %arg4[%get3A_13, %get3A_14] : memref<2000x1xf32, #tpu.memory_space<vmem>>, vector<2000x1xf32>
    %mul3A = vector.broadcast %get3A_15 : vector<2000x1xf32> to vector<2000x128xf32>
    %mul3A_16 = arith.mulf %dot_general3A_12, %mul3A : vector<2000x128xf32>
    %get3A_17 = arith.constant 0 : index
    %get3A_18 = arith.constant 0 : index
    %get3A_19 = vector.load %arg3[%get3A_17, %get3A_18] : memref<1x128xf32, #tpu.memory_space<vmem>>, vector<1x128xf32>
    %add3A_20 = vector.broadcast %get3A_19 : vector<1x128xf32> to vector<2000x128xf32>
    %add3A_21 = arith.addf %mul3A_16, %add3A_20 : vector<2000x128xf32>
    %swap3A = arith.constant 0 : index
    %swap3A_22 = arith.constant 0 : index
    %swap3A_23 = vector.load %arg5[%swap3A, %swap3A_22] : memref<2000x128xf32, #tpu.memory_space<vmem>>, vector<2000x128xf32>
    tpu.vector_store %arg5[%swap3A, %swap3A_22], %add3A_21 {strides = array<i32>} : memref<2000x128xf32, #tpu.memory_space<vmem>>, vector<2000x128xf32>,
    return
  }
  func.func @transform_0(%arg0: i32) -> (i32, i32, i32) {
    %c0_i32 = arith.constant 0 : i32
    %c0_i32_0 = arith.constant 0 : i32
    %c0_i32_1 = arith.constant 0 : i32
    return %c0_i32, %arg0, %c0_i32_0 : i32, i32, i32
  }
  func.func @transform_1(%arg0: i32) -> (i32, i32) {
    %c0_i32 = arith.constant 0 : i32
    %c0_i32_0 = arith.constant 0 : i32
    %c0_i32_1 = arith.constant 0 : i32
    return %c0_i32, %c0_i32_0 : i32, i32
  }
  func.func @transform_2(%arg0: i32) -> (i32, i32) {
    %c0_i32 = arith.constant 0 : i32
    %c0_i32_0 = arith.constant 0 : i32
    %c0_i32_1 = arith.constant 0 : i32
    return %c0_i32, %c0_i32_0 : i32, i32
  }
  func.func @transform_3(%arg0: i32) -> (i32, i32) {
    %c0_i32 = arith.constant 0 : i32
    %c0_i32_0 = arith.constant 0 : i32
    return %arg0, %c0_i32 : i32, i32
  }
  func.func @transform_4(%arg0: i32) -> (i32, i32) {
    %c0_i32 = arith.constant 0 : i32
    %c0_i32_0 = arith.constant 0 : i32
    return %arg0, %c0_i32 : i32, i32
  }
}

</mosaic_0001>

<sc_bundles>
// kernel: kernel.11.cloned.1.call-start
scs
__scs_entry_jumppad:
0x0: {  	(pc) =	sbr.rel $0x88, $3  }
0x1: {  	(tag) =	ssettag $0x0;
	lr =	simm.s32 $0x1  }
0x2: {  	[smem:$0x3F9D] =	sst lr;
	_ =	strace $0xD0000000  }
0x3: {  	_ = 	snop  }
0x4: {  	_ = 	snop  }
0x5: {  	_ = 	snop  }
0x6: {  	_ = 	snop  }
0x7: {  	_ = 	snop  }
__scs_overlays_trampoline_lowered:
0x8: {  	[smem:$0x3FAC] =	sst s0  }
0x9: {  	[smem:$0x3FAD] =	sst s1  }
0xa: {  	[smem:$0x3FAE] =	sst s2  }
0xb: {  	[smem:$0x3FAF] =	sst s3  }
0xc: {  	[smem:$0x3FB0] =	sst s4  }
0xd: {  	[smem:$0x3FB1] =	sst s5  }
0xe: {  	[smem:$0x3FB2] =	sst s6  }
0xf: {  	[smem:$0x3FB3] =	sst s7  }
0x10: {  	[smem:$0x3FB4] =	sst s8  }
0x11: {  	[smem:$0x3FB5] =	sst s9;
	s0 =	simm.s32 @!p0 $0x0  }
0x12: {  	s1 =	sld [smem:$0x3F9B];
	s0 =	simm.s32 @p0 $0x1  }
0x13: {  	[smem:$0x3FB6] =	sst s0;
	s0 =	simm.s32 @!p1 $0x0  }
0x14: {  	s2 =	sld [smem:$0x3F9A];
	s0 =	simm.s32 @p1 $0x1  }
0x15: {  	[smem:$0x3FB7] =	sst s0;
	s0 =	simm.s32 @!p2 $0x0  }
0x16: {  	s3 =	sld [smem:$0x3FDB];
	s0 =	simm.s32 @p2 $0x1  }
0x17: {  	s4 =	simm.s32 $0x1BF5;
	[smem:$0x3FB9] =	sst s0  }
0x18: {  	s0 =	sld [smem:$0x3F9C];
	_ =	swait.ge [sflag:s4], $0x0  }
0x19: {  	s7 =	sld [smem:$0x3F9D]  }
0x1a: {  	s8 =	sadd.s32 $0xFFFFE003, lr  }
0x1b: {  	s9 =	sadd.s32 $0xFFFFFEF7, lr;
	s5 =	simm.s32 $0xFFFFFFFF;
	p2 =	slt.u32 s8, $0xFFFFF086  }
0x1c: {  	p1 =	slt.u32 s9, $0xF7A;
	s5 =	simm.s32 @!p2 $0x0  }
0x1d: {  	s5 =	simm.s32 @p1 $0x1;
	p0 =	seq.s32 s7, s2  }
0x1e: {  	s7 =	smul.u32 @!p0 $0xF7A, s2;
	p2 =	seq.s32 @!p0 s5, $0x0  }
0x1f: {  	s9 =	smul.u32 $0xF7A, s1;
	s8 =	simm.s32 @!p0 $0x1BF5;
	p2 =	por !p2, p0  }
0x20: {  	[sflag:s8] =	ssyncset.s32 @!p0 $0xFFFFF086;
	s6 =	sadd.s32 @!p0 s3, s7;
	s7 =	simm.s32 @!p0 $0x108  }
0x21: {  	s3 =	sadd.s32 s3, s9;
	s6 =	sadd.s32 @!p0 $0x88, s6;
	s7 =	simm.s32 @p2 $0x1082  }
0x22: {  	[simem:s7], [sflag:s8] =	dma.local @!p0 [hbm:s6], $0xF7A  }
0x23: {  	s9 =	sor.u32 $0xD0000000, s2;
	s6 =	simm.s32 $0x108;
	_ =	swait.ge @!p0 [sflag:s8], $0x0  }
0x24: {  	s3 =	sadd.s32 $0x88, s3;
	s6 =	simm.s32 @!p1 $0x1082;
	[sflag:s4] =	ssyncset.s32 $0xFFFFF086  }
0x25: {  	[simem:s6], [sflag:s4] =	dma.local [hbm:s3], $0xF7A  }
0x26: {  	[smem:$0x3F9D] =	sst s1;
	(tag) =	ssettag s2;
	_ =	strace s9  }
0x27: {  	s1 =	sld [smem:$0x3FAD]  }
0x28: {  	s2 =	sld [smem:$0x3FAE]  }
0x29: {  	s4 =	sld [smem:$0x3FB0]  }
0x2a: {  	p0 =	seq.s32 s5, $0x0;
	s5 =	sld [smem:$0x3FB1]  }
0x2b: {  	s6 =	sld [smem:$0x3FB2]  }
0x2c: {  	s7 =	sld [smem:$0x3FB3]  }
0x2d: {  	s3 =	simm.s32 $0x108;
	s8 =	sld [smem:$0x3FB4]  }
0x2e: {  	s3 =	simm.s32 @!p0 $0x1082;
	s9 =	sld [smem:$0x3FB5]  }
0x2f: {  	lr =	sadd.s32 s0, s3;
	s0 =	sld [smem:$0x3FAC]  }
0x30: {  	s3 =	sld [smem:$0x3FAF]  }
0x31: {  	[smem:$0x3FB8] =	sst s10  }
0x32: {  	s10 =	sld [smem:$0x3FB6];
	_ =	sdelay $0x3  }
0x33: {  	p0 =	seq.s32 s10, $0x1;
	s10 =	sld [smem:$0x3FB8];
	_ =	sdelay $0x3  }
0x34: {  	[smem:$0x3FB8] =	sst s10  }
0x35: {  	s10 =	sld [smem:$0x3FB7];
	_ =	sdelay $0x3  }
0x36: {  	p1 =	seq.s32 s10, $0x1;
	s10 =	sld [smem:$0x3FB8];
	_ =	sdelay $0x3  }
0x37: {  	[smem:$0x3FB8] =	sst s10  }
0x38: {  	s10 =	sld [smem:$0x3FB9]  }
0x39: {  	_ = 	snop;
	(pc) =	sbr.ind lr, $3  }
0x3a: {  	_ = 	snop  }
0x3b: {  	_ = 	snop  }
0x3c: {  	p2 =	seq.s32 s10, $0x1;
	s10 =	sld [smem:$0x3FB8]  }
0x3d: {  	_ =	shalt  }
0x3e: {  	_ =	shalt  }
0x3f: {  	_ =	shalt  }
0x40: {  	_ =	shalt  }
0x41: {  	_ =	shalt  }
0x42: {  	_ =	shalt  }
0x43: {  	_ =	shalt  }
0x44: {  	_ =	shalt  }
0x45: {  	_ =	shalt  }
0x46: {  	_ =	shalt  }
0x47: {  	_ =	shalt  }
0x48: {  	_ =	shalt  }
0x49: {  	_ =	shalt  }
0x4a: {  	_ =	shalt  }
0x4b: {  	_ =	shalt  }
0x4c: {  	_ =	shalt  }
0x4d: {  	_ =	shalt  }
0x4e: {  	_ =	shalt  }
0x4f: {  	_ =	shalt  }
0x50: {  	_ =	shalt  }
0x51: {  	_ =	shalt  }
0x52: {  	_ =	shalt  }
0x53: {  	_ =	shalt  }
0x54: {  	_ =	shalt  }
0x55: {  	_ =	shalt  }
0x56: {  	_ =	shalt  }
0x57: {  	_ =	shalt  }
0x58: {  	_ =	shalt  }
0x59: {  	_ =	shalt  }
0x5a: {  	_ =	shalt  }
0x5b: {  	_ =	shalt  }
0x5c: {  	_ =	shalt  }
0x5d: {  	_ =	shalt  }
0x5e: {  	_ =	shalt  }
0x5f: {  	_ =	shalt  }
0x60: {  	_ =	shalt  }
0x61: {  	_ =	shalt  }
0x62: {  	_ =	shalt  }
0x63: {  	_ =	shalt  }
0x64: {  	_ =	shalt  }
0x65: {  	_ =	shalt  }
0x66: {  	_ =	shalt  }
0x67: {  	_ =	shalt  }
0x68: {  	_ =	shalt  }
0x69: {  	_ =	shalt  }
0x6a: {  	_ =	shalt  }
0x6b: {  	_ =	shalt  }
0x6c: {  	_ =	shalt  }
0x6d: {  	_ =	shalt  }
0x6e: {  	_ =	shalt  }
0x6f: {  	_ =	shalt  }
0x70: {  	_ =	shalt  }
0x71: {  	_ =	shalt  }
0x72: {  	_ =	shalt  }
0x73: {  	_ =	shalt  }
0x74: {  	_ =	shalt  }
0x75: {  	_ =	shalt  }
0x76: {  	_ =	shalt  }
0x77: {  	_ =	shalt  }
0x78: {  	_ =	shalt  }
0x79: {  	_ =	shalt  }
0x7a: {  	_ =	shalt  }
0x7b: {  	_ =	shalt  }
0x7c: {  	_ =	shalt  }
0x7d: {  	_ =	shalt  }
0x7e: {  	_ =	shalt  }
0x7f: {  	_ =	shalt  }
0x80: {  	_ =	shalt  }
0x81: {  	_ =	shalt  }
0x82: {  	_ =	shalt  }
0x83: {  	_ =	shalt  }
0x84: {  	_ =	shalt  }
0x85: {  	_ =	shalt  }
0x86: {  	_ =	shalt  }
0x87: {  	_ =	shalt  }
.Lfunc_end0:
.L_simem_size_0:
called_computation.1_lowered:
.L_overlay_start_0:
0x88: {  	s2 =	sld [smem:$0x3FD9]  }
0x89: {  	s3 =	sld [smem:$0x3FFE];
	_ =	sdelay $0x1  }
0x8a: {  	s1 =	srdreg.scid  }
0x8b: {  	s0 =	sand.u32 $0x1, s1  }
0x8c: {  	s17 =	sshll.u32 s0, $0xA;
	s2 =	sadd.s32 s3, s2  }
0x8d: {  	s2 =	sadd.s32 s2, s17  }
0x8e: {  	[smem:$0x3FC4] =	sst s2  }
0x8f: {  	_ = 	snop  }
0x90: {  	s18 =	sld [smem:$0x3FD0];
	(tm) =	ssettm $0x1  }
0x91: {  	s19 =	sld [smem:$0x3FFB];
	_ =	sdelay $0x3  }
0x92: {  	_ =	strace s19  }
0x93: {  	s2 =	sld [smem:$0x3FFC];
	_ =	sdelay $0x3  }
0x94: {  	_ =	strace s2  }
0x95: {  	s2 =	sld [smem:$0x3FFD];
	_ =	sdelay $0x3  }
0x96: {  	_ =	strace s2  }
0x97: {  	_ =	strace $0x8FFFFFFF  }
0x98: {  	s20 =	sld [smem:$0x3FDB];
	_ =	sdelay $0x1  }
0x99: {  	s4 =	simm.s32 $_scs_section_size  }
0x9a: {  	s5 =	simm.s32 $_size__tile_overlayer_lowered;
	s6 =	simm.s32 $_tile_overlayer_lowered  }
0x9b: {  	s7 =	simm.s32 $0x1BFF;
	s21 =	sshll.u32 s6, $0x1;
	s4 =	sadd.s32 s4, s20  }
0x9c: {  	s22 =	simm.s32 $0x0;
	s5 =	sshll.u32 s5, $0x1;
	s6 =	sadd.s32 s21, s4  }
0x9d: {  	[timem:s22], [sflag:s7] =	dma.local [hbm:s6], s5  }
0x9e: {  	_ =	swait.ge [sflag:s7], s5  }
0x9f: {  	s5 =	ssub.s32 $0x0, s5;
	[sflag:s7] =	ssyncset.done $0x0  }
0xa0: {  	[sflag:s7] =	ssyncadd.s32 s5;
	_ =	sdelay $0x1  }
0xa1: {  	s23 =	simm.s32 $0x1B8B  }
0xa2: {  	_ =	swait.ge [sflag:s23], $0x1  }
0xa3: {  	[sflag:s23] =	ssyncset.done $0x0  }
0xa4: {  	[sflag:s23] =	ssyncadd.s32 $0xFFFFFFFF  }
0xa5: {  	s5 =	sld [smem:$0x0]  }
0xa6: {  	s6 =	sand.u32 $0xFFFFFFFE, s1  }
0xa7: {  	p0 =	sne.s32 s1, s6  }
0xa8: {  	s6 =	sshll.u32 @p0 s6, $0xE  }
0xa9: {  	s6 =	sadd.s32 @p0 $0x11B8D, s6;
	s7 =	sshll.u32 @p0 s5, $0x11  }
0xaa: {  	s6 =	sor.u32 @p0 s7, s6  }
0xab: {  	[sflag:s6] =	ssyncadd.remote.s32 @p0 $0x1;
	_ =	sdelay $0x1  }
0xac: {  	s6 =	simm.s32 @p0 $0x1B8D  }
0xad: {  	_ =	swait.eq @p0 [sflag:s6], $0x1  }
0xae: {  	[sflag:s6] =	ssyncadd.s32 @p0 $0xFFFFFFFF  }
0xaf: {  	s7 =	sshll.u32 @!p0 s1, $0xE  }
0xb0: {  	s7 =	sor.u32 @!p0 $0x4000, s7;
	s6 =	simm.s32 @!p0 $0x1B8D  }
0xb1: {  	s5 =	sshll.u32 @!p0 s5, $0x11;
	s7 =	sadd.s32 @!p0 $0x11B8D, s7;
	_ =	swait.eq @!p0 [sflag:s6], $0x1  }
0xb2: {  	s5 =	sor.u32 @!p0 s5, s7;
	[sflag:s6] =	ssyncadd.s32 @!p0 $0xFFFFFFFF  }
0xb3: {  	s25 =	simm.s32 $0x1B8E;
	s24 =	sld [smem:$0x3FFE];
	[sflag:s5] =	ssyncadd.remote.s32 @!p0 $0x1  }
0xb4: {  	s26 =	simm.s32 $execute0_lowered;
	[smem:$0x3FD2] =	sst s25  }
0xb5: {  	s6 =	sshll.u32 s26, $0x1;
	_ =	strace $0x80000049;
	[dreg:$0x1] =	wrdreg $0xFFFFFFFF  }
0xb6: {  	s28 =	simm.s32 $_size_execute0_lowered;
	s4 =	sadd.s32 s4, s6;
	[dreg:$0x0] =	wrdreg $0x0  }
0xb7: {  	s6 =	sshll.u32 s28, $0x1;
	[dreg:$0x2] =	wrdreg s4  }
0xb8: {  	[dreg:$0x3] =	wrdreg s6  }
0xb9: {  	[dreg:$0x4] =	wrdreg $0xC0  }
0xba: {  	_ =	task [dreg:s22], $0x5FFFF  }
0xbb: {  	[dreg:$0x1] =	wrdreg $0xFFFFFFFF  }
0xbc: {  	[dreg:$0x0] =	wrdreg $0x60  }
0xbd: {  	[dreg:$0x2] =	wrdreg s18  }
0xbe: {  	[dreg:$0x3] =	wrdreg s24  }
0xbf: {  	[dreg:$0x4] =	wrdreg $0x9  }
0xc0: {  	_ =	task.clear_ibuf [dreg:s22], $0x5FFFF;
	_ =	strace $0x90000049  }
0xc1: {  	s29 =	simm.s32 $0x9;
	_ =	strace $0x8000004B  }
0xc2: {  	_ =	swait.ge [sflag:s29], $0x1  }
0xc3: {  	[sflag:s29] =	ssyncadd.s32 $0xFFFFFFFF  }
0xc4: {  	_ =	strace $0x9000004B  }
0xc5: {  	_ =	sfence  }
0xc6: {  	s30 =	sld [smem:$0x0];
	_ =	sdelay $0x2  }
0xc7: {  	s31 =	sshll.u32 s1, $0xD;
	s1 =	sshrl.u32 s1, $0x2  }
0xc8: {  	s4 =	sand.u32 $0x4000, s31;
	s1 =	sadd.s32 s1, s30  }
0xc9: {  	s0 =	sor.u32 s4, s0;
	s1 =	sshll.u32 s1, $0x11  }
0xca: {  	s0 =	sor.u32 s1, s0  }
0xcb: {  	s0 =	sadd.s32 $0x8F2B, s0  }
0xcc: {  	[sflag:s0] =	ssyncadd.remote.s32 $0x1  }
0xcd: {  	_ =	sfence.sel $0xFFFF  }
0xce: {  	[dreg:$0x0] =	wrdreg $0xFFFFFFFF;
	(pc) =	sbr.abs _section_cstart, $3  }
0xcf: {  	[dreg:$0x1] =	wrdreg $0xFFFFFFFF  }
0xd0: {  	_ =	task.clear_ibuf [dreg:s22], $0x2FFFF;
	_ =	strace $0x9FFFFFFF  }
0xd1: {  	(tm) =	ssettm $0x7FFFFFFF  }
tec
execute0_lowered:
.L_overlay_start_1:
0x0: {  	(tag) =	ssettag $0x1  }
0x1: {  	s5 =	rddreg [dreg:$0x0]  }
0x2: {  	s0 =	srdreg.scid;
	s6 =	rddreg [dreg:$0x1]  }
0x3: {  	s2 =	simm.s32 $0x0;
	s10 =	simm.s32 $0x400;
	s4 =	sand.u32 $0x1, s0  }
0x4: {  	s11 =	simm.s32 $0x0;
	s0 =	stileid.u32;
	s1 =	sshll.u32 s4, $0x4  }
0x5: {  	[smem:$0x7FF] =	sst s2;
	s8 =	sshll.u32 s0, $0x7;
	s3 =	sor.u32 s0, s1  }
0x6: {  	s4 =	ssub.s32 $0x2, s4;
	s7 =	sshrl.u32 s3, $0x3;
	s9 =	smul.u32 $0x2710, s3  }
0x7: {  	s1 =	rddreg [dreg:$0x2];
	s8 =	sand.u32 $0x380, s8;
	s7 =	smul.u32 $0x14000, s7  }
0x8: {  	_ =	strace $0x8000004A;
	s31 =	sshrl.u32 s4, $0x1;
	s3 =	sadd.s32 $0x2000, s6  }
0x9: {  	s30 =	sshrl.u32 s9, $0x3;
	s9 =	simm.s32 $0x80;
	s7 =	sor.u32 s8, s7  }
0xa: {  	s5 =	sadd.s32 s5, s30;
	s8 =	simm.s32 $0x2780;
	s7 =	sshrl.u32 s7, $0x3  }
0xb: {  	s6 =	sadd.s32 s7, s6;
	s7 =	ssub.s32 s4, s31;
	s4 =	sadd.s32 $0x9C40, s5  }
0xc: {  	v0 =	vimm.s32 $0x1;
	s5 =	sadd.s32 $0xC600, s6;
	s6 =	smax.u32 s7, $0x1;
	s7 =	simm.s32 $0x1  }
.LBB2_1:
0xd: {  	[tilespmem:s2], [sflag:$0x1] =	stream.linear.gather [hbm4b:s4+s2], $0x2710, $0x38;
	[tilespmem:$0x4F80] =	vst v63  }
0xe: {  	_ =	swait.ge [sflag:s7], $0x2710  }
0xf: {  	[sflag:s7] =	ssyncset.done $0x0  }
0x10: {  	[sflag:s7] =	ssyncadd.s32 $0xFFFFD8F0  }
0x11: {  	[tilespmem:s8], [sflag:$0x1] =	stream.linear.gather [hbm4b:s3+s2], $0x2800, $0x38;
	[tilespmem:$0x4F80] =	vst v63  }
0x12: {  	_ =	swait.ge [sflag:s7], $0x2800  }
0x13: {  	[sflag:s7] =	ssyncset.done $0x0  }
0x14: {  	s12 =	simm.s32 $0x0;
	[sflag:s7] =	ssyncadd.s32 $0xFFFFD800  }
.LBB2_2:
0x15: {  	s13 =	sshra.s32 s12, $0x2  }
0x16: {  	v1 =	vld [tilespmem:s13+$0x0];
	_ =	sdelay $0x7  }
0x17: {  	[tilespmem:v1+s8+$0x0] =	vst.idx.add.s32.msk $0xffff, v0  }
0x18: {  	v1 =	vld [tilespmem:s13+$0x10];
	_ =	sdelay $0x7  }
0x19: {  	[tilespmem:v1+s8+$0x0] =	vst.idx.add.s32.msk $0xffff, v0  }
0x1a: {  	v1 =	vld [tilespmem:s13+$0x20];
	_ =	sdelay $0x7  }
0x1b: {  	[tilespmem:v1+s8+$0x0] =	vst.idx.add.s32.msk $0xffff, v0  }
0x1c: {  	v1 =	vld [tilespmem:s13+$0x30];
	_ =	sdelay $0x7  }
0x1d: {  	[tilespmem:v1+s8+$0x0] =	vst.idx.add.s32.msk $0xffff, v0  }
0x1e: {  	v1 =	vld [tilespmem:s13+$0x40];
	_ =	sdelay $0x2  }
0x1f: {  	p0 =	sne.s32 s12, $0x9B00  }
.Ltmp0:
0x20: {  	_ = 	snop;
	(pc) =	sbr.rel @p0 .LBB2_2-.Ltmp0, $2  }
0x21: {  	_ =	sdelay $0x2  }
0x22: {  	s12 =	sadd.s32 $0x140, s12;
	[tilespmem:v1+s8+$0x0] =	vst.idx.add.s32.msk $0xffff, v0  }
0x23: {  	s11 =	sadd.s32 $0x1, s11  }
0x24: {  	p0 =	sne.s32 s11, s6  }
.Ltmp1:
0x25: {  	_ = 	snop;
	(pc) =	sbr.rel @p0 .LBB2_1-.Ltmp1, $4  }
0x26: {  	[hbm4b:s5+s9] =	stream.strided.scatter [tilespmem:s8], [sflag:$0x1], $0x2800, s10, s9, $0x38;
	[tilespmem:$0x4F80] =	vst v63  }
0x27: {  	_ =	swait.ge [sflag:s7], $0x2800  }
0x28: {  	[sflag:s7] =	ssyncset.done $0x0  }
0x29: {  	[sflag:s7] =	ssyncadd.s32 $0xFFFFD800  }
0x2a: {  	_ =	sfence.sel $0x180000  }
0x2b: {  	[bflag:$0x0] =	sbarrier.arrive $0xFFFF  }
0x2c: {  	p0 =	sne.s32 s0, $0x0;
	_ =	strace $0x9000004A  }
0x2d: {  	s0 =	sadd.s32 @!p0 $0x100000, s1;
	[bflag:$0x2] =	sbarrier.arrive $0xFFFF  }
0x2e: {  	[sflag:s0] =	ssyncadd.tile.s32 @!p0 $0x1;
	_ =	shalt  }
.Lfunc_end2:
_tile_overlayer_lowered:
.L_overlay_start_2:
0x2f: {  	(tag) =	ssettag $0x2  }
0x30: {  	s0 =	rddreg [dreg:$0x0];
	s2 =	stileid.u32  }
0x31: {  	s1 =	rddreg [dreg:$0x1];
	p0 =	sne.s32 s2, $0x0  }
0x32: {  	s3 =	rddreg [dreg:$0x2];
	[bflag:$0x3] =	sbarrier.arrive $0xFFFF;
	s2 =	simm.s32 @!p0 $0x1C01  }
0x33: {  	[timem:s3], [sflag:s2] =	dma.local @!p0 [hbm:s0], s1  }
0x34: {  	s0 =	simm.s32 @!p0 $0x1  }
0x35: {  	_ =	swait.ge @!p0 [sflag:s0], s1  }
0x36: {  	s1 =	ssub.s32 @!p0 $0x0, s1;
	[sflag:s0] =	ssyncset.done @!p0 $0x0  }
0x37: {  	[sflag:s0] =	ssyncadd.s32 @!p0 s1  }
0x38: {  	[bflag:$0x3] =	sbarrier.arrive $0xFFFF  }
0x39: {  	_ =	shalt  }

// kernel: kernel.14.cloned.1.call-start
scs
__scs_entry_jumppad:
0x0: {  	(pc) =	sbr.rel $0x88, $3  }
0x1: {  	(tag) =	ssettag $0x0;
	lr =	simm.s32 $0x1  }
0x2: {  	[smem:$0x3F9D] =	sst lr;
	_ =	strace $0xD0000000  }
0x3: {  	_ = 	snop  }
0x4: {  	_ = 	snop  }
0x5: {  	_ = 	snop  }
0x6: {  	_ = 	snop  }
0x7: {  	_ = 	snop  }
__scs_overlays_trampoline_lowered:
0x8: {  	[smem:$0x3FAC] =	sst s0  }
0x9: {  	[smem:$0x3FAD] =	sst s1  }
0xa: {  	[smem:$0x3FAE] =	sst s2  }
0xb: {  	[smem:$0x3FAF] =	sst s3  }
0xc: {  	[smem:$0x3FB0] =	sst s4  }
0xd: {  	[smem:$0x3FB1] =	sst s5  }
0xe: {  	[smem:$0x3FB2] =	sst s6  }
0xf: {  	[smem:$0x3FB3] =	sst s7  }
0x10: {  	[smem:$0x3FB4] =	sst s8  }
0x11: {  	[smem:$0x3FB5] =	sst s9;
	s0 =	simm.s32 @!p0 $0x0  }
0x12: {  	s1 =	sld [smem:$0x3F9B];
	s0 =	simm.s32 @p0 $0x1  }
0x13: {  	[smem:$0x3FB6] =	sst s0;
	s0 =	simm.s32 @!p1 $0x0  }
0x14: {  	s2 =	sld [smem:$0x3F9A];
	s0 =	simm.s32 @p1 $0x1  }
0x15: {  	[smem:$0x3FB7] =	sst s0;
	s0 =	simm.s32 @!p2 $0x0  }
0x16: {  	s3 =	sld [smem:$0x3FDB];
	s0 =	simm.s32 @p2 $0x1  }
0x17: {  	s4 =	simm.s32 $0x1BF5;
	[smem:$0x3FB9] =	sst s0  }
0x18: {  	s0 =	sld [smem:$0x3F9C];
	_ =	swait.ge [sflag:s4], $0x0  }
0x19: {  	s7 =	sld [smem:$0x3F9D]  }
0x1a: {  	s8 =	sadd.s32 $0xFFFFE003, lr  }
0x1b: {  	s9 =	sadd.s32 $0xFFFFFEF7, lr;
	s5 =	simm.s32 $0xFFFFFFFF;
	p2 =	slt.u32 s8, $0xFFFFF086  }
0x1c: {  	p1 =	slt.u32 s9, $0xF7A;
	s5 =	simm.s32 @!p2 $0x0  }
0x1d: {  	s5 =	simm.s32 @p1 $0x1;
	p0 =	seq.s32 s7, s2  }
0x1e: {  	s7 =	smul.u32 @!p0 $0xF7A, s2;
	p2 =	seq.s32 @!p0 s5, $0x0  }
0x1f: {  	s9 =	smul.u32 $0xF7A, s1;
	s8 =	simm.s32 @!p0 $0x1BF5;
	p2 =	por !p2, p0  }
0x20: {  	[sflag:s8] =	ssyncset.s32 @!p0 $0xFFFFF086;
	s6 =	sadd.s32 @!p0 s3, s7;
	s7 =	simm.s32 @!p0 $0x108  }
0x21: {  	s3 =	sadd.s32 s3, s9;
	s6 =	sadd.s32 @!p0 $0x88, s6;
	s7 =	simm.s32 @p2 $0x1082  }
0x22: {  	[simem:s7], [sflag:s8] =	dma.local @!p0 [hbm:s6], $0xF7A  }
0x23: {  	s9 =	sor.u32 $0xD0000000, s2;
	s6 =	simm.s32 $0x108;
	_ =	swait.ge @!p0 [sflag:s8], $0x0  }
0x24: {  	s3 =	sadd.s32 $0x88, s3;
	s6 =	simm.s32 @!p1 $0x1082;
	[sflag:s4] =	ssyncset.s32 $0xFFFFF086  }
0x25: {  	[simem:s6], [sflag:s4] =	dma.local [hbm:s3], $0xF7A  }
0x26: {  	[smem:$0x3F9D] =	sst s1;
	(tag) =	ssettag s2;
	_ =	strace s9  }
0x27: {  	s1 =	sld [smem:$0x3FAD]  }
0x28: {  	s2 =	sld [smem:$0x3FAE]  }
0x29: {  	s4 =	sld [smem:$0x3FB0]  }
0x2a: {  	p0 =	seq.s32 s5, $0x0;
	s5 =	sld [smem:$0x3FB1]  }
0x2b: {  	s6 =	sld [smem:$0x3FB2]  }
0x2c: {  	s7 =	sld [smem:$0x3FB3]  }
0x2d: {  	s3 =	simm.s32 $0x108;
	s8 =	sld [smem:$0x3FB4]  }
0x2e: {  	s3 =	simm.s32 @!p0 $0x1082;
	s9 =	sld [smem:$0x3FB5]  }
0x2f: {  	lr =	sadd.s32 s0, s3;
	s0 =	sld [smem:$0x3FAC]  }
0x30: {  	s3 =	sld [smem:$0x3FAF]  }
0x31: {  	[smem:$0x3FB8] =	sst s10  }
0x32: {  	s10 =	sld [smem:$0x3FB6];
	_ =	sdelay $0x3  }
0x33: {  	p0 =	seq.s32 s10, $0x1;
	s10 =	sld [smem:$0x3FB8];
	_ =	sdelay $0x3  }
0x34: {  	[smem:$0x3FB8] =	sst s10  }
0x35: {  	s10 =	sld [smem:$0x3FB7];
	_ =	sdelay $0x3  }
0x36: {  	p1 =	seq.s32 s10, $0x1;
	s10 =	sld [smem:$0x3FB8];
	_ =	sdelay $0x3  }
0x37: {  	[smem:$0x3FB8] =	sst s10  }
0x38: {  	s10 =	sld [smem:$0x3FB9]  }
0x39: {  	_ = 	snop;
	(pc) =	sbr.ind lr, $3  }
0x3a: {  	_ = 	snop  }
0x3b: {  	_ = 	snop  }
0x3c: {  	p2 =	seq.s32 s10, $0x1;
	s10 =	sld [smem:$0x3FB8]  }
0x3d: {  	_ =	shalt  }
0x3e: {  	_ =	shalt  }
0x3f: {  	_ =	shalt  }
0x40: {  	_ =	shalt  }
0x41: {  	_ =	shalt  }
0x42: {  	_ =	shalt  }
0x43: {  	_ =	shalt  }
0x44: {  	_ =	shalt  }
0x45: {  	_ =	shalt  }
0x46: {  	_ =	shalt  }
0x47: {  	_ =	shalt  }
0x48: {  	_ =	shalt  }
0x49: {  	_ =	shalt  }
0x4a: {  	_ =	shalt  }
0x4b: {  	_ =	shalt  }
0x4c: {  	_ =	shalt  }
0x4d: {  	_ =	shalt  }
0x4e: {  	_ =	shalt  }
0x4f: {  	_ =	shalt  }
0x50: {  	_ =	shalt  }
0x51: {  	_ =	shalt  }
0x52: {  	_ =	shalt  }
0x53: {  	_ =	shalt  }
0x54: {  	_ =	shalt  }
0x55: {  	_ =	shalt  }
0x56: {  	_ =	shalt  }
0x57: {  	_ =	shalt  }
0x58: {  	_ =	shalt  }
0x59: {  	_ =	shalt  }
0x5a: {  	_ =	shalt  }
0x5b: {  	_ =	shalt  }
0x5c: {  	_ =	shalt  }
0x5d: {  	_ =	shalt  }
0x5e: {  	_ =	shalt  }
0x5f: {  	_ =	shalt  }
0x60: {  	_ =	shalt  }
0x61: {  	_ =	shalt  }
0x62: {  	_ =	shalt  }
0x63: {  	_ =	shalt  }
0x64: {  	_ =	shalt  }
0x65: {  	_ =	shalt  }
0x66: {  	_ =	shalt  }
0x67: {  	_ =	shalt  }
0x68: {  	_ =	shalt  }
0x69: {  	_ =	shalt  }
0x6a: {  	_ =	shalt  }
0x6b: {  	_ =	shalt  }
0x6c: {  	_ =	shalt  }
0x6d: {  	_ =	shalt  }
0x6e: {  	_ =	shalt  }
0x6f: {  	_ =	shalt  }
0x70: {  	_ =	shalt  }
0x71: {  	_ =	shalt  }
0x72: {  	_ =	shalt  }
0x73: {  	_ =	shalt  }
0x74: {  	_ =	shalt  }
0x75: {  	_ =	shalt  }
0x76: {  	_ =	shalt  }
0x77: {  	_ =	shalt  }
0x78: {  	_ =	shalt  }
0x79: {  	_ =	shalt  }
0x7a: {  	_ =	shalt  }
0x7b: {  	_ =	shalt  }
0x7c: {  	_ =	shalt  }
0x7d: {  	_ =	shalt  }
0x7e: {  	_ =	shalt  }
0x7f: {  	_ =	shalt  }
0x80: {  	_ =	shalt  }
0x81: {  	_ =	shalt  }
0x82: {  	_ =	shalt  }
0x83: {  	_ =	shalt  }
0x84: {  	_ =	shalt  }
0x85: {  	_ =	shalt  }
0x86: {  	_ =	shalt  }
0x87: {  	_ =	shalt  }
.Lfunc_end0:
.L_simem_size_0:
called_computation.2_lowered:
.L_overlay_start_0:
0x88: {  	s2 =	sld [smem:$0x3FD9]  }
0x89: {  	s3 =	sld [smem:$0x3FFE];
	_ =	sdelay $0x1  }
0x8a: {  	s1 =	srdreg.scid  }
0x8b: {  	s0 =	sand.u32 $0x1, s1  }
0x8c: {  	s17 =	sshll.u32 s0, $0xA;
	s2 =	sadd.s32 s3, s2  }
0x8d: {  	s2 =	sadd.s32 s2, s17  }
0x8e: {  	[smem:$0x3FC4] =	sst s2  }
0x8f: {  	_ = 	snop  }
0x90: {  	s18 =	sld [smem:$0x3FD0];
	(tm) =	ssettm $0x1  }
0x91: {  	s19 =	sld [smem:$0x3FFB];
	_ =	sdelay $0x3  }
0x92: {  	_ =	strace s19  }
0x93: {  	s2 =	sld [smem:$0x3FFC];
	_ =	sdelay $0x3  }
0x94: {  	_ =	strace s2  }
0x95: {  	s2 =	sld [smem:$0x3FFD];
	_ =	sdelay $0x3  }
0x96: {  	_ =	strace s2  }
0x97: {  	_ =	strace $0x8FFFFFFF  }
0x98: {  	s20 =	sld [smem:$0x3FDB];
	_ =	sdelay $0x1  }
0x99: {  	s4 =	simm.s32 $_scs_section_size  }
0x9a: {  	s5 =	simm.s32 $_size__tile_overlayer_lowered;
	s6 =	simm.s32 $_tile_overlayer_lowered  }
0x9b: {  	s7 =	simm.s32 $0x1BFF;
	s21 =	sshll.u32 s6, $0x1;
	s4 =	sadd.s32 s4, s20  }
0x9c: {  	s22 =	simm.s32 $0x0;
	s5 =	sshll.u32 s5, $0x1;
	s6 =	sadd.s32 s21, s4  }
0x9d: {  	[timem:s22], [sflag:s7] =	dma.local [hbm:s6], s5  }
0x9e: {  	_ =	swait.ge [sflag:s7], s5  }
0x9f: {  	s5 =	ssub.s32 $0x0, s5;
	[sflag:s7] =	ssyncset.done $0x0  }
0xa0: {  	[sflag:s7] =	ssyncadd.s32 s5;
	_ =	sdelay $0x1  }
0xa1: {  	s23 =	simm.s32 $0x1B8B  }
0xa2: {  	_ =	swait.ge [sflag:s23], $0x1  }
0xa3: {  	[sflag:s23] =	ssyncset.done $0x0  }
0xa4: {  	[sflag:s23] =	ssyncadd.s32 $0xFFFFFFFF  }
0xa5: {  	s5 =	sld [smem:$0x0]  }
0xa6: {  	s6 =	sand.u32 $0xFFFFFFFE, s1  }
0xa7: {  	p0 =	sne.s32 s1, s6  }
0xa8: {  	s6 =	sshll.u32 @p0 s6, $0xE  }
0xa9: {  	s6 =	sadd.s32 @p0 $0x11B8D, s6;
	s7 =	sshll.u32 @p0 s5, $0x11  }
0xaa: {  	s6 =	sor.u32 @p0 s7, s6  }
0xab: {  	[sflag:s6] =	ssyncadd.remote.s32 @p0 $0x1;
	_ =	sdelay $0x1  }
0xac: {  	s6 =	simm.s32 @p0 $0x1B8D  }
0xad: {  	_ =	swait.eq @p0 [sflag:s6], $0x1  }
0xae: {  	[sflag:s6] =	ssyncadd.s32 @p0 $0xFFFFFFFF  }
0xaf: {  	s7 =	sshll.u32 @!p0 s1, $0xE  }
0xb0: {  	s7 =	sor.u32 @!p0 $0x4000, s7;
	s6 =	simm.s32 @!p0 $0x1B8D  }
0xb1: {  	s5 =	sshll.u32 @!p0 s5, $0x11;
	s7 =	sadd.s32 @!p0 $0x11B8D, s7;
	_ =	swait.eq @!p0 [sflag:s6], $0x1  }
0xb2: {  	s5 =	sor.u32 @!p0 s5, s7;
	[sflag:s6] =	ssyncadd.s32 @!p0 $0xFFFFFFFF  }
0xb3: {  	s25 =	simm.s32 $0x1B8E;
	s24 =	sld [smem:$0x3FFE];
	[sflag:s5] =	ssyncadd.remote.s32 @!p0 $0x1  }
0xb4: {  	s26 =	simm.s32 $execute0_lowered;
	[smem:$0x3FD2] =	sst s25  }
0xb5: {  	s6 =	sshll.u32 s26, $0x1;
	_ =	strace $0x8000004C;
	[dreg:$0x1] =	wrdreg $0xFFFFFFFF  }
0xb6: {  	s28 =	simm.s32 $_size_execute0_lowered;
	s4 =	sadd.s32 s4, s6;
	[dreg:$0x0] =	wrdreg $0x0  }
0xb7: {  	s6 =	sshll.u32 s28, $0x1;
	[dreg:$0x2] =	wrdreg s4  }
0xb8: {  	[dreg:$0x3] =	wrdreg s6  }
0xb9: {  	[dreg:$0x4] =	wrdreg $0xC0  }
0xba: {  	_ =	task [dreg:s22], $0x5FFFF  }
0xbb: {  	[dreg:$0x1] =	wrdreg $0xFFFFFFFF  }
0xbc: {  	[dreg:$0x0] =	wrdreg $0x60  }
0xbd: {  	[dreg:$0x2] =	wrdreg s24  }
0xbe: {  	[dreg:$0x3] =	wrdreg s18  }
0xbf: {  	[dreg:$0x4] =	wrdreg $0xA8000  }
0xc0: {  	[dreg:$0x5] =	wrdreg $0xA  }
0xc1: {  	_ =	task.clear_ibuf [dreg:s22], $0x6FFFF;
	_ =	strace $0x9000004C  }
0xc2: {  	s29 =	simm.s32 $0xA;
	_ =	strace $0x8000004E  }
0xc3: {  	_ =	swait.ge [sflag:s29], $0x1  }
0xc4: {  	[sflag:s29] =	ssyncadd.s32 $0xFFFFFFFF  }
0xc5: {  	_ =	strace $0x9000004E  }
0xc6: {  	_ =	sfence  }
0xc7: {  	s30 =	sld [smem:$0x0];
	_ =	sdelay $0x2  }
0xc8: {  	s31 =	sshll.u32 s1, $0xD;
	s1 =	sshrl.u32 s1, $0x2  }
0xc9: {  	s4 =	sand.u32 $0x4000, s31;
	s1 =	sadd.s32 s1, s30  }
0xca: {  	s0 =	sor.u32 s4, s0;
	s1 =	sshll.u32 s1, $0x11  }
0xcb: {  	s0 =	sor.u32 s1, s0  }
0xcc: {  	s0 =	sadd.s32 $0x8F2B, s0  }
0xcd: {  	[sflag:s0] =	ssyncadd.remote.s32 $0x1  }
0xce: {  	_ =	sfence.sel $0xFFFF  }
0xcf: {  	[dreg:$0x0] =	wrdreg $0xFFFFFFFF;
	(pc) =	sbr.abs _section_cstart, $3  }
0xd0: {  	[dreg:$0x1] =	wrdreg $0xFFFFFFFF  }
0xd1: {  	_ =	task.clear_ibuf [dreg:s22], $0x2FFFF;
	_ =	strace $0x9FFFFFFF  }
0xd2: {  	(tm) =	ssettm $0x7FFFFFFF  }
0xd3: {  	_ =	shalt  }
tec
execute0_lowered:
.L_overlay_start_1:
0x0: {  	(tag) =	ssettag $0x1  }
0x1: {  	s0 =	rddreg [dreg:$0x0]  }
0x2: {  	s23 =	rddreg [dreg:$0x1]  }
0x3: {  	s3 =	rddreg [dreg:$0x2];
	s11 =	stileid.u32  }
0x4: {  	s2 =	srdreg.scid;
	s4 =	simm.s32 $0x0;
	s6 =	smul.u32 $0x14000, s11  }
0x5: {  	s2 =	sand.u32 $0x1, s2;
	[smem:$0x7FF] =	sst s4;
	s8 =	smul.u32 $0x50000, s11  }
0x6: {  	s5 =	smul.u32 $0x140000, s2;
	s7 =	sshll.u32 s2, $0x4;
	_ =	strace $0x8000004D  }
0x7: {  	s19 =	ssub.s32 $0x2, s2;
	s7 =	sor.u32 s11, s7;
	s8 =	sshrl.u32 s8, $0x2  }
0x8: {  	s10 =	sshrl.u32 s19, $0x1;
	s7 =	smul.u32 $0x2710, s7;
	s28 =	sadd.s32 s8, s3  }
0x9: {  	s6 =	sadd.s32 s6, s5;
	s8 =	sadd.s32 $0x2000, s28;
	[dreg:$0x10] =	wrdreg s28  }
0xa: {  	s5 =	sadd.s32 $0x16600, s0;
	s1 =	sadd.s32 $0x4E430, s7;
	[smem:$0x7EB] =	sst s8  }
0xb: {  	s6 =	sshrl.u32 s6, $0x3;
	s13 =	sadd.s32 $0x280, s7;
	[dreg:$0x5] =	wrdreg s1  }
0xc: {  	s0 =	sadd.s32 s6, s0;
	s15 =	sadd.s32 $0x2D0, s7;
	[dreg:$0x6] =	wrdreg s13  }
0xd: {  	s9 =	sshrl.u32 s7, $0x3;
	s17 =	sadd.s32 $0x320, s7;
	[dreg:$0x7] =	wrdreg s15  }
0xe: {  	s6 =	ssub.s32 s19, s10;
	s19 =	sadd.s32 $0x370, s7;
	[dreg:$0x8] =	wrdreg s17  }
0xf: {  	s12 =	sadd.s32 s23, s9;
	[dreg:$0x9] =	wrdreg s19  }
0x10: {  	s0 =	sadd.s32 $0x3E600, s0;
	[dreg:$0xf] =	wrdreg s12  }
0x11: {  	s1 =	simm.s32 $0xA380;
	[dreg:$0x1e] =	wrdreg s0  }
0x12: {  	s13 =	sadd.s32 $0x6000, s28;
	[dreg:$0xe] =	wrdreg s1  }
0x13: {  	s15 =	sadd.s32 $0x8000, s28;
	[smem:$0x7F0] =	sst s13  }
0x14: {  	s17 =	sadd.s32 $0xA000, s28;
	[smem:$0x7F2] =	sst s15  }
0x15: {  	s19 =	sadd.s32 $0xC000, s28;
	[smem:$0x7F4] =	sst s17  }
0x16: {  	s20 =	sadd.s32 $0x9C40, s12;
	[smem:$0x7F6] =	sst s19  }
0x17: {  	s21 =	sadd.s32 $0xA, s12;
	[dreg:$0x11] =	wrdreg s20  }
0x18: {  	s22 =	sadd.s32 $0x9C4A, s12;
	[dreg:$0x12] =	wrdreg s21  }
0x19: {  	s24 =	sadd.s32 $0x14, s12;
	[dreg:$0x13] =	wrdreg s22  }
0x1a: {  	s25 =	sadd.s32 $0x9C54, s12;
	[dreg:$0x14] =	wrdreg s24  }
0x1b: {  	s26 =	sadd.s32 $0x1E, s12;
	[dreg:$0x15] =	wrdreg s25  }
0x1c: {  	s9 =	sadd.s32 $0x9C5E, s12;
	[dreg:$0x16] =	wrdreg s26  }
0x1d: {  	s31 =	sadd.s32 $0x46, s12;
	[dreg:$0x17] =	wrdreg s9  }
0x1e: {  	s10 =	sadd.s32 $0x28, s12;
	[dreg:$0x4] =	wrdreg s31  }
0x1f: {  	s14 =	sadd.s32 $0x9C68, s12;
	[dreg:$0x18] =	wrdreg s10  }
0x20: {  	s16 =	sadd.s32 $0x32, s12;
	[dreg:$0x19] =	wrdreg s14  }
0x21: {  	s18 =	sadd.s32 $0x9C72, s12;
	[dreg:$0x1a] =	wrdreg s16  }
0x22: {  	[dreg:$0x1b] =	wrdreg s18;
	s20 =	sadd.s32 $0x3C0, s7  }
0x23: {  	s24 =	sadd.s32 $0x3C, s12;
	[dreg:$0xa] =	wrdreg s20  }
0x24: {  	s21 =	sadd.s32 $0x410, s7;
	[dreg:$0x1c] =	wrdreg s24  }
0x25: {  	s25 =	sadd.s32 $0x9C7C, s12;
	[dreg:$0xb] =	wrdreg s21  }
0x26: {  	s7 =	sadd.s32 $0x460, s7;
	[dreg:$0x1d] =	wrdreg s25  }
0x27: {  	s29 =	simm.s32 $0x11;
	s26 =	smax.u32 s6, $0x1;
	[dreg:$0xc] =	wrdreg s7  }
0x28: {  	s30 =	simm.s32 $0xA400;
	s10 =	sadd.s32 $0x3000, s28;
	[dreg:$0x1f] =	wrdreg s26  }
0x29: {  	s22 =	smul.u32 $0x2710, s11;
	s11 =	sadd.s32 $0x4000, s28;
	[smem:$0x7ED] =	sst s10  }
0x2a: {  	s2 =	smul.u32 $0x27100, s2;
	s12 =	sadd.s32 $0x5000, s28;
	[smem:$0x7EE] =	sst s11  }
0x2b: {  	s19 =	simm.s32 $0xF;
	s14 =	sadd.s32 $0x7000, s28;
	[smem:$0x7EF] =	sst s12  }
0x2c: {  	s1 =	simm.s32 $0x10;
	s16 =	sadd.s32 $0x9000, s28;
	[smem:$0x7F1] =	sst s14  }
0x2d: {  	s13 =	simm.s32 $0x0;
	s18 =	sadd.s32 $0xB000, s28;
	[smem:$0x7F3] =	sst s16  }
0x2e: {  	s6 =	simm.s32 $0x1;
	s7 =	sadd.s32 $0x1000, s28;
	[smem:$0x7F5] =	sst s18  }
0x2f: {  	s20 =	sadd.s32 $0xD000, s28;
	s21 =	sadd.s32 $0xE000, s28;
	[smem:$0x7EA] =	sst s7  }
0x30: {  	s24 =	sadd.s32 $0x10000, s28;
	s25 =	sadd.s32 $0x11000, s28;
	[smem:$0x7F7] =	sst s20  }
0x31: {  	s26 =	sadd.s32 $0x12000, s28;
	s10 =	simm.s32 $0x9;
	[smem:$0x7F8] =	sst s21  }
0x32: {  	s11 =	simm.s32 $0x50;
	s12 =	simm.s32 $0xA;
	[smem:$0x7FA] =	sst s24  }
0x33: {  	s14 =	simm.s32 $0xB;
	s16 =	simm.s32 $0x2;
	[smem:$0x7FB] =	sst s25  }
0x34: {  	s2 =	sadd.s32 s22, s2;
	s22 =	sadd.s32 $0xF000, s28;
	[smem:$0x7FC] =	sst s26  }
0x35: {  	s31 =	sadd.s32 $0x4E430, s2;
	s2 =	sadd.s32 $0x230, s2;
	[smem:$0x7F9] =	sst s22  }
0x36: {  	[dreg:$0xd] =	wrdreg s31;
	s2 =	sshrl.u32 s2, $0x3;
	s31 =	sadd.s32 $0x13000, s28  }
0x37: {  	s18 =	simm.s32 $0x5;
	s9 =	sadd.s32 s2, s23;
	[smem:$0x7FD] =	sst s31  }
0x38: {  	v0 =	vimm.f32 $0.0e+00;
	s7 =	simm.s32 $0xC;
	[smem:$0x7EC] =	sst s9;
	s9 =	simm.s32 $0xE  }
.LBB2_1:
0x39: {  	[smem:$0x7E9] =	sst s13;
	s24 =	simm.s32 $0x0;
	s26 =	simm.s32 $0x200  }
.LBB2_2:
0x3a: {  	p0 =	sne.s32 s26, $0x3E00;
	[tilespmem:s24+$0x1E870] =	vst v0  }
0x3b: {  	[tilespmem:s24+$0x1E800] =	vst v0  }
0x3c: {  	[tilespmem:s24+$0x1E810] =	vst v0  }
.Ltmp0:
0x3d: {  	[tilespmem:s24+$0x1E820] =	vst v0;
	(pc) =	sbr.rel @p0 .LBB2_2-.Ltmp0, $4  }
0x3e: {  	[tilespmem:s24+$0x1E830] =	vst v0  }
0x3f: {  	[tilespmem:s24+$0x1E840] =	vst v0  }
0x40: {  	[tilespmem:s24+$0x1E850] =	vst v0  }
0x41: {  	[tilespmem:s24+$0x1E860] =	vst v0;
	s24 =	sshra.s32 s26, $0x2;
	s26 =	sadd.s32 $0x200, s26  }
0x42: {  	[tilespmem:s24+$0x1E870] =	vst v0  }
0x43: {  	[tilespmem:s24+$0x1E800] =	vst v0  }
0x44: {  	[tilespmem:s24+$0x1E810] =	vst v0  }
0x45: {  	[tilespmem:s24+$0x1E820] =	vst v0  }
0x46: {  	[tilespmem:s24+$0x1E830] =	vst v0  }
0x47: {  	[tilespmem:s24+$0x1E840] =	vst v0  }
0x48: {  	[tilespmem:s24+$0x1E850] =	vst v0  }
0x49: {  	[tilespmem:s24+$0x1E860] =	vst v0;
	s24 =	simm.s32 $0x1E800  }
0x4a: {  	[spmem:s28] =	stream.linear.scatter [tilespmem:s24], [sflag:$0x11], $0x1000, $0x38;
	[tilespmem:$0x1F800] =	vst v63  }
0x4b: {  	_ =	swait.ge [sflag:s29], $0x1000  }
0x4c: {  	s17 =	sld [smem:$0x7EA]  }
0x4d: {  	[sflag:s29] =	ssyncset.done $0x0  }
0x4e: {  	[sflag:s29] =	ssyncadd.s32 $0xFFFFF000  }
0x4f: {  	[spmem:s17] =	stream.linear.scatter [tilespmem:s24], [sflag:$0x11], $0x1000, $0x38;
	[tilespmem:$0x1F800] =	vst v63  }
0x50: {  	_ =	swait.ge [sflag:s29], $0x1000  }
0x51: {  	s25 =	sld [smem:$0x7EB]  }
0x52: {  	[sflag:s29] =	ssyncset.done $0x0  }
0x53: {  	[sflag:s29] =	ssyncadd.s32 $0xFFFFF000  }
0x54: {  	[spmem:s25] =	stream.linear.scatter [tilespmem:s24], [sflag:$0x11], $0x1000, $0x38;
	[tilespmem:$0x1F800] =	vst v63  }
0x55: {  	_ =	swait.ge [sflag:s29], $0x1000  }
0x56: {  	s26 =	sld [smem:$0x7ED]  }
0x57: {  	[sflag:s29] =	ssyncset.done $0x0  }
0x58: {  	[sflag:s29] =	ssyncadd.s32 $0xFFFFF000  }
0x59: {  	[spmem:s26] =	stream.linear.scatter [tilespmem:s24], [sflag:$0x11], $0x1000, $0x38;
	[tilespmem:$0x1F800] =	vst v63  }
0x5a: {  	_ =	swait.ge [sflag:s29], $0x1000  }
0x5b: {  	s28 =	sld [smem:$0x7EE]  }
0x5c: {  	[sflag:s29] =	ssyncset.done $0x0  }
0x5d: {  	[sflag:s29] =	ssyncadd.s32 $0xFFFFF000  }
0x5e: {  	[spmem:s28] =	stream.linear.scatter [tilespmem:s24], [sflag:$0x11], $0x1000, $0x38;
	[tilespmem:$0x1F800] =	vst v63  }
0x5f: {  	_ =	swait.ge [sflag:s29], $0x1000  }
0x60: {  	s31 =	sld [smem:$0x7EF]  }
0x61: {  	[sflag:s29] =	ssyncset.done $0x0  }
0x62: {  	[sflag:s29] =	ssyncadd.s32 $0xFFFFF000  }
0x63: {  	[spmem:s31] =	stream.linear.scatter [tilespmem:s24], [sflag:$0x11], $0x1000, $0x38;
	[tilespmem:$0x1F800] =	vst v63  }
0x64: {  	_ =	swait.ge [sflag:s29], $0x1000  }
0x65: {  	s0 =	sld [smem:$0x7F0]  }
0x66: {  	[sflag:s29] =	ssyncset.done $0x0  }
0x67: {  	[sflag:s29] =	ssyncadd.s32 $0xFFFFF000  }
0x68: {  	[spmem:s0] =	stream.linear.scatter [tilespmem:s24], [sflag:$0x11], $0x1000, $0x38;
	[tilespmem:$0x1F800] =	vst v63  }
0x69: {  	_ =	swait.ge [sflag:s29], $0x1000  }
0x6a: {  	s2 =	sld [smem:$0x7F1]  }
0x6b: {  	[sflag:s29] =	ssyncset.done $0x0  }
0x6c: {  	[sflag:s29] =	ssyncadd.s32 $0xFFFFF000  }
0x6d: {  	[spmem:s2] =	stream.linear.scatter [tilespmem:s24], [sflag:$0x11], $0x1000, $0x38;
	[tilespmem:$0x1F800] =	vst v63  }
0x6e: {  	_ =	swait.ge [sflag:s29], $0x1000  }
0x6f: {  	s8 =	sld [smem:$0x7F2]  }
0x70: {  	[sflag:s29] =	ssyncset.done $0x0  }
0x71: {  	[sflag:s29] =	ssyncadd.s32 $0xFFFFF000  }
0x72: {  	[spmem:s8] =	stream.linear.scatter [tilespmem:s24], [sflag:$0x11], $0x1000, $0x38;
	[tilespmem:$0x1F800] =	vst v63  }
0x73: {  	_ =	swait.ge [sflag:s29], $0x1000  }
0x74: {  	s13 =	sld [smem:$0x7F3]  }
0x75: {  	[sflag:s29] =	ssyncset.done $0x0  }
0x76: {  	[sflag:s29] =	ssyncadd.s32 $0xFFFFF000  }
0x77: {  	[spmem:s13] =	stream.linear.scatter [tilespmem:s24], [sflag:$0x11], $0x1000, $0x38;
	[tilespmem:$0x1F800] =	vst v63  }
0x78: {  	_ =	swait.ge [sflag:s29], $0x1000  }
0x79: {  	s15 =	sld [smem:$0x7F4]  }
0x7a: {  	[sflag:s29] =	ssyncset.done $0x0  }
0x7b: {  	[sflag:s29] =	ssyncadd.s32 $0xFFFFF000  }
0x7c: {  	[spmem:s15] =	stream.linear.scatter [tilespmem:s24], [sflag:$0x11], $0x1000, $0x38;
	[tilespmem:$0x1F800] =	vst v63  }
0x7d: {  	_ =	swait.ge [sflag:s29], $0x1000  }
0x7e: {  	s20 =	sld [smem:$0x7F5]  }
0x7f: {  	[sflag:s29] =	ssyncset.done $0x0  }
0x80: {  	[sflag:s29] =	ssyncadd.s32 $0xFFFFF000  }
0x81: {  	[spmem:s20] =	stream.linear.scatter [tilespmem:s24], [sflag:$0x11], $0x1000, $0x38;
	[tilespmem:$0x1F800] =	vst v63  }
0x82: {  	_ =	swait.ge [sflag:s29], $0x1000  }
0x83: {  	s21 =	sld [smem:$0x7F6]  }
0x84: {  	[sflag:s29] =	ssyncset.done $0x0  }
0x85: {  	[sflag:s29] =	ssyncadd.s32 $0xFFFFF000  }
0x86: {  	[spmem:s21] =	stream.linear.scatter [tilespmem:s24], [sflag:$0x11], $0x1000, $0x38;
	[tilespmem:$0x1F800] =	vst v63  }
0x87: {  	_ =	swait.ge [sflag:s29], $0x1000  }
0x88: {  	s22 =	sld [smem:$0x7F7]  }
0x89: {  	[sflag:s29] =	ssyncset.done $0x0  }
0x8a: {  	[sflag:s29] =	ssyncadd.s32 $0xFFFFF000  }
0x8b: {  	[spmem:s22] =	stream.linear.scatter [tilespmem:s24], [sflag:$0x11], $0x1000, $0x38;
	[tilespmem:$0x1F800] =	vst v63  }
0x8c: {  	_ =	swait.ge [sflag:s29], $0x1000  }
0x8d: {  	s25 =	sld [smem:$0x7F8]  }
0x8e: {  	[sflag:s29] =	ssyncset.done $0x0  }
0x8f: {  	[sflag:s29] =	ssyncadd.s32 $0xFFFFF000  }
0x90: {  	[spmem:s25] =	stream.linear.scatter [tilespmem:s24], [sflag:$0x11], $0x1000, $0x38;
	[tilespmem:$0x1F800] =	vst v63  }
0x91: {  	_ =	swait.ge [sflag:s29], $0x1000  }
0x92: {  	s26 =	sld [smem:$0x7F9]  }
0x93: {  	[sflag:s29] =	ssyncset.done $0x0  }
0x94: {  	[sflag:s29] =	ssyncadd.s32 $0xFFFFF000  }
0x95: {  	[spmem:s26] =	stream.linear.scatter [tilespmem:s24], [sflag:$0x11], $0x1000, $0x38;
	[tilespmem:$0x1F800] =	vst v63  }
0x96: {  	_ =	swait.ge [sflag:s29], $0x1000  }
0x97: {  	s28 =	sld [smem:$0x7FA]  }
0x98: {  	[sflag:s29] =	ssyncset.done $0x0  }
0x99: {  	[sflag:s29] =	ssyncadd.s32 $0xFFFFF000  }
0x9a: {  	[spmem:s28] =	stream.linear.scatter [tilespmem:s24], [sflag:$0x11], $0x1000, $0x38;
	[tilespmem:$0x1F800] =	vst v63  }
0x9b: {  	_ =	swait.ge [sflag:s29], $0x1000  }
0x9c: {  	s31 =	sld [smem:$0x7FB]  }
0x9d: {  	[sflag:s29] =	ssyncset.done $0x0  }
0x9e: {  	[sflag:s29] =	ssyncadd.s32 $0xFFFFF000  }
0x9f: {  	[spmem:s31] =	stream.linear.scatter [tilespmem:s24], [sflag:$0x11], $0x1000, $0x38;
	[tilespmem:$0x1F800] =	vst v63  }
0xa0: {  	_ =	swait.ge [sflag:s29], $0x1000  }
0xa1: {  	s0 =	sld [smem:$0x7FC]  }
0xa2: {  	[sflag:s29] =	ssyncset.done $0x0  }
0xa3: {  	[sflag:s29] =	ssyncadd.s32 $0xFFFFF000  }
0xa4: {  	[spmem:s0] =	stream.linear.scatter [tilespmem:s24], [sflag:$0x11], $0x1000, $0x38;
	[tilespmem:$0x1F800] =	vst v63  }
0xa5: {  	_ =	swait.ge [sflag:s29], $0x1000  }
0xa6: {  	s2 =	sld [smem:$0x7FD]  }
0xa7: {  	[sflag:s29] =	ssyncset.done $0x0  }
0xa8: {  	[sflag:s29] =	ssyncadd.s32 $0xFFFFF000  }
0xa9: {  	[spmem:s2] =	stream.linear.scatter [tilespmem:s24], [sflag:$0x11], $0x1000, $0x38;
	[tilespmem:$0x1F800] =	vst v63  }
0xaa: {  	_ =	swait.ge [sflag:s29], $0x1000  }
0xab: {  	[sflag:s29] =	ssyncset.done $0x0  }
0xac: {  	[sflag:s29] =	ssyncadd.s32 $0xFFFFF000  }
0xad: {  	[bflag:$0x0] =	sbarrier.arrive $0xFFFF  }
0xae: {  	s31 =	simm.s32 $0xA000;
	s24 =	simm.s32 $0x0;
	s8 =	rddreg [dreg:$0xf]  }
0xaf: {  	[tilespmem:s31], [sflag:$0x9] =	stream.linear.gather [hbm4b:s8+s24], $0x50, $0x38;
	[tilespmem:$0x1F800] =	vst v63  }
0xb0: {  	s13 =	rddreg [dreg:$0x11]  }
0xb1: {  	[tilespmem:s30], [sflag:$0x9] =	stream.linear.gather [hbm4b:s13+s24], $0x50, $0x38;
	[tilespmem:$0x1F800] =	vst v63  }
0xb2: {  	s0 =	simm.s32 $0xA080;
	s15 =	rddreg [dreg:$0x12]  }
0xb3: {  	[tilespmem:s0], [sflag:$0xA] =	stream.linear.gather [hbm4b:s15+s24], $0x50, $0x38;
	[tilespmem:$0x1F800] =	vst v63  }
0xb4: {  	s20 =	rddreg [dreg:$0x13];
	s0 =	simm.s32 $0xA480  }
0xb5: {  	[tilespmem:s0], [sflag:$0xA] =	stream.linear.gather [hbm4b:s20+s24], $0x50, $0x38;
	[tilespmem:$0x1F800] =	vst v63  }
0xb6: {  	s21 =	rddreg [dreg:$0x14];
	s20 =	simm.s32 $0xA100  }
0xb7: {  	[tilespmem:s20], [sflag:$0xB] =	stream.linear.gather [hbm4b:s21+s24], $0x50, $0x38;
	[tilespmem:$0x1F800] =	vst v63  }
0xb8: {  	s25 =	rddreg [dreg:$0x15];
	s13 =	simm.s32 $0xA500  }
0xb9: {  	[tilespmem:s13], [sflag:$0xB] =	stream.linear.gather [hbm4b:s25+s24], $0x50, $0x38;
	[tilespmem:$0x1F800] =	vst v63  }
0xba: {  	s2 =	simm.s32 $0xA180;
	s26 =	rddreg [dreg:$0x16]  }
0xbb: {  	[tilespmem:s2], [sflag:$0xC] =	stream.linear.gather [hbm4b:s26+s24], $0x50, $0x38;
	[tilespmem:$0x1F800] =	vst v63  }
0xbc: {  	s28 =	rddreg [dreg:$0x17];
	s15 =	simm.s32 $0xA580  }
0xbd: {  	[tilespmem:s15], [sflag:$0xC] =	stream.linear.gather [hbm4b:s28+s24], $0x50, $0x38;
	[tilespmem:$0x1F800] =	vst v63  }
0xbe: {  	s29 =	rddreg [dreg:$0x18];
	s8 =	simm.s32 $0xA200  }
0xbf: {  	[tilespmem:s8], [sflag:$0xD] =	stream.linear.gather [hbm4b:s29+s24], $0x50, $0x38;
	[tilespmem:$0x1F800] =	vst v63  }
0xc0: {  	s21 =	rddreg [dreg:$0x19];
	s25 =	simm.s32 $0xA600  }
0xc1: {  	[tilespmem:s25], [sflag:$0xD] =	stream.linear.gather [hbm4b:s21+s24], $0x50, $0x38;
	[tilespmem:$0x1F800] =	vst v63  }
0xc2: {  	s26 =	rddreg [dreg:$0x1a];
	s25 =	simm.s32 $0xA280  }
0xc3: {  	[tilespmem:s25], [sflag:$0xE] =	stream.linear.gather [hbm4b:s26+s24], $0x50, $0x38;
	[tilespmem:$0x1F800] =	vst v63  }
0xc4: {  	s28 =	rddreg [dreg:$0x1b];
	s29 =	simm.s32 $0xA680  }
0xc5: {  	[tilespmem:s29], [sflag:$0xE] =	stream.linear.gather [hbm4b:s28+s24], $0x50, $0x38;
	[tilespmem:$0x1F800] =	vst v63  }
0xc6: {  	s8 =	rddreg [dreg:$0x1c];
	s21 =	simm.s32 $0xA300  }
0xc7: {  	[tilespmem:s21], [sflag:$0xF] =	stream.linear.gather [hbm4b:s8+s24], $0x50, $0x38;
	[tilespmem:$0x1F800] =	vst v63  }
0xc8: {  	s26 =	rddreg [dreg:$0x1d];
	s28 =	simm.s32 $0xA700  }
0xc9: {  	[tilespmem:s28], [sflag:$0xF] =	stream.linear.gather [hbm4b:s26+s24], $0x50, $0x38;
	[tilespmem:$0x1F800] =	vst v63  }
0xca: {  	_ =	swait.ge [sflag:s10], $0x50  }
0xcb: {  	[sflag:s10] =	ssyncset.done $0x0  }
0xcc: {  	[sflag:s10] =	ssyncadd.s32 $0xFFFFFFB0  }
0xcd: {  	_ =	swait.ge [sflag:s10], $0x50  }
0xce: {  	[sflag:s10] =	ssyncset.done $0x0  }
0xcf: {  	[sflag:s10] =	ssyncadd.s32 $0xFFFFFFB0  }
0xd0: {  	[tilespmem:s24], [sflag:$0x1] =	stream.indirect.gather [hbm4b:s5+s11], $0x80, s31, s11, $0xb8;
	[tilespmem:$0x1F800] =	vst v63  }
0xd1: {  	_ =	swait.ge [sflag:s12], $0x50  }
0xd2: {  	[sflag:s12] =	ssyncset.done $0x0  }
0xd3: {  	[sflag:s12] =	ssyncadd.s32 $0xFFFFFFB0  }
0xd4: {  	_ =	swait.ge [sflag:s12], $0x50  }
0xd5: {  	[sflag:s12] =	ssyncset.done $0x0  }
0xd6: {  	s22 =	simm.s32 $0xA080;
	s21 =	simm.s32 $0x2800;
	[sflag:s12] =	ssyncadd.s32 $0xFFFFFFB0  }
0xd7: {  	[tilespmem:s21], [sflag:$0x2] =	stream.indirect.gather [hbm4b:s5+s11], $0x80, s22, s11, $0xb8;
	[tilespmem:$0x1F800] =	vst v63  }
0xd8: {  	_ =	swait.ge [sflag:s14], $0x50  }
0xd9: {  	[sflag:s14] =	ssyncset.done $0x0  }
0xda: {  	[sflag:s14] =	ssyncadd.s32 $0xFFFFFFB0  }
0xdb: {  	_ =	swait.ge [sflag:s14], $0x50  }
0xdc: {  	[sflag:s14] =	ssyncset.done $0x0  }
0xdd: {  	s8 =	simm.s32 $0x5000;
	[sflag:s14] =	ssyncadd.s32 $0xFFFFFFB0  }
0xde: {  	[tilespmem:s8], [sflag:$0x3] =	stream.indirect.gather [hbm4b:s5+s11], $0x80, s20, s11, $0xb8;
	[tilespmem:$0x1F800] =	vst v63  }
0xdf: {  	_ =	swait.ge [sflag:s6], $0x2800  }
0xe0: {  	p0 =	por $0x1, $0x1;
	[sflag:s6] =	ssyncset.done $0x0  }
0xe1: {  	s17 =	simm.s32 @p0 $0x0;
	[sflag:s6] =	ssyncadd.s32 $0xFFFFD800  }
0xe2: {  	[spmem:s3] =	stream.indirect.scatter.add.f32 [tilespmem:s4], [sflag:$0x5], $0x80, s30, s11, $0xb8;
	[tilespmem:$0x1F800] =	vst v63  }
0xe3: {  	s29 =	simm.s32 @p0 $0xA380;
	s26 =	simm.s32 @!p0 $0x8;
	s28 =	rddreg [dreg:$0x4]  }
0xe4: {  	[tilespmem:s29], [sflag:$0x10] =	stream.linear.gather @p0 [hbm4b:s28+s17], $0x50, $0x38;
	[tilespmem:$0x1F800] =	vst v63  }
0xe5: {  	_ =	swait.ge @!p0 [sflag:s26], $0x2800  }
0xe6: {  	s17 =	sld [smem:$0x7EC]  }
0xe7: {  	s22 =	simm.s32 @!p0 $0xA380;
	[sflag:s26] =	ssyncset.done @!p0 $0x0  }
0xe8: {  	s28 =	simm.s32 @!p0 $0x0;
	s29 =	rddreg [dreg:$0xd];
	[sflag:s26] =	ssyncadd.s32 @!p0 $0xFFFFD800  }
0xe9: {  	[tilespmem:s22], [sflag:$0x10] =	stream.linear.gather @!p0 [hbm4b:s17+s28], $0x50, $0x38;
	[tilespmem:$0x1F800] =	vst v63  }
0xea: {  	s26 =	rddreg [dreg:$0x5];
	s28 =	sadd.s32 @!p0 $0x0, s29  }
0xeb: {  	s28 =	smov.u32 @p0 s26  }
0xec: {  	s26 =	sshrl.u32 s28, $0x3  }
0xed: {  	s29 =	simm.s32 $0xA780;
	s26 =	sadd.s32 s23, s26  }
0xee: {  	[tilespmem:s29], [sflag:$0x10] =	stream.linear.gather [hbm4b:s26+s4], $0x50, $0x38;
	[tilespmem:$0x1F800] =	vst v63  }
0xef: {  	_ =	swait.ge [sflag:s7], $0x50  }
0xf0: {  	[sflag:s7] =	ssyncset.done $0x0  }
0xf1: {  	[sflag:s7] =	ssyncadd.s32 $0xFFFFFFB0  }
0xf2: {  	_ =	swait.ge [sflag:s7], $0x50  }
0xf3: {  	[sflag:s7] =	ssyncset.done $0x0  }
0xf4: {  	[sflag:s7] =	ssyncadd.s32 $0xFFFFFFB0;
	s7 =	simm.s32 $0x7800  }
0xf5: {  	[tilespmem:s7], [sflag:$0x4] =	stream.indirect.gather [hbm4b:s5+s11], $0x80, s2, s11, $0xb8;
	[tilespmem:$0x1F800] =	vst v63  }
0xf6: {  	_ =	swait.ge [sflag:s16], $0x2800  }
0xf7: {  	[sflag:s16] =	ssyncset.done $0x0  }
0xf8: {  	[sflag:s16] =	ssyncadd.s32 $0xFFFFD800  }
0xf9: {  	[spmem:s3] =	stream.indirect.scatter.add.f32 [tilespmem:s21], [sflag:$0x6], $0x80, s0, s11, $0xb8;
	[tilespmem:$0x1F800] =	vst v63  }
0xfa: {  	_ =	swait.ge [sflag:s18], $0x2800  }
0xfb: {  	s24 =	simm.s32 @p0 $0x0;
	s22 =	rddreg [dreg:$0x6]  }
0xfc: {  	s26 =	sadd.s32 s24, s22  }
0xfd: {  	[sflag:s18] =	ssyncset.done $0x0;
	s26 =	sshrl.u32 s26, $0x3  }
0xfe: {  	[sflag:s18] =	ssyncadd.s32 $0xFFFFD800;
	s26 =	sadd.s32 s23, s26  }
0xff: {  	[tilespmem:s31], [sflag:$0x9] =	stream.linear.gather [hbm4b:s26+s4], $0x50, $0x38;
	[tilespmem:$0x1F800] =	vst v63  }
0x100: {  	s28 =	simm.s32 $0xD;
	s26 =	sadd.s32 $0x9C40, s26  }
0x101: {  	[tilespmem:s30], [sflag:$0x9] =	stream.linear.gather [hbm4b:s26+s4], $0x50, $0x38;
	[tilespmem:$0x1F800] =	vst v63  }
0x102: {  	_ =	swait.ge [sflag:s28], $0x50  }
0x103: {  	[sflag:s28] =	ssyncset.done $0x0  }
0x104: {  	[sflag:s28] =	ssyncadd.s32 $0xFFFFFFB0  }
0x105: {  	_ =	swait.ge [sflag:s28], $0x50  }
0x106: {  	[sflag:s28] =	ssyncset.done $0x0  }
0x107: {  	s29 =	simm.s32 $0xA200;
	[sflag:s28] =	ssyncadd.s32 $0xFFFFFFB0;
	s28 =	simm.s32 $0x3  }
0x108: {  	[tilespmem:s4], [sflag:$0x1] =	stream.indirect.gather [hbm4b:s5+s11], $0x80, s29, s11, $0xb8;
	[tilespmem:$0x1F800] =	vst v63  }
0x109: {  	_ =	swait.ge [sflag:s28], $0x2800  }
0x10a: {  	[sflag:s28] =	ssyncset.done $0x0  }
0x10b: {  	s29 =	simm.s32 $0x6;
	[sflag:s28] =	ssyncadd.s32 $0xFFFFD800  }
0x10c: {  	[spmem:s3] =	stream.indirect.scatter.add.f32 [tilespmem:s8], [sflag:$0x7], $0x80, s13, s11, $0xb8;
	[tilespmem:$0x1F800] =	vst v63  }
0x10d: {  	_ =	swait.ge [sflag:s29], $0x2800  }
0x10e: {  	s22 =	rddreg [dreg:$0x7]  }
0x10f: {  	s26 =	sadd.s32 s24, s22  }
0x110: {  	[sflag:s29] =	ssyncset.done $0x0;
	s26 =	sshrl.u32 s26, $0x3  }
0x111: {  	[sflag:s29] =	ssyncadd.s32 $0xFFFFD800;
	s22 =	simm.s32 $0xA080;
	s26 =	sadd.s32 s23, s26  }
0x112: {  	[tilespmem:s22], [sflag:$0xA] =	stream.linear.gather [hbm4b:s26+s4], $0x50, $0x38;
	[tilespmem:$0x1F800] =	vst v63  }
0x113: {  	s26 =	sadd.s32 $0x9C40, s26  }
0x114: {  	[tilespmem:s0], [sflag:$0xA] =	stream.linear.gather [hbm4b:s26+s4], $0x50, $0x38;
	[tilespmem:$0x1F800] =	vst v63  }
0x115: {  	_ =	swait.ge [sflag:s9], $0x50  }
0x116: {  	[sflag:s9] =	ssyncset.done $0x0  }
0x117: {  	[sflag:s9] =	ssyncadd.s32 $0xFFFFFFB0  }
0x118: {  	_ =	swait.ge [sflag:s9], $0x50  }
0x119: {  	[sflag:s9] =	ssyncset.done $0x0  }
0x11a: {  	s0 =	simm.s32 $0x4;
	[sflag:s9] =	ssyncadd.s32 $0xFFFFFFB0  }
0x11b: {  	[tilespmem:s21], [sflag:$0x2] =	stream.indirect.gather [hbm4b:s5+s11], $0x80, s25, s11, $0xb8;
	[tilespmem:$0x1F800] =	vst v63  }
0x11c: {  	_ =	swait.ge [sflag:s0], $0x2800  }
0x11d: {  	[sflag:s0] =	ssyncset.done $0x0  }
0x11e: {  	s9 =	simm.s32 $0x7;
	[sflag:s0] =	ssyncadd.s32 $0xFFFFD800  }
0x11f: {  	[spmem:s3] =	stream.indirect.scatter.add.f32 [tilespmem:s7], [sflag:$0x8], $0x80, s15, s11, $0xb8;
	[tilespmem:$0x1F800] =	vst v63  }
0x120: {  	_ =	swait.ge [sflag:s9], $0x2800  }
0x121: {  	s25 =	rddreg [dreg:$0x8]  }
0x122: {  	s26 =	sadd.s32 s24, s25  }
0x123: {  	[sflag:s9] =	ssyncset.done $0x0;
	s26 =	sshrl.u32 s26, $0x3  }
0x124: {  	[sflag:s9] =	ssyncadd.s32 $0xFFFFD800;
	s26 =	sadd.s32 s23, s26  }
0x125: {  	[tilespmem:s20], [sflag:$0xB] =	stream.linear.gather [hbm4b:s26+s4], $0x50, $0x38;
	[tilespmem:$0x1F800] =	vst v63  }
0x126: {  	s26 =	sadd.s32 $0x9C40, s26  }
0x127: {  	[tilespmem:s13], [sflag:$0xB] =	stream.linear.gather [hbm4b:s26+s4], $0x50, $0x38;
	[tilespmem:$0x1F800] =	vst v63  }
0x128: {  	_ =	swait.ge [sflag:s19], $0x50  }
0x129: {  	[sflag:s19] =	ssyncset.done $0x0  }
0x12a: {  	[sflag:s19] =	ssyncadd.s32 $0xFFFFFFB0  }
0x12b: {  	_ =	swait.ge [sflag:s19], $0x50  }
0x12c: {  	[sflag:s19] =	ssyncset.done $0x0  }
0x12d: {  	[sflag:s19] =	ssyncadd.s32 $0xFFFFFFB0;
	s19 =	simm.s32 $0xA300  }
0x12e: {  	[tilespmem:s8], [sflag:$0x3] =	stream.indirect.gather [hbm4b:s5+s11], $0x80, s19, s11, $0xb8;
	[tilespmem:$0x1F800] =	vst v63  }
0x12f: {  	_ =	swait.ge [sflag:s6], $0x2800  }
0x130: {  	[sflag:s6] =	ssyncset.done $0x0  }
0x131: {  	s20 =	simm.s32 $0x8;
	s13 =	simm.s32 $0xA600;
	[sflag:s6] =	ssyncadd.s32 $0xFFFFD800  }
0x132: {  	[spmem:s3] =	stream.indirect.scatter.add.f32 [tilespmem:s4], [sflag:$0x5], $0x80, s13, s11, $0xb8;
	[tilespmem:$0x1F800] =	vst v63  }
0x133: {  	_ =	swait.ge [sflag:s20], $0x2800  }
0x134: {  	s25 =	rddreg [dreg:$0x9]  }
0x135: {  	s26 =	sadd.s32 s24, s25  }
0x136: {  	[sflag:s20] =	ssyncset.done $0x0;
	s26 =	sshrl.u32 s26, $0x3  }
0x137: {  	[sflag:s20] =	ssyncadd.s32 $0xFFFFD800;
	s26 =	sadd.s32 s23, s26  }
0x138: {  	[tilespmem:s2], [sflag:$0xC] =	stream.linear.gather [hbm4b:s26+s4], $0x50, $0x38;
	[tilespmem:$0x1F800] =	vst v63  }
0x139: {  	s26 =	sadd.s32 $0x9C40, s26  }
0x13a: {  	[tilespmem:s15], [sflag:$0xC] =	stream.linear.gather [hbm4b:s26+s4], $0x50, $0x38;
	[tilespmem:$0x1F800] =	vst v63  }
0x13b: {  	_ =	swait.ge [sflag:s1], $0x50  }
0x13c: {  	[sflag:s1] =	ssyncset.done $0x0  }
0x13d: {  	[sflag:s1] =	ssyncadd.s32 $0xFFFFFFB0  }
0x13e: {  	_ =	swait.ge [sflag:s1], $0x50  }
0x13f: {  	[sflag:s1] =	ssyncset.done $0x0  }
0x140: {  	s15 =	rddreg [dreg:$0xe];
	[sflag:s1] =	ssyncadd.s32 $0xFFFFFFB0  }
0x141: {  	[tilespmem:s7], [sflag:$0x4] =	stream.indirect.gather [hbm4b:s5+s11], $0x80, s15, s11, $0xb8;
	[tilespmem:$0x1F800] =	vst v63  }
0x142: {  	_ =	swait.ge [sflag:s16], $0x2800  }
0x143: {  	[sflag:s16] =	ssyncset.done $0x0  }
0x144: {  	s19 =	simm.s32 $0xA680;
	[sflag:s16] =	ssyncadd.s32 $0xFFFFD800  }
0x145: {  	[spmem:s3] =	stream.indirect.scatter.add.f32 [tilespmem:s21], [sflag:$0x6], $0x80, s19, s11, $0xb8;
	[tilespmem:$0x1F800] =	vst v63  }
0x146: {  	_ =	swait.ge [sflag:s18], $0x2800  }
0x147: {  	s20 =	rddreg [dreg:$0xa]  }
0x148: {  	s26 =	sadd.s32 s24, s20  }
0x149: {  	[sflag:s18] =	ssyncset.done $0x0;
	s26 =	sshrl.u32 s26, $0x3  }
0x14a: {  	s25 =	simm.s32 $0xA200;
	[sflag:s18] =	ssyncadd.s32 $0xFFFFD800;
	s26 =	sadd.s32 s23, s26  }
0x14b: {  	[tilespmem:s25], [sflag:$0xD] =	stream.linear.gather [hbm4b:s26+s4], $0x50, $0x38;
	[tilespmem:$0x1F800] =	vst v63  }
0x14c: {  	s26 =	sadd.s32 $0x9C40, s26  }
0x14d: {  	[tilespmem:s13], [sflag:$0xD] =	stream.linear.gather [hbm4b:s26+s4], $0x50, $0x38;
	[tilespmem:$0x1F800] =	vst v63  }
0x14e: {  	_ =	swait.ge [sflag:s10], $0x50  }
0x14f: {  	[sflag:s10] =	ssyncset.done $0x0  }
0x150: {  	[sflag:s10] =	ssyncadd.s32 $0xFFFFFFB0  }
0x151: {  	_ =	swait.ge [sflag:s10], $0x50  }
0x152: {  	[sflag:s10] =	ssyncset.done $0x0  }
0x153: {  	[sflag:s10] =	ssyncadd.s32 $0xFFFFFFB0  }
0x154: {  	[tilespmem:s4], [sflag:$0x1] =	stream.indirect.gather [hbm4b:s5+s11], $0x80, s31, s11, $0xb8;
	[tilespmem:$0x1F800] =	vst v63  }
0x155: {  	_ =	swait.ge [sflag:s28], $0x2800  }
0x156: {  	[sflag:s28] =	ssyncset.done $0x0  }
0x157: {  	[sflag:s28] =	ssyncadd.s32 $0xFFFFD800;
	s28 =	simm.s32 $0xA700  }
0x158: {  	[spmem:s3] =	stream.indirect.scatter.add.f32 [tilespmem:s8], [sflag:$0x7], $0x80, s28, s11, $0xb8;
	[tilespmem:$0x1F800] =	vst v63  }
0x159: {  	_ =	swait.ge [sflag:s29], $0x2800  }
0x15a: {  	p0 =	por $0x0, $0x0;
	s26 =	rddreg [dreg:$0xb]  }
0x15b: {  	s26 =	sadd.s32 @!p0 s24, s26  }
0x15c: {  	s28 =	simm.s32 @!p0 $0xA280;
	[sflag:s29] =	ssyncset.done $0x0;
	s26 =	sshrl.u32 @!p0 s26, $0x3  }
0x15d: {  	[sflag:s29] =	ssyncadd.s32 $0xFFFFD800;
	s29 =	simm.s32 @!p0 $0x0;
	s26 =	sadd.s32 @!p0 s23, s26  }
0x15e: {  	[tilespmem:s28], [sflag:$0xE] =	stream.linear.gather @!p0 [hbm4b:s26+s29], $0x50, $0x38;
	[tilespmem:$0x1F800] =	vst v63  }
0x15f: {  	s26 =	sadd.s32 @!p0 $0x9C40, s26;
	s28 =	simm.s32 @!p0 $0xA680  }
0x160: {  	[tilespmem:s28], [sflag:$0xE] =	stream.linear.gather @!p0 [hbm4b:s26+s29], $0x50, $0x38;
	[tilespmem:$0x1F800] =	vst v63  }
0x161: {  	_ =	swait.ge [sflag:s12], $0x50  }
0x162: {  	[sflag:s12] =	ssyncset.done $0x0  }
0x163: {  	[sflag:s12] =	ssyncadd.s32 $0xFFFFFFB0  }
0x164: {  	_ =	swait.ge [sflag:s12], $0x50  }
0x165: {  	[sflag:s12] =	ssyncset.done $0x0  }
0x166: {  	[sflag:s12] =	ssyncadd.s32 $0xFFFFFFB0  }
0x167: {  	[tilespmem:s21], [sflag:$0x2] =	stream.indirect.gather [hbm4b:s5+s11], $0x80, s22, s11, $0xb8;
	[tilespmem:$0x1F800] =	vst v63  }
0x168: {  	_ =	swait.ge [sflag:s0], $0x2800  }
0x169: {  	[sflag:s0] =	ssyncset.done $0x0  }
0x16a: {  	s31 =	simm.s32 $0xA780;
	[sflag:s0] =	ssyncadd.s32 $0xFFFFD800  }
0x16b: {  	[spmem:s3] =	stream.indirect.scatter.add.f32 [tilespmem:s7], [sflag:$0x8], $0x80, s31, s11, $0xb8;
	[tilespmem:$0x1F800] =	vst v63  }
0x16c: {  	_ =	swait.ge [sflag:s9], $0x2800  }
0x16d: {  	s26 =	rddreg [dreg:$0xc]  }
0x16e: {  	s24 =	sadd.s32 @!p0 s24, s26  }
0x16f: {  	[sflag:s9] =	ssyncset.done $0x0;
	s24 =	sshrl.u32 @!p0 s24, $0x3  }
0x170: {  	[sflag:s9] =	ssyncadd.s32 $0xFFFFD800;
	s26 =	simm.s32 @!p0 $0xA300;
	s24 =	sadd.s32 @!p0 s23, s24  }
0x171: {  	[tilespmem:s26], [sflag:$0xF] =	stream.linear.gather @!p0 [hbm4b:s24+s29], $0x50, $0x38;
	[tilespmem:$0x1F800] =	vst v63  }
0x172: {  	s24 =	sadd.s32 @!p0 $0x9C40, s24;
	s26 =	simm.s32 @!p0 $0xA700  }
0x173: {  	[tilespmem:s26], [sflag:$0xF] =	stream.linear.gather @!p0 [hbm4b:s24+s29], $0x50, $0x38;
	[tilespmem:$0x1F800] =	vst v63  }
0x174: {  	s1 =	simm.s32 $0x10;
	_ =	swait.ge [sflag:s14], $0x50  }
0x175: {  	s0 =	simm.s32 $0xF;
	s9 =	simm.s32 $0xE;
	[sflag:s14] =	ssyncset.done $0x0  }
0x176: {  	s24 =	simm.s32 $0x280;
	s26 =	smov.u32 s17;
	[sflag:s14] =	ssyncadd.s32 $0xFFFFFFB0  }
.LBB2_4:
0x177: {  	s14 =	simm.s32 $0xB  }
0x178: {  	_ =	swait.ge [sflag:s14], $0x50  }
0x179: {  	s20 =	simm.s32 $0x5000;
	[sflag:s14] =	ssyncset.done $0x0  }
0x17a: {  	s8 =	simm.s32 $0xA100;
	s7 =	simm.s32 $0x1;
	[sflag:s14] =	ssyncadd.s32 $0xFFFFFFB0  }
0x17b: {  	[tilespmem:s20], [sflag:$0x3] =	stream.indirect.gather [hbm4b:s5+s11], $0x80, s8, s11, $0xb8;
	[tilespmem:$0x1F800] =	vst v63  }
0x17c: {  	s29 =	smov.u32 s24;
	_ =	swait.ge [sflag:s7], $0x2800  }
0x17d: {  	p1 =	seq.s32 s29, $0x0;
	[sflag:s7] =	ssyncset.done $0x0  }
0x17e: {  	s31 =	simm.s32 @p1 $0xA380;
	[sflag:s7] =	ssyncadd.s32 $0xFFFFD800  }
0x17f: {  	[spmem:s3] =	stream.indirect.scatter.add.f32 [tilespmem:s4], [sflag:$0x5], $0x80, s30, s11, $0xb8;
	[tilespmem:$0x1F800] =	vst v63  }
0x180: {  	s17 =	simm.s32 @!p1 $0x8;
	s28 =	rddreg [dreg:$0x4];
	s30 =	simm.s32 @p1 $0x0  }
0x181: {  	[tilespmem:s31], [sflag:$0x10] =	stream.linear.gather @p1 [hbm4b:s28+s30], $0x50, $0x38;
	[tilespmem:$0x1F800] =	vst v63  }
0x182: {  	_ =	swait.ge @!p1 [sflag:s17], $0x2800  }
0x183: {  	s26 =	sadd.s32 $0x50, s26;
	s28 =	simm.s32 @!p1 $0xA380;
	[sflag:s17] =	ssyncset.done @!p1 $0x0  }
0x184: {  	s30 =	rddreg [dreg:$0xd];
	[sflag:s17] =	ssyncadd.s32 @!p1 $0xFFFFD800;
	s17 =	simm.s32 @!p1 $0x0  }
0x185: {  	[tilespmem:s28], [sflag:$0x10] =	stream.linear.gather @!p1 [hbm4b:s26+s17], $0x50, $0x38;
	[tilespmem:$0x1F800] =	vst v63  }
0x186: {  	s31 =	rddreg [dreg:$0x5];
	s17 =	sadd.s32 @!p1 s29, s30  }
0x187: {  	s17 =	smov.u32 @p1 s31  }
0x188: {  	s17 =	sshrl.u32 s17, $0x3  }
0x189: {  	s2 =	simm.s32 $0xA780;
	s19 =	simm.s32 $0xC;
	s17 =	sadd.s32 s23, s17  }
0x18a: {  	[tilespmem:s2], [sflag:$0x10] =	stream.linear.gather [hbm4b:s17+s4], $0x50, $0x38;
	[tilespmem:$0x1F800] =	vst v63  }
0x18b: {  	_ =	swait.ge [sflag:s19], $0x50  }
0x18c: {  	[sflag:s19] =	ssyncset.done $0x0  }
0x18d: {  	[sflag:s19] =	ssyncadd.s32 $0xFFFFFFB0  }
0x18e: {  	_ =	swait.ge [sflag:s19], $0x50  }
0x18f: {  	s16 =	simm.s32 $0x2;
	[sflag:s19] =	ssyncset.done $0x0  }
0x190: {  	s2 =	simm.s32 $0xA180;
	[sflag:s19] =	ssyncadd.s32 $0xFFFFFFB0;
	s19 =	simm.s32 $0x7800  }
0x191: {  	[tilespmem:s19], [sflag:$0x4] =	stream.indirect.gather [hbm4b:s5+s11], $0x80, s2, s11, $0xb8;
	[tilespmem:$0x1F800] =	vst v63  }
0x192: {  	_ =	swait.ge [sflag:s16], $0x2800  }
0x193: {  	s12 =	simm.s32 $0xA480;
	[sflag:s16] =	ssyncset.done $0x0  }
0x194: {  	s13 =	simm.s32 $0x2800;
	s18 =	simm.s32 $0x5;
	[sflag:s16] =	ssyncadd.s32 $0xFFFFD800  }
0x195: {  	[spmem:s3] =	stream.indirect.scatter.add.f32 [tilespmem:s13], [sflag:$0x6], $0x80, s12, s11, $0xb8;
	[tilespmem:$0x1F800] =	vst v63  }
0x196: {  	s28 =	smov.u32 s29;
	_ =	swait.ge [sflag:s18], $0x2800  }
0x197: {  	s28 =	simm.s32 @p1 $0x0;
	s21 =	rddreg [dreg:$0x6]  }
0x198: {  	s17 =	sadd.s32 s28, s21  }
0x199: {  	[sflag:s18] =	ssyncset.done $0x0;
	s17 =	sshrl.u32 s17, $0x3  }
0x19a: {  	s6 =	simm.s32 $0xA000;
	[sflag:s18] =	ssyncadd.s32 $0xFFFFD800;
	s17 =	sadd.s32 s23, s17  }
0x19b: {  	[tilespmem:s6], [sflag:$0x9] =	stream.linear.gather [hbm4b:s17+s4], $0x50, $0x38;
	[tilespmem:$0x1F800] =	vst v63  }
0x19c: {  	s22 =	simm.s32 $0xA400;
	s10 =	simm.s32 $0xD;
	s17 =	sadd.s32 $0x9C40, s17  }
0x19d: {  	[tilespmem:s22], [sflag:$0x9] =	stream.linear.gather [hbm4b:s17+s4], $0x50, $0x38;
	[tilespmem:$0x1F800] =	vst v63  }
0x19e: {  	_ =	swait.ge [sflag:s10], $0x50  }
0x19f: {  	[sflag:s10] =	ssyncset.done $0x0  }
0x1a0: {  	[sflag:s10] =	ssyncadd.s32 $0xFFFFFFB0  }
0x1a1: {  	_ =	swait.ge [sflag:s10], $0x50  }
0x1a2: {  	[sflag:s10] =	ssyncset.done $0x0  }
0x1a3: {  	s31 =	simm.s32 $0x3;
	[sflag:s10] =	ssyncadd.s32 $0xFFFFFFB0;
	s10 =	simm.s32 $0xA200  }
0x1a4: {  	[tilespmem:s4], [sflag:$0x1] =	stream.indirect.gather [hbm4b:s5+s11], $0x80, s10, s11, $0xb8;
	[tilespmem:$0x1F800] =	vst v63  }
0x1a5: {  	_ =	swait.ge [sflag:s31], $0x2800  }
0x1a6: {  	[sflag:s31] =	ssyncset.done $0x0  }
0x1a7: {  	s15 =	simm.s32 $0xA500;
	s21 =	simm.s32 $0x6;
	[sflag:s31] =	ssyncadd.s32 $0xFFFFD800  }
0x1a8: {  	[spmem:s3] =	stream.indirect.scatter.add.f32 [tilespmem:s20], [sflag:$0x7], $0x80, s15, s11, $0xb8;
	[tilespmem:$0x1F800] =	vst v63  }
0x1a9: {  	_ =	swait.ge [sflag:s21], $0x2800  }
0x1aa: {  	s25 =	rddreg [dreg:$0x7]  }
0x1ab: {  	s17 =	sadd.s32 s28, s25  }
0x1ac: {  	[sflag:s21] =	ssyncset.done $0x0;
	s17 =	sshrl.u32 s17, $0x3  }
0x1ad: {  	s22 =	simm.s32 $0xA080;
	[sflag:s21] =	ssyncadd.s32 $0xFFFFD800;
	s17 =	sadd.s32 s23, s17  }
0x1ae: {  	[tilespmem:s22], [sflag:$0xA] =	stream.linear.gather [hbm4b:s17+s4], $0x50, $0x38;
	[tilespmem:$0x1F800] =	vst v63  }
0x1af: {  	s17 =	sadd.s32 $0x9C40, s17  }
0x1b0: {  	[tilespmem:s12], [sflag:$0xA] =	stream.linear.gather [hbm4b:s17+s4], $0x50, $0x38;
	[tilespmem:$0x1F800] =	vst v63  }
0x1b1: {  	_ =	swait.ge [sflag:s9], $0x50  }
0x1b2: {  	[sflag:s9] =	ssyncset.done $0x0  }
0x1b3: {  	[sflag:s9] =	ssyncadd.s32 $0xFFFFFFB0  }
0x1b4: {  	_ =	swait.ge [sflag:s9], $0x50  }
0x1b5: {  	[sflag:s9] =	ssyncset.done $0x0  }
0x1b6: {  	s6 =	simm.s32 $0xA280;
	[sflag:s9] =	ssyncadd.s32 $0xFFFFFFB0  }
0x1b7: {  	[tilespmem:s13], [sflag:$0x2] =	stream.indirect.gather [hbm4b:s5+s11], $0x80, s6, s11, $0xb8;
	[tilespmem:$0x1F800] =	vst v63  }
0x1b8: {  	s6 =	simm.s32 $0x4  }
0x1b9: {  	_ =	swait.ge [sflag:s6], $0x2800  }
0x1ba: {  	[sflag:s6] =	ssyncset.done $0x0  }
0x1bb: {  	s25 =	simm.s32 $0xA580;
	s22 =	simm.s32 $0x7;
	[sflag:s6] =	ssyncadd.s32 $0xFFFFD800  }
0x1bc: {  	[spmem:s3] =	stream.indirect.scatter.add.f32 [tilespmem:s19], [sflag:$0x8], $0x80, s25, s11, $0xb8;
	[tilespmem:$0x1F800] =	vst v63  }
0x1bd: {  	_ =	swait.ge [sflag:s22], $0x2800  }
0x1be: {  	s12 =	rddreg [dreg:$0x8]  }
0x1bf: {  	s17 =	sadd.s32 s28, s12  }
0x1c0: {  	[sflag:s22] =	ssyncset.done $0x0;
	s17 =	sshrl.u32 s17, $0x3  }
0x1c1: {  	[sflag:s22] =	ssyncadd.s32 $0xFFFFD800;
	s17 =	sadd.s32 s23, s17  }
0x1c2: {  	[tilespmem:s8], [sflag:$0xB] =	stream.linear.gather [hbm4b:s17+s4], $0x50, $0x38;
	[tilespmem:$0x1F800] =	vst v63  }
0x1c3: {  	s17 =	sadd.s32 $0x9C40, s17  }
0x1c4: {  	[tilespmem:s15], [sflag:$0xB] =	stream.linear.gather [hbm4b:s17+s4], $0x50, $0x38;
	[tilespmem:$0x1F800] =	vst v63  }
0x1c5: {  	_ =	swait.ge [sflag:s0], $0x50  }
0x1c6: {  	[sflag:s0] =	ssyncset.done $0x0  }
0x1c7: {  	[sflag:s0] =	ssyncadd.s32 $0xFFFFFFB0  }
0x1c8: {  	_ =	swait.ge [sflag:s0], $0x50  }
0x1c9: {  	[sflag:s0] =	ssyncset.done $0x0  }
0x1ca: {  	s17 =	simm.s32 $0xA300;
	[sflag:s0] =	ssyncadd.s32 $0xFFFFFFB0  }
0x1cb: {  	[tilespmem:s20], [sflag:$0x3] =	stream.indirect.gather [hbm4b:s5+s11], $0x80, s17, s11, $0xb8;
	[tilespmem:$0x1F800] =	vst v63  }
0x1cc: {  	_ =	swait.ge [sflag:s7], $0x2800  }
0x1cd: {  	[sflag:s7] =	ssyncset.done $0x0  }
0x1ce: {  	s30 =	simm.s32 $0xA600;
	s12 =	simm.s32 $0x8;
	[sflag:s7] =	ssyncadd.s32 $0xFFFFD800  }
0x1cf: {  	[spmem:s3] =	stream.indirect.scatter.add.f32 [tilespmem:s4], [sflag:$0x5], $0x80, s30, s11, $0xb8;
	[tilespmem:$0x1F800] =	vst v63  }
0x1d0: {  	_ =	swait.ge [sflag:s12], $0x2800  }
0x1d1: {  	s15 =	rddreg [dreg:$0x9]  }
0x1d2: {  	s17 =	sadd.s32 s28, s15  }
0x1d3: {  	[sflag:s12] =	ssyncset.done $0x0;
	s17 =	sshrl.u32 s17, $0x3  }
0x1d4: {  	[sflag:s12] =	ssyncadd.s32 $0xFFFFD800;
	s17 =	sadd.s32 s23, s17  }
0x1d5: {  	[tilespmem:s2], [sflag:$0xC] =	stream.linear.gather [hbm4b:s17+s4], $0x50, $0x38;
	[tilespmem:$0x1F800] =	vst v63  }
0x1d6: {  	s17 =	sadd.s32 $0x9C40, s17  }
0x1d7: {  	[tilespmem:s25], [sflag:$0xC] =	stream.linear.gather [hbm4b:s17+s4], $0x50, $0x38;
	[tilespmem:$0x1F800] =	vst v63  }
0x1d8: {  	_ =	swait.ge [sflag:s1], $0x50  }
0x1d9: {  	[sflag:s1] =	ssyncset.done $0x0  }
0x1da: {  	[sflag:s1] =	ssyncadd.s32 $0xFFFFFFB0  }
0x1db: {  	_ =	swait.ge [sflag:s1], $0x50  }
0x1dc: {  	[sflag:s1] =	ssyncset.done $0x0  }
0x1dd: {  	s7 =	rddreg [dreg:$0xe];
	[sflag:s1] =	ssyncadd.s32 $0xFFFFFFB0  }
0x1de: {  	[tilespmem:s19], [sflag:$0x4] =	stream.indirect.gather [hbm4b:s5+s11], $0x80, s7, s11, $0xb8;
	[tilespmem:$0x1F800] =	vst v63  }
0x1df: {  	_ =	swait.ge [sflag:s16], $0x2800  }
0x1e0: {  	[sflag:s16] =	ssyncset.done $0x0  }
0x1e1: {  	s12 =	simm.s32 $0xA680;
	[sflag:s16] =	ssyncadd.s32 $0xFFFFD800  }
0x1e2: {  	[spmem:s3] =	stream.indirect.scatter.add.f32 [tilespmem:s13], [sflag:$0x6], $0x80, s12, s11, $0xb8;
	[tilespmem:$0x1F800] =	vst v63  }
0x1e3: {  	_ =	swait.ge [sflag:s18], $0x2800  }
0x1e4: {  	s16 =	rddreg [dreg:$0xa]  }
0x1e5: {  	s17 =	sadd.s32 s28, s16  }
0x1e6: {  	[sflag:s18] =	ssyncset.done $0x0;
	s17 =	sshrl.u32 s17, $0x3  }
0x1e7: {  	[sflag:s18] =	ssyncadd.s32 $0xFFFFD800;
	s17 =	sadd.s32 s23, s17  }
0x1e8: {  	[tilespmem:s10], [sflag:$0xD] =	stream.linear.gather [hbm4b:s17+s4], $0x50, $0x38;
	[tilespmem:$0x1F800] =	vst v63  }
0x1e9: {  	s10 =	simm.s32 $0x9;
	s17 =	sadd.s32 $0x9C40, s17  }
0x1ea: {  	[tilespmem:s30], [sflag:$0xD] =	stream.linear.gather [hbm4b:s17+s4], $0x50, $0x38;
	[tilespmem:$0x1F800] =	vst v63  }
0x1eb: {  	_ =	swait.ge [sflag:s10], $0x50  }
0x1ec: {  	[sflag:s10] =	ssyncset.done $0x0  }
0x1ed: {  	[sflag:s10] =	ssyncadd.s32 $0xFFFFFFB0  }
0x1ee: {  	_ =	swait.ge [sflag:s10], $0x50  }
0x1ef: {  	[sflag:s10] =	ssyncset.done $0x0  }
0x1f0: {  	s17 =	simm.s32 $0xA000;
	[sflag:s10] =	ssyncadd.s32 $0xFFFFFFB0  }
0x1f1: {  	[tilespmem:s4], [sflag:$0x1] =	stream.indirect.gather [hbm4b:s5+s11], $0x80, s17, s11, $0xb8;
	[tilespmem:$0x1F800] =	vst v63  }
0x1f2: {  	_ =	swait.ge [sflag:s31], $0x2800  }
0x1f3: {  	[sflag:s31] =	ssyncset.done $0x0  }
0x1f4: {  	s18 =	simm.s32 $0xA700;
	[sflag:s31] =	ssyncadd.s32 $0xFFFFD800  }
0x1f5: {  	[spmem:s3] =	stream.indirect.scatter.add.f32 [tilespmem:s20], [sflag:$0x7], $0x80, s18, s11, $0xb8;
	[tilespmem:$0x1F800] =	vst v63  }
0x1f6: {  	_ =	swait.ge [sflag:s21], $0x2800  }
0x1f7: {  	p1 =	seq.s32 s29, $0x2300;
	s17 =	rddreg [dreg:$0xb]  }
0x1f8: {  	s17 =	sadd.s32 @!p1 s28, s17  }
0x1f9: {  	s29 =	simm.s32 @!p1 $0xA280;
	[sflag:s21] =	ssyncset.done $0x0;
	s17 =	sshrl.u32 @!p1 s17, $0x3  }
0x1fa: {  	s30 =	simm.s32 @!p1 $0x0;
	[sflag:s21] =	ssyncadd.s32 $0xFFFFD800;
	s17 =	sadd.s32 @!p1 s23, s17  }
0x1fb: {  	[tilespmem:s29], [sflag:$0xE] =	stream.linear.gather @!p1 [hbm4b:s17+s30], $0x50, $0x38;
	[tilespmem:$0x1F800] =	vst v63  }
0x1fc: {  	s21 =	simm.s32 $0xA;
	s17 =	sadd.s32 @!p1 $0x9C40, s17;
	s29 =	simm.s32 @!p1 $0xA680  }
0x1fd: {  	[tilespmem:s29], [sflag:$0xE] =	stream.linear.gather @!p1 [hbm4b:s17+s30], $0x50, $0x38;
	[tilespmem:$0x1F800] =	vst v63  }
0x1fe: {  	_ =	swait.ge [sflag:s21], $0x50  }
0x1ff: {  	[sflag:s21] =	ssyncset.done $0x0  }
0x200: {  	[sflag:s21] =	ssyncadd.s32 $0xFFFFFFB0  }
0x201: {  	_ =	swait.ge [sflag:s21], $0x50  }
0x202: {  	[sflag:s21] =	ssyncset.done $0x0  }
0x203: {  	s29 =	simm.s32 $0xA080;
	[sflag:s21] =	ssyncadd.s32 $0xFFFFFFB0  }
0x204: {  	[tilespmem:s13], [sflag:$0x2] =	stream.indirect.gather [hbm4b:s5+s11], $0x80, s29, s11, $0xb8;
	[tilespmem:$0x1F800] =	vst v63  }
0x205: {  	_ =	swait.ge [sflag:s6], $0x2800  }
0x206: {  	[sflag:s6] =	ssyncset.done $0x0  }
0x207: {  	s31 =	simm.s32 $0xA780;
	[sflag:s6] =	ssyncadd.s32 $0xFFFFD800  }
0x208: {  	[spmem:s3] =	stream.indirect.scatter.add.f32 [tilespmem:s19], [sflag:$0x8], $0x80, s31, s11, $0xb8;
	[tilespmem:$0x1F800] =	vst v63  }
0x209: {  	_ =	swait.ge [sflag:s22], $0x2800  }
0x20a: {  	s17 =	rddreg [dreg:$0xc]  }
0x20b: {  	s24 =	sadd.s32 $0x280, s24;
	s17 =	sadd.s32 @!p1 s28, s17  }
0x20c: {  	p0 =	sne.s32 s24, $0x2580;
	[sflag:s22] =	ssyncset.done $0x0;
	s17 =	sshrl.u32 @!p1 s17, $0x3  }
0x20d: {  	[sflag:s22] =	ssyncadd.s32 $0xFFFFD800;
	s28 =	simm.s32 @!p1 $0xA300;
	s17 =	sadd.s32 @!p1 s23, s17  }
0x20e: {  	[tilespmem:s28], [sflag:$0xF] =	stream.linear.gather @!p1 [hbm4b:s17+s30], $0x50, $0x38;
	[tilespmem:$0x1F800] =	vst v63  }
.Ltmp1:
0x20f: {  	s17 =	sadd.s32 @!p1 $0x9C40, s17;
	s28 =	simm.s32 @!p1 $0xA700;
	(pc) =	sbr.rel @p0 .LBB2_4-.Ltmp1, $4  }
0x210: {  	[tilespmem:s28], [sflag:$0xF] =	stream.linear.gather @!p1 [hbm4b:s17+s30], $0x50, $0x38;
	[tilespmem:$0x1F800] =	vst v63  }
0x211: {  	s8 =	simm.s32 $0xA180;
	s15 =	simm.s32 $0xA580;
	_ =	swait.ge [sflag:s14], $0x50  }
0x212: {  	s2 =	simm.s32 $0x2800;
	s25 =	simm.s32 $0xA600;
	[sflag:s14] =	ssyncset.done $0x0  }
0x213: {  	s12 =	simm.s32 $0xA200;
	s30 =	simm.s32 $0xA400;
	[sflag:s14] =	ssyncadd.s32 $0xFFFFFFB0  }
0x214: {  	s0 =	simm.s32 $0xB  }
0x215: {  	_ =	swait.ge [sflag:s0], $0x50  }
0x216: {  	s1 =	simm.s32 $0x5000;
	[sflag:s0] =	ssyncset.done $0x0  }
0x217: {  	s13 =	simm.s32 $0xA100;
	s9 =	simm.s32 $0x1;
	[sflag:s0] =	ssyncadd.s32 $0xFFFFFFB0  }
0x218: {  	[tilespmem:s1], [sflag:$0x3] =	stream.indirect.gather [hbm4b:s5+s11], $0x80, s13, s11, $0xb8;
	[tilespmem:$0x1F800] =	vst v63  }
0x219: {  	_ =	swait.ge [sflag:s9], $0x2800  }
0x21a: {  	[sflag:s9] =	ssyncset.done $0x0  }
0x21b: {  	s6 =	simm.s32 $0x8;
	[sflag:s9] =	ssyncadd.s32 $0xFFFFD800  }
0x21c: {  	[spmem:s3] =	stream.indirect.scatter.add.f32 [tilespmem:s4], [sflag:$0x5], $0x80, s30, s11, $0xb8;
	[tilespmem:$0x1F800] =	vst v63  }
0x21d: {  	_ =	swait.ge [sflag:s6], $0x2800  }
0x21e: {  	[sflag:s6] =	ssyncset.done $0x0  }
0x21f: {  	s14 =	simm.s32 $0xC;
	[sflag:s6] =	ssyncadd.s32 $0xFFFFD800  }
0x220: {  	_ =	swait.ge [sflag:s14], $0x50  }
0x221: {  	[sflag:s14] =	ssyncset.done $0x0  }
0x222: {  	[sflag:s14] =	ssyncadd.s32 $0xFFFFFFB0  }
0x223: {  	_ =	swait.ge [sflag:s14], $0x50  }
0x224: {  	[sflag:s14] =	ssyncset.done $0x0  }
0x225: {  	s7 =	simm.s32 $0x7800;
	s16 =	simm.s32 $0x2;
	[sflag:s14] =	ssyncadd.s32 $0xFFFFFFB0  }
0x226: {  	[tilespmem:s7], [sflag:$0x4] =	stream.indirect.gather [hbm4b:s5+s11], $0x80, s8, s11, $0xb8;
	[tilespmem:$0x1F800] =	vst v63  }
0x227: {  	_ =	swait.ge [sflag:s16], $0x2800  }
0x228: {  	[sflag:s16] =	ssyncset.done $0x0  }
0x229: {  	s17 =	simm.s32 $0xA480;
	s18 =	simm.s32 $0x5;
	[sflag:s16] =	ssyncadd.s32 $0xFFFFD800  }
0x22a: {  	[spmem:s3] =	stream.indirect.scatter.add.f32 [tilespmem:s2], [sflag:$0x6], $0x80, s17, s11, $0xb8;
	[tilespmem:$0x1F800] =	vst v63  }
0x22b: {  	_ =	swait.ge [sflag:s18], $0x2800  }
0x22c: {  	[sflag:s18] =	ssyncset.done $0x0  }
0x22d: {  	s19 =	simm.s32 $0xD;
	[sflag:s18] =	ssyncadd.s32 $0xFFFFD800  }
0x22e: {  	_ =	swait.ge [sflag:s19], $0x50  }
0x22f: {  	[sflag:s19] =	ssyncset.done $0x0  }
0x230: {  	[sflag:s19] =	ssyncadd.s32 $0xFFFFFFB0  }
0x231: {  	_ =	swait.ge [sflag:s19], $0x50  }
0x232: {  	[sflag:s19] =	ssyncset.done $0x0  }
0x233: {  	s20 =	simm.s32 $0x3;
	[sflag:s19] =	ssyncadd.s32 $0xFFFFFFB0  }
0x234: {  	[tilespmem:s4], [sflag:$0x1] =	stream.indirect.gather [hbm4b:s5+s11], $0x80, s12, s11, $0xb8;
	[tilespmem:$0x1F800] =	vst v63  }
0x235: {  	_ =	swait.ge [sflag:s20], $0x2800  }
0x236: {  	[sflag:s20] =	ssyncset.done $0x0  }
0x237: {  	s21 =	simm.s32 $0xA500;
	s22 =	simm.s32 $0x6;
	[sflag:s20] =	ssyncadd.s32 $0xFFFFD800  }
0x238: {  	[spmem:s3] =	stream.indirect.scatter.add.f32 [tilespmem:s1], [sflag:$0x7], $0x80, s21, s11, $0xb8;
	[tilespmem:$0x1F800] =	vst v63  }
0x239: {  	_ =	swait.ge [sflag:s22], $0x2800  }
0x23a: {  	[sflag:s22] =	ssyncset.done $0x0  }
0x23b: {  	s24 =	simm.s32 $0x4;
	[sflag:s22] =	ssyncadd.s32 $0xFFFFD800  }
0x23c: {  	_ =	swait.ge [sflag:s24], $0x2800  }
0x23d: {  	[sflag:s24] =	ssyncset.done $0x0  }
0x23e: {  	s26 =	simm.s32 $0x7;
	[sflag:s24] =	ssyncadd.s32 $0xFFFFD800  }
0x23f: {  	[spmem:s3] =	stream.indirect.scatter.add.f32 [tilespmem:s7], [sflag:$0x8], $0x80, s15, s11, $0xb8;
	[tilespmem:$0x1F800] =	vst v63  }
0x240: {  	_ =	swait.ge [sflag:s26], $0x2800  }
0x241: {  	[sflag:s26] =	ssyncset.done $0x0  }
0x242: {  	[sflag:s26] =	ssyncadd.s32 $0xFFFFD800  }
0x243: {  	_ =	swait.ge [sflag:s9], $0x2800  }
0x244: {  	[sflag:s9] =	ssyncset.done $0x0  }
0x245: {  	[sflag:s9] =	ssyncadd.s32 $0xFFFFD800  }
0x246: {  	[spmem:s3] =	stream.indirect.scatter.add.f32 [tilespmem:s4], [sflag:$0x5], $0x80, s25, s11, $0xb8;
	[tilespmem:$0x1F800] =	vst v63  }
0x247: {  	_ =	swait.ge [sflag:s6], $0x2800  }
0x248: {  	[sflag:s6] =	ssyncset.done $0x0  }
0x249: {  	[sflag:s6] =	ssyncadd.s32 $0xFFFFD800  }
0x24a: {  	_ =	swait.ge [sflag:s18], $0x2800  }
0x24b: {  	[sflag:s18] =	ssyncset.done $0x0  }
0x24c: {  	[sflag:s18] =	ssyncadd.s32 $0xFFFFD800  }
0x24d: {  	s17 =	stileid.u32;
	[bflag:$0x0] =	sbarrier.arrive $0xFFFF  }
0x24e: {  	s29 =	simm.s32 $0x11;
	s17 =	sshll.u32 s17, $0x6;
	s28 =	rddreg [dreg:$0x10]  }
0x24f: {  	s17 =	sor.u32 $0x1C11, s17;
	s26 =	rddreg [dreg:$0x1e];
	s24 =	sshrl.u32 s28, $0x3  }
0x250: {  	[hbm:s26], [sflag:s17] =	dma.local [spmem:s24], $0x2800  }
0x251: {  	_ =	swait.ge [sflag:s29], $0x2800  }
0x252: {  	s13 =	sld [smem:$0x7E9];
	_ =	sdelay $0x2  }
0x253: {  	s31 =	rddreg [dreg:$0x1f];
	s13 =	sadd.s32 $0x1, s13  }
0x254: {  	p0 =	sne.s32 s13, s31  }
.Ltmp2:
0x255: {  	_ = 	snop;
	(pc) =	sbr.rel @p0 .LBB2_1-.Ltmp2, $4  }
0x256: {  	s14 =	simm.s32 $0xB;
	s16 =	simm.s32 $0x2  }
0x257: {  	s19 =	simm.s32 $0xF;
	s12 =	simm.s32 $0xA;
	s1 =	simm.s32 $0x10  }
0x258: {  	s7 =	simm.s32 $0xC;
	s9 =	simm.s32 $0xE;
	[sflag:s29] =	ssyncset.done $0x0  }
0x259: {  	s6 =	simm.s32 $0x1;
	s18 =	simm.s32 $0x5;
	[sflag:s29] =	ssyncadd.s32 $0xFFFFD800  }
0x25a: {  	_ =	sfence.sel $0x180000  }
0x25b: {  	[bflag:$0x0] =	sbarrier.arrive $0xFFFF  }
0x25c: {  	_ =	strace $0x9000004D  }
0x25d: {  	s0 =	stileid.u32;
	[bflag:$0x2] =	sbarrier.arrive $0xFFFF  }
0x25e: {  	p0 =	sne.s32 s0, $0x0;
	s0 =	rddreg [dreg:$0x3]  }
0x25f: {  	s0 =	sadd.s32 @!p0 $0x100000, s0  }
0x260: {  	[sflag:s0] =	ssyncadd.tile.s32 @!p0 $0x1;
	_ =	shalt  }
.Lfunc_end2:
_tile_overlayer_lowered:
.L_overlay_start_2:
0x261: {  	(tag) =	ssettag $0x2  }
0x262: {  	s0 =	rddreg [dreg:$0x0];
	s2 =	stileid.u32  }
0x263: {  	s1 =	rddreg [dreg:$0x1];
	p0 =	sne.s32 s2, $0x0  }
0x264: {  	s3 =	rddreg [dreg:$0x2];
	[bflag:$0x3] =	sbarrier.arrive $0xFFFF;
	s2 =	simm.s32 @!p0 $0x1C11  }
0x265: {  	[timem:s3], [sflag:s2] =	dma.local @!p0 [hbm:s0], s1  }
0x266: {  	s0 =	simm.s32 @!p0 $0x11  }
0x267: {  	_ =	swait.ge @!p0 [sflag:s0], s1  }
0x268: {  	s1 =	ssub.s32 @!p0 $0x0, s1;
	[sflag:s0] =	ssyncset.done @!p0 $0x0  }
0x269: {  	[sflag:s0] =	ssyncadd.s32 @!p0 s1  }
0x26a: {  	[bflag:$0x3] =	sbarrier.arrive $0xFFFF  }
0x26b: {  	_ =	shalt  }

// kernel: kernel.8.cloned.1.call-start
scs
__scs_entry_jumppad:
0x0: {  	(pc) =	sbr.rel $0x88, $3  }
0x1: {  	(tag) =	ssettag $0x0;
	lr =	simm.s32 $0x1  }
0x2: {  	[smem:$0x3F9D] =	sst lr;
	_ =	strace $0xD0000000  }
0x3: {  	_ = 	snop  }
0x4: {  	_ = 	snop  }
0x5: {  	_ = 	snop  }
0x6: {  	_ = 	snop  }
0x7: {  	_ = 	snop  }
__scs_overlays_trampoline_lowered:
0x8: {  	[smem:$0x3FAC] =	sst s0  }
0x9: {  	[smem:$0x3FAD] =	sst s1  }
0xa: {  	[smem:$0x3FAE] =	sst s2  }
0xb: {  	[smem:$0x3FAF] =	sst s3  }
0xc: {  	[smem:$0x3FB0] =	sst s4  }
0xd: {  	[smem:$0x3FB1] =	sst s5  }
0xe: {  	[smem:$0x3FB2] =	sst s6  }
0xf: {  	[smem:$0x3FB3] =	sst s7  }
0x10: {  	[smem:$0x3FB4] =	sst s8  }
0x11: {  	[smem:$0x3FB5] =	sst s9;
	s0 =	simm.s32 @!p0 $0x0  }
0x12: {  	s1 =	sld [smem:$0x3F9B];
	s0 =	simm.s32 @p0 $0x1  }
0x13: {  	[smem:$0x3FB6] =	sst s0;
	s0 =	simm.s32 @!p1 $0x0  }
0x14: {  	s2 =	sld [smem:$0x3F9A];
	s0 =	simm.s32 @p1 $0x1  }
0x15: {  	[smem:$0x3FB7] =	sst s0;
	s0 =	simm.s32 @!p2 $0x0  }
0x16: {  	s3 =	sld [smem:$0x3FDB];
	s0 =	simm.s32 @p2 $0x1  }
0x17: {  	s4 =	simm.s32 $0x1BF5;
	[smem:$0x3FB9] =	sst s0  }
0x18: {  	s0 =	sld [smem:$0x3F9C];
	_ =	swait.ge [sflag:s4], $0x0  }
0x19: {  	s7 =	sld [smem:$0x3F9D]  }
0x1a: {  	s8 =	sadd.s32 $0xFFFFE003, lr  }
0x1b: {  	s9 =	sadd.s32 $0xFFFFFEF7, lr;
	s5 =	simm.s32 $0xFFFFFFFF;
	p2 =	slt.u32 s8, $0xFFFFF086  }
0x1c: {  	p1 =	slt.u32 s9, $0xF7A;
	s5 =	simm.s32 @!p2 $0x0  }
0x1d: {  	s5 =	simm.s32 @p1 $0x1;
	p0 =	seq.s32 s7, s2  }
0x1e: {  	s7 =	smul.u32 @!p0 $0xF7A, s2;
	p2 =	seq.s32 @!p0 s5, $0x0  }
0x1f: {  	s9 =	smul.u32 $0xF7A, s1;
	s8 =	simm.s32 @!p0 $0x1BF5;
	p2 =	por !p2, p0  }
0x20: {  	[sflag:s8] =	ssyncset.s32 @!p0 $0xFFFFF086;
	s6 =	sadd.s32 @!p0 s3, s7;
	s7 =	simm.s32 @!p0 $0x108  }
0x21: {  	s3 =	sadd.s32 s3, s9;
	s6 =	sadd.s32 @!p0 $0x88, s6;
	s7 =	simm.s32 @p2 $0x1082  }
0x22: {  	[simem:s7], [sflag:s8] =	dma.local @!p0 [hbm:s6], $0xF7A  }
0x23: {  	s9 =	sor.u32 $0xD0000000, s2;
	s6 =	simm.s32 $0x108;
	_ =	swait.ge @!p0 [sflag:s8], $0x0  }
0x24: {  	s3 =	sadd.s32 $0x88, s3;
	s6 =	simm.s32 @!p1 $0x1082;
	[sflag:s4] =	ssyncset.s32 $0xFFFFF086  }
0x25: {  	[simem:s6], [sflag:s4] =	dma.local [hbm:s3], $0xF7A  }
0x26: {  	[smem:$0x3F9D] =	sst s1;
	(tag) =	ssettag s2;
	_ =	strace s9  }
0x27: {  	s1 =	sld [smem:$0x3FAD]  }
0x28: {  	s2 =	sld [smem:$0x3FAE]  }
0x29: {  	s4 =	sld [smem:$0x3FB0]  }
0x2a: {  	p0 =	seq.s32 s5, $0x0;
	s5 =	sld [smem:$0x3FB1]  }
0x2b: {  	s6 =	sld [smem:$0x3FB2]  }
0x2c: {  	s7 =	sld [smem:$0x3FB3]  }
0x2d: {  	s3 =	simm.s32 $0x108;
	s8 =	sld [smem:$0x3FB4]  }
0x2e: {  	s3 =	simm.s32 @!p0 $0x1082;
	s9 =	sld [smem:$0x3FB5]  }
0x2f: {  	lr =	sadd.s32 s0, s3;
	s0 =	sld [smem:$0x3FAC]  }
0x30: {  	s3 =	sld [smem:$0x3FAF]  }
0x31: {  	[smem:$0x3FB8] =	sst s10  }
0x32: {  	s10 =	sld [smem:$0x3FB6];
	_ =	sdelay $0x3  }
0x33: {  	p0 =	seq.s32 s10, $0x1;
	s10 =	sld [smem:$0x3FB8];
	_ =	sdelay $0x3  }
0x34: {  	[smem:$0x3FB8] =	sst s10  }
0x35: {  	s10 =	sld [smem:$0x3FB7];
	_ =	sdelay $0x3  }
0x36: {  	p1 =	seq.s32 s10, $0x1;
	s10 =	sld [smem:$0x3FB8];
	_ =	sdelay $0x3  }
0x37: {  	[smem:$0x3FB8] =	sst s10  }
0x38: {  	s10 =	sld [smem:$0x3FB9]  }
0x39: {  	_ = 	snop;
	(pc) =	sbr.ind lr, $3  }
0x3a: {  	_ = 	snop  }
0x3b: {  	_ = 	snop  }
0x3c: {  	p2 =	seq.s32 s10, $0x1;
	s10 =	sld [smem:$0x3FB8]  }
0x3d: {  	_ =	shalt  }
0x3e: {  	_ =	shalt  }
0x3f: {  	_ =	shalt  }
0x40: {  	_ =	shalt  }
0x41: {  	_ =	shalt  }
0x42: {  	_ =	shalt  }
0x43: {  	_ =	shalt  }
0x44: {  	_ =	shalt  }
0x45: {  	_ =	shalt  }
0x46: {  	_ =	shalt  }
0x47: {  	_ =	shalt  }
0x48: {  	_ =	shalt  }
0x49: {  	_ =	shalt  }
0x4a: {  	_ =	shalt  }
0x4b: {  	_ =	shalt  }
0x4c: {  	_ =	shalt  }
0x4d: {  	_ =	shalt  }
0x4e: {  	_ =	shalt  }
0x4f: {  	_ =	shalt  }
0x50: {  	_ =	shalt  }
0x51: {  	_ =	shalt  }
0x52: {  	_ =	shalt  }
0x53: {  	_ =	shalt  }
0x54: {  	_ =	shalt  }
0x55: {  	_ =	shalt  }
0x56: {  	_ =	shalt  }
0x57: {  	_ =	shalt  }
0x58: {  	_ =	shalt  }
0x59: {  	_ =	shalt  }
0x5a: {  	_ =	shalt  }
0x5b: {  	_ =	shalt  }
0x5c: {  	_ =	shalt  }
0x5d: {  	_ =	shalt  }
0x5e: {  	_ =	shalt  }
0x5f: {  	_ =	shalt  }
0x60: {  	_ =	shalt  }
0x61: {  	_ =	shalt  }
0x62: {  	_ =	shalt  }
0x63: {  	_ =	shalt  }
0x64: {  	_ =	shalt  }
0x65: {  	_ =	shalt  }
0x66: {  	_ =	shalt  }
0x67: {  	_ =	shalt  }
0x68: {  	_ =	shalt  }
0x69: {  	_ =	shalt  }
0x6a: {  	_ =	shalt  }
0x6b: {  	_ =	shalt  }
0x6c: {  	_ =	shalt  }
0x6d: {  	_ =	shalt  }
0x6e: {  	_ =	shalt  }
0x6f: {  	_ =	shalt  }
0x70: {  	_ =	shalt  }
0x71: {  	_ =	shalt  }
0x72: {  	_ =	shalt  }
0x73: {  	_ =	shalt  }
0x74: {  	_ =	shalt  }
0x75: {  	_ =	shalt  }
0x76: {  	_ =	shalt  }
0x77: {  	_ =	shalt  }
0x78: {  	_ =	shalt  }
0x79: {  	_ =	shalt  }
0x7a: {  	_ =	shalt  }
0x7b: {  	_ =	shalt  }
0x7c: {  	_ =	shalt  }
0x7d: {  	_ =	shalt  }
0x7e: {  	_ =	shalt  }
0x7f: {  	_ =	shalt  }
0x80: {  	_ =	shalt  }
0x81: {  	_ =	shalt  }
0x82: {  	_ =	shalt  }
0x83: {  	_ =	shalt  }
0x84: {  	_ =	shalt  }
0x85: {  	_ =	shalt  }
0x86: {  	_ =	shalt  }
0x87: {  	_ =	shalt  }
.Lfunc_end0:
.L_simem_size_0:
called_computation_lowered:
.L_overlay_start_0:
0x88: {  	s2 =	sld [smem:$0x3FD9]  }
0x89: {  	s3 =	sld [smem:$0x3FFE];
	_ =	sdelay $0x1  }
0x8a: {  	s1 =	srdreg.scid  }
0x8b: {  	s0 =	sand.u32 $0x1, s1  }
0x8c: {  	s17 =	sshll.u32 s0, $0xA;
	s2 =	sadd.s32 s3, s2  }
0x8d: {  	s2 =	sadd.s32 s2, s17  }
0x8e: {  	[smem:$0x3FC4] =	sst s2  }
0x8f: {  	_ = 	snop  }
0x90: {  	s2 =	sld [smem:$0x3FD0];
	(tm) =	ssettm $0x1  }
0x91: {  	s18 =	sld [smem:$0x3FFB];
	_ =	sdelay $0x3  }
0x92: {  	_ =	strace s18  }
0x93: {  	s3 =	sld [smem:$0x3FFC];
	_ =	sdelay $0x3  }
0x94: {  	_ =	strace s3  }
0x95: {  	s3 =	sld [smem:$0x3FFD];
	_ =	sdelay $0x3  }
0x96: {  	_ =	strace s3  }
0x97: {  	_ =	strace $0x8FFFFFFF  }
0x98: {  	s19 =	sld [smem:$0x3FDB];
	_ =	sdelay $0x1  }
0x99: {  	s4 =	simm.s32 $_scs_section_size  }
0x9a: {  	s5 =	simm.s32 $_size__tile_overlayer_lowered;
	s6 =	simm.s32 $_tile_overlayer_lowered  }
0x9b: {  	s22 =	simm.s32 $0x1BFF;
	s21 =	sshll.u32 s6, $0x1;
	s3 =	sadd.s32 s4, s19  }
0x9c: {  	s7 =	simm.s32 $0x0;
	s20 =	sshll.u32 s5, $0x1;
	s5 =	sadd.s32 s21, s3  }
0x9d: {  	[timem:s7], [sflag:s22] =	dma.local [hbm:s5], s20  }
0x9e: {  	_ =	swait.ge [sflag:s22], s20  }
0x9f: {  	s4 =	ssub.s32 $0x0, s20;
	[sflag:s22] =	ssyncset.done $0x0  }
0xa0: {  	[sflag:s22] =	ssyncadd.s32 s4;
	_ =	sdelay $0x1  }
0xa1: {  	s23 =	simm.s32 $0x1B8B  }
0xa2: {  	_ =	swait.ge [sflag:s23], $0x1  }
0xa3: {  	[sflag:s23] =	ssyncset.done $0x0  }
0xa4: {  	s25 =	simm.s32 $0x1B8E;
	s24 =	sld [smem:$0x3FFE];
	[sflag:s23] =	ssyncadd.s32 $0xFFFFFFFF  }
0xa5: {  	s26 =	simm.s32 $execute0_lowered;
	[smem:$0x3FD2] =	sst s25  }
0xa6: {  	s5 =	sshll.u32 s26, $0x1;
	_ =	strace $0x80000046;
	[dreg:$0x1] =	wrdreg $0xFFFFFFFF  }
0xa7: {  	s28 =	simm.s32 $_size_execute0_lowered;
	s3 =	sadd.s32 s3, s5;
	[dreg:$0x0] =	wrdreg $0x0  }
0xa8: {  	s5 =	sshll.u32 s28, $0x1;
	[dreg:$0x2] =	wrdreg s3  }
0xa9: {  	[dreg:$0x3] =	wrdreg s5  }
0xaa: {  	[dreg:$0x4] =	wrdreg $0xC0  }
0xab: {  	_ =	task [dreg:s7], $0x5FFFF  }
0xac: {  	[dreg:$0x1] =	wrdreg $0xFFFFFFFF  }
0xad: {  	[dreg:$0x0] =	wrdreg $0x60  }
0xae: {  	[dreg:$0x2] =	wrdreg s2  }
0xaf: {  	[dreg:$0x3] =	wrdreg s24  }
0xb0: {  	[dreg:$0x4] =	wrdreg $0xA  }
0xb1: {  	_ =	task.clear_ibuf [dreg:s7], $0x5FFFF;
	_ =	strace $0x90000046  }
0xb2: {  	s29 =	simm.s32 $0xA;
	_ =	strace $0x80000048  }
0xb3: {  	_ =	swait.ge [sflag:s29], $0x1  }
0xb4: {  	[sflag:s29] =	ssyncadd.s32 $0xFFFFFFFF  }
0xb5: {  	_ =	strace $0x90000048  }
0xb6: {  	_ =	sfence  }
0xb7: {  	s30 =	sld [smem:$0x0];
	_ =	sdelay $0x2  }
0xb8: {  	s31 =	sshll.u32 s1, $0xD;
	s1 =	sshrl.u32 s1, $0x2  }
0xb9: {  	s3 =	sand.u32 $0x4000, s31;
	s1 =	sadd.s32 s1, s30  }
0xba: {  	s0 =	sor.u32 s3, s0;
	s1 =	sshll.u32 s1, $0x11  }
0xbb: {  	s0 =	sor.u32 s1, s0  }
0xbc: {  	s0 =	sadd.s32 $0x8F2B, s0  }
0xbd: {  	[sflag:s0] =	ssyncadd.remote.s32 $0x1  }
0xbe: {  	_ =	sfence.sel $0xFFFF  }
0xbf: {  	[dreg:$0x0] =	wrdreg $0xFFFFFFFF;
	(pc) =	sbr.abs _section_cstart, $3  }
0xc0: {  	[dreg:$0x1] =	wrdreg $0xFFFFFFFF  }
0xc1: {  	_ =	task.clear_ibuf [dreg:s7], $0x2FFFF;
	_ =	strace $0x9FFFFFFF  }
0xc2: {  	(tm) =	ssettm $0x7FFFFFFF  }
0xc3: {  	_ =	shalt  }
tec
execute0_lowered:
.L_overlay_start_1:
0x0: {  	(tag) =	ssettag $0x1  }
0x1: {  	s0 =	srdreg.scid;
	s4 =	rddreg [dreg:$0x0]  }
0x2: {  	s5 =	rddreg [dreg:$0x1];
	s3 =	sand.u32 $0x1, s0  }
0x3: {  	s2 =	simm.s32 $0x0;
	s0 =	stileid.u32;
	s1 =	sshll.u32 s3, $0x4  }
0x4: {  	s9 =	simm.s32 $0x80;
	s10 =	simm.s32 $0x400;
	s6 =	sor.u32 s0, s1  }
0x5: {  	s11 =	simm.s32 $0x0;
	[smem:$0x7FF] =	sst s2;
	s7 =	sshrl.u32 s6, $0x3  }
0x6: {  	s8 =	sshll.u32 s0, $0x7;
	s30 =	ssub.s32 $0x2, s3;
	s7 =	smul.u32 $0x14000, s7  }
0x7: {  	s3 =	sadd.s32 $0x2000, s5;
	s8 =	sand.u32 $0x380, s8;
	s6 =	smul.u32 $0x4E2, s6  }
0x8: {  	s1 =	rddreg [dreg:$0x2];
	_ =	strace $0x80000047;
	s7 =	sor.u32 s8, s7  }
0x9: {  	s31 =	sshrl.u32 s30, $0x1;
	s4 =	sadd.s32 s4, s6;
	s7 =	sshrl.u32 s7, $0x3  }
0xa: {  	s8 =	simm.s32 $0x2780;
	s5 =	sadd.s32 s7, s5;
	s7 =	ssub.s32 s30, s31  }
0xb: {  	v0 =	vimm.s32 $0x1;
	s5 =	sadd.s32 $0x2600, s5;
	s6 =	smax.u32 s7, $0x1;
	s7 =	simm.s32 $0x1  }
.LBB2_1:
0xc: {  	[tilespmem:s2], [sflag:$0x1] =	stream.linear.gather [hbm4b:s4+s2], $0x2710, $0x38;
	[tilespmem:$0x4F80] =	vst v63  }
0xd: {  	_ =	swait.ge [sflag:s7], $0x2710  }
0xe: {  	[sflag:s7] =	ssyncset.done $0x0  }
0xf: {  	[sflag:s7] =	ssyncadd.s32 $0xFFFFD8F0  }
0x10: {  	[tilespmem:s8], [sflag:$0x1] =	stream.linear.gather [hbm4b:s3+s2], $0x2800, $0x38;
	[tilespmem:$0x4F80] =	vst v63  }
0x11: {  	_ =	swait.ge [sflag:s7], $0x2800  }
0x12: {  	[sflag:s7] =	ssyncset.done $0x0  }
0x13: {  	s12 =	simm.s32 $0x0;
	[sflag:s7] =	ssyncadd.s32 $0xFFFFD800  }
.LBB2_2:
0x14: {  	s13 =	sshra.s32 s12, $0x2  }
0x15: {  	v1 =	vld [tilespmem:s13+$0x0];
	_ =	sdelay $0x7  }
0x16: {  	[tilespmem:v1+s8+$0x0] =	vst.idx.add.s32.msk $0xffff, v0  }
0x17: {  	v1 =	vld [tilespmem:s13+$0x10];
	_ =	sdelay $0x7  }
0x18: {  	[tilespmem:v1+s8+$0x0] =	vst.idx.add.s32.msk $0xffff, v0  }
0x19: {  	v1 =	vld [tilespmem:s13+$0x20];
	_ =	sdelay $0x7  }
0x1a: {  	[tilespmem:v1+s8+$0x0] =	vst.idx.add.s32.msk $0xffff, v0  }
0x1b: {  	v1 =	vld [tilespmem:s13+$0x30];
	_ =	sdelay $0x7  }
0x1c: {  	[tilespmem:v1+s8+$0x0] =	vst.idx.add.s32.msk $0xffff, v0  }
0x1d: {  	v1 =	vld [tilespmem:s13+$0x40];
	_ =	sdelay $0x2  }
0x1e: {  	p0 =	sne.s32 s12, $0x9B00  }
.Ltmp0:
0x1f: {  	_ = 	snop;
	(pc) =	sbr.rel @p0 .LBB2_2-.Ltmp0, $2  }
0x20: {  	_ =	sdelay $0x2  }
0x21: {  	s12 =	sadd.s32 $0x140, s12;
	[tilespmem:v1+s8+$0x0] =	vst.idx.add.s32.msk $0xffff, v0  }
0x22: {  	s11 =	sadd.s32 $0x1, s11  }
0x23: {  	p0 =	sne.s32 s11, s6  }
.Ltmp1:
0x24: {  	_ = 	snop;
	(pc) =	sbr.rel @p0 .LBB2_1-.Ltmp1, $4  }
0x25: {  	[hbm4b:s5+s9] =	stream.strided.scatter [tilespmem:s8], [sflag:$0x1], $0x2800, s10, s9, $0x38;
	[tilespmem:$0x4F80] =	vst v63  }
0x26: {  	_ =	swait.ge [sflag:s7], $0x2800  }
0x27: {  	[sflag:s7] =	ssyncset.done $0x0  }
0x28: {  	[sflag:s7] =	ssyncadd.s32 $0xFFFFD800  }
0x29: {  	_ =	sfence.sel $0x180000  }
0x2a: {  	[bflag:$0x0] =	sbarrier.arrive $0xFFFF  }
0x2b: {  	p0 =	sne.s32 s0, $0x0;
	_ =	strace $0x90000047  }
0x2c: {  	s0 =	sadd.s32 @!p0 $0x100000, s1;
	[bflag:$0x2] =	sbarrier.arrive $0xFFFF  }
0x2d: {  	[sflag:s0] =	ssyncadd.tile.s32 @!p0 $0x1;
	_ =	shalt  }
.Lfunc_end2:
_tile_overlayer_lowered:
.L_overlay_start_2:
0x2e: {  	(tag) =	ssettag $0x2  }
0x2f: {  	s0 =	rddreg [dreg:$0x0];
	s2 =	stileid.u32  }
0x30: {  	s1 =	rddreg [dreg:$0x1];
	p0 =	sne.s32 s2, $0x0  }
0x31: {  	s3 =	rddreg [dreg:$0x2];
	[bflag:$0x3] =	sbarrier.arrive $0xFFFF;
	s2 =	simm.s32 @!p0 $0x1C01  }
0x32: {  	[timem:s3], [sflag:s2] =	dma.local @!p0 [hbm:s0], s1  }
0x33: {  	s0 =	simm.s32 @!p0 $0x1  }
0x34: {  	_ =	swait.ge @!p0 [sflag:s0], s1  }
0x35: {  	s1 =	ssub.s32 @!p0 $0x0, s1;
	[sflag:s0] =	ssyncset.done @!p0 $0x0  }
0x36: {  	[sflag:s0] =	ssyncadd.s32 @!p0 s1  }
0x37: {  	[bflag:$0x3] =	sbarrier.arrive $0xFFFF  }
0x38: {  	_ =	shalt  }

</sc_bundles>
